<compile_context>
chip_gen: v7x
topology: tpu7x:2x2x1
jax: 0.10.2.dev20260603
libtpu: 0.0.44.dev20260713+nightly
codegen_flags: <defaults>
</compile_context>

<pallas_src>
import functools

import jax
import jax.numpy as jnp
from jax import lax
from jax.experimental import pallas as pl
from jax.experimental.pallas import tpu as pltpu
from jax.experimental.pallas import tpu_sc as plsc

N_TAG = 1000
N_VID = 16384
D = 768
E = 50000
FLAT = N_TAG * N_VID

NC = 2
NS = 16
L = 16

CH = 3136
NVREG = CH // L
ROWS_PER_SC = N_TAG // NC
R = 77
NPASS = -(-ROWS_PER_SC // R)
SLICE = R * N_VID
SHARE = SLICE // NS
SINK_PAD = 128
HUGE = 0x7FFFFFF0

_mesh = plsc.VectorSubcoreMesh(
    core_axis_name="c", subcore_axis_name="s", num_cores=NC, num_subcores=NS
)


def _make_sc_counts(nlists):

    @functools.partial(
        pl.kernel,
        out_type=jax.ShapeDtypeStruct((FLAT,), jnp.float32),
        mesh=_mesh,
        scratch_types=[
            pltpu.VMEM((CH,), jnp.int32),
            pltpu.VMEM((CH,), jnp.int32),
        ] + [pltpu.VMEM((CH,), jnp.int32)] * nlists
          + [pltpu.VMEM((nlists * CH,), jnp.int32)] * 2
          + [
            pltpu.VMEM((nlists * CH,), jnp.float32),
            pltpu.VMEM((SHARE // 4,), jnp.float32),
            pltpu.VMEM_SHARED((SLICE + SINK_PAD,), jnp.float32),
            pltpu.SemaphoreType.DMA,
        ],
    )
    def sc_counts(*args):
        idx_hbm = args[:2 * nlists]
        out = args[2 * nlists]
        tbuf, vbuf = args[2 * nlists + 1:2 * nlists + 3]
        lbufs = args[2 * nlists + 3:2 * nlists + 3 + nlists]
        ibuf0, ibuf1 = args[2 * nlists + 3 + nlists:2 * nlists + 5 + nlists]
        ones, zeros, acc, osem = args[2 * nlists + 5 + nlists:]

        c = lax.axis_index("c")
        s = lax.axis_index("s")
        base = jnp.minimum(s * CH, E - CH)
        lane = lax.iota(jnp.int32, L)

        def build(t_hbm, v_hbm, lbuf):
            pltpu.sync_copy(t_hbm.at[pl.ds(base, CH)], tbuf)
            pltpu.sync_copy(v_hbm.at[pl.ds(base, CH)], vbuf)

            def body(j, _):
                t = tbuf[pl.ds(j * L, L)]
                v = vbuf[pl.ds(j * L, L)]
                flat = t * N_VID + v
                gpos = base + j * L + lane
                mine = gpos >= s * CH
                lbuf[pl.ds(j * L, L)] = jnp.where(mine, flat, HUGE)
                return 0

            lax.fori_loop(0, NVREG, body, 0)

        for i in range(nlists):
            build(idx_hbm[2 * i], idx_hbm[2 * i + 1], lbufs[i])

        def fill(j, _):
            ones[pl.ds(j * L, L)] = jnp.full((L,), 1.0, jnp.float32)
            return 0

        lax.fori_loop(0, nlists * NVREG, fill, 0)

        def fillz(j, _):
            zeros[pl.ds(j * L, L)] = jnp.zeros((L,), jnp.float32)
            return 0

        lax.fori_loop(0, SHARE // 4 // L, fillz, 0)

        def zinit(k, _):
            pltpu.sync_copy(zeros, acc.at[pl.ds(s * SHARE + k * (SHARE // 4),
                                                SHARE // 4)])
            return 0

        lax.fori_loop(0, 4, zinit, 0)
        plsc.subcore_barrier()

        def mk_idx(lbuf, ibuf, dst, lo):
            def body(j, _):
                u = lbuf[pl.ds(j * L, L)] - lo
                inr = (u >= 0) & (u < SLICE)
                sink = SLICE + ((j & 7) * L) + lane
                ibuf[pl.ds(dst + j * L, L)] = jnp.where(inr, u, sink)
                return 0

            lax.fori_loop(0, NVREG, body, 0)

        def mk_all(ibuf, lo):
            for i, lbuf in enumerate(lbufs):
                mk_idx(lbuf, ibuf, i * CH, lo)

        def lo_of(p):
            return (c * ROWS_PER_SC + min(p * R, ROWS_PER_SC - R)) * N_VID

        sets = (ibuf0, ibuf1)
        off = s * SHARE

        mk_all(sets[0], lo_of(0))
        for p in range(NPASS):
            cur = sets[p % 2]
            pltpu.sync_copy(ones, acc.at[cur], add=True)
            plsc.subcore_barrier()

            cp = pltpu.async_copy(acc.at[pl.ds(off, SHARE)],
                                  out.at[pl.ds(lo_of(p) + off, SHARE)],
                                  osem)
            if p < NPASS - 1:
                mk_all(sets[(p + 1) % 2], lo_of(p + 1))
            cp.wait()
            plsc.subcore_barrier()

            if p < NPASS - 1:
                pltpu.sync_copy(zeros.at[pl.ds(0, nlists * CH)], acc.at[cur])
                plsc.subcore_barrier()

    return sc_counts


_sc_counts_all = _make_sc_counts(2)
_sc_counts_pos = _make_sc_counts(1)


BT = 200
BV = 2048


def _tc_body(a_ref, b_ref, cnt_ref, o_ref):
    s = lax.dot_general(
        a_ref[...], b_ref[...],
        dimension_numbers=(((1,), (1,)), ((), ())),
        preferred_element_type=jnp.float32,
    )
    o_ref[...] = s * cnt_ref[...]


def _tc_score(h_tag, h_vid, counts):
    return pl.pallas_call(
        _tc_body,
        grid=(N_TAG // BT, N_VID // BV),
        in_specs=[
            pl.BlockSpec((BT, D), lambda i, j: (i, 0)),
            pl.BlockSpec((BV, D), lambda i, j: (j, 0)),
            pl.BlockSpec((BT, BV), lambda i, j: (i, j)),
        ],
        out_specs=pl.BlockSpec((BT, BV), lambda i, j: (i, j)),
        out_shape=jax.ShapeDtypeStruct((N_TAG, N_VID), jnp.float32),
    )(h_tag, h_vid, counts)


def kernel(h_tag, h_vid, pos_tag_idx, pos_vid_idx, neg_tag_idx, neg_vid_idx):
    counts_all = _sc_counts_all(
        pos_tag_idx, pos_vid_idx, neg_tag_idx, neg_vid_idx
    ).reshape(N_TAG, N_VID)
    labels = _sc_counts_pos(pos_tag_idx, pos_vid_idx).reshape(N_TAG, N_VID)
    cls_score = _tc_score(h_tag.astype(jnp.bfloat16),
                          h_vid.astype(jnp.bfloat16), counts_all)
    return (cls_score, labels)

# --- scband reference (transcript-rebuilt; emitter-appended) ---
"""Pipeline reference for scband-our-linker-15899968930392 (READ-ONLY COPY).

The authoritative reference and input builder live on the scoring server;
editing this copy changes nothing except your own understanding.
"""

import jax, jax.numpy as jnp
import numpy as np

N_TAG = 1000
N_VID = 16384
D = 768
E = 50000

def setup_inputs(seed: int = 0) -> dict:
    key = jax.random.key(seed)
    k1, k2, k3, k4, k5, k6 = jax.random.split(key, 6)
    return {
        "h_tag": jax.random.normal(k1, (N_TAG, D), dtype=jnp.float32),
        "h_vid": jax.random.normal(k2, (N_VID, D), dtype=jnp.float32),
        "pos_tag_idx": jax.random.randint(k3, (E,), 0, N_TAG, dtype=jnp.int32),
        "pos_vid_idx": jax.random.randint(k4, (E,), 0, N_VID, dtype=jnp.int32),
        "neg_tag_idx": jax.random.randint(k5, (E,), 0, N_TAG, dtype=jnp.int32),
        "neg_vid_idx": jax.random.randint(k6, (E,), 0, N_VID, dtype=jnp.int32),
    }

def reference(h_tag, h_vid, pos_tag_idx, pos_vid_idx, neg_tag_idx, neg_vid_idx):
    # dropout_ratio = 0.0 -> dropout is identity (eval semantics)
    # hetero_dot_product_predictor: u_dot_v over tag->video edges
    pos_score = jnp.sum(jnp.take(h_tag, pos_tag_idx, axis=0) * jnp.take(h_vid, pos_vid_idx, axis=0), axis=-1)
    neg_score = jnp.sum(jnp.take(h_tag, neg_tag_idx, axis=0) * jnp.take(h_vid, neg_vid_idx, axis=0), axis=-1)
    # labels = dense adjacency of positive etype, rows=tag (src), cols=video (dst)
    labels = jnp.zeros((N_TAG, N_VID), dtype=jnp.float32).at[pos_tag_idx, pos_vid_idx].add(1.0)
    # cls_score = sparse_coo_tensor(cat(links), cat(scores)).t().to_dense() -> [N_TAG, N_VID]
    tag_all = jnp.concatenate([pos_tag_idx, neg_tag_idx])
    vid_all = jnp.concatenate([pos_vid_idx, neg_vid_idx])
    score_all = jnp.concatenate([pos_score, neg_score])
    cls_score = jnp.zeros((N_TAG, N_VID), dtype=jnp.float32).at[tag_all, vid_all].add(score_all)
    return (cls_score, labels)

if __name__ == "__main__":
    import jax
    _d = setup_inputs()
    print(jax.jit(kernel)(*tuple(_d.values())))

</pallas_src>

<mosaic_0001>
#map = affine_map<(d0, d1) -> (0)>
module attributes {stable_mosaic.version = 14 : i64} {
  func.func @sc_counts(%arg0: i32, %arg1: i32, %arg2: memref<50000xi32, #tpu.memory_space<hbm>>, %arg3: memref<50000xi32, #tpu.memory_space<hbm>>, %arg4: memref<16384000xf32, #tpu.memory_space<hbm>>, %arg5: memref<3136xi32, #tpu.memory_space<vmem>>, %arg6: memref<3136xi32, #tpu.memory_space<vmem>>, %arg7: memref<3136xi32, #tpu.memory_space<vmem>>, %arg8: memref<3136xi32, #tpu.memory_space<vmem>>, %arg9: memref<3136xi32, #tpu.memory_space<vmem>>, %arg10: memref<3136xf32, #tpu.memory_space<vmem>>, %arg11: memref<19712xf32, #tpu.memory_space<vmem>>, %arg12: memref<1261696xf32, #tpu.memory_space<vmem_shared>>, %arg13: memref<!tpu.dma_semaphore, #tpu.memory_space<semaphore_mem>>) attributes {dimension_semantics = [#tpu.dimension_semantics<core_parallel>, #tpu.dimension_semantics<subcore_parallel>], iteration_bounds = array<i64: 2, 16>, scalar_prefetch = 0 : i64, scratch_operands = 9 : i64, tpu.core_type = #tpu.core_type<sc_vector_subcore>, window_params = [{transform_indices = #map}, {transform_indices = #map}, {transform_indices = #map}]} {
    %mul3A = arith.constant 3136 : i32
    %mul3A_0 = arith.muli %arg1, %mul3A : i32
    %min3A = arith.constant 46864 : i32
    %min3A_1 = arith.minsi %mul3A_0, %min3A : i32
    %iota3A = tpu.iota {dimensions = array<i32: 0>} : vector<16xi32>
    "tpu.region"() ({
      %run_scoped3A = tpu.sem_alloc : memref<!tpu.dma_semaphore, #tpu.memory_space<semaphore_mem>>
      %dma_start3A_216 = tpu.memref_slice %arg2[%min3A_1] : memref<50000xi32, #tpu.memory_space<hbm>> -> memref<3136xi32, #tpu.memory_space<hbm>>
      %dma_start3A_217 = tpu.memref_slice %arg2[%min3A_1] : memref<50000xi32, #tpu.memory_space<hbm>> -> memref<3136xi32, #tpu.memory_space<hbm>>
      tpu.enqueue_dma source(%dma_start3A_217 : memref<3136xi32, #tpu.memory_space<hbm>>) target(%arg5 : memref<3136xi32, #tpu.memory_space<vmem>>) target_semaphore(%run_scoped3A : memref<!tpu.dma_semaphore, #tpu.memory_space<semaphore_mem>>)
      %dma_wait3A_218 = tpu.memref_slice %arg2[%min3A_1] : memref<50000xi32, #tpu.memory_space<hbm>> -> memref<3136xi32, #tpu.memory_space<hbm>>
      %dma_wait3A_219 = tpu.memref_slice %arg2[%min3A_1] : memref<50000xi32, #tpu.memory_space<hbm>> -> memref<3136xi32, #tpu.memory_space<hbm>>
      tpu.wait_dma2 semaphore(%run_scoped3A : memref<!tpu.dma_semaphore, #tpu.memory_space<semaphore_mem>>) src(%dma_wait3A_219 : memref<3136xi32, #tpu.memory_space<hbm>>) dst(%arg5 : memref<3136xi32, #tpu.memory_space<vmem>>)
      tpu.yield
    }) : () -> ()
    "tpu.region"() ({
      %run_scoped3A = tpu.sem_alloc : memref<!tpu.dma_semaphore, #tpu.memory_space<semaphore_mem>>
      %dma_start3A_216 = tpu.memref_slice %arg3[%min3A_1] : memref<50000xi32, #tpu.memory_space<hbm>> -> memref<3136xi32, #tpu.memory_space<hbm>>
      %dma_start3A_217 = tpu.memref_slice %arg3[%min3A_1] : memref<50000xi32, #tpu.memory_space<hbm>> -> memref<3136xi32, #tpu.memory_space<hbm>>
      tpu.enqueue_dma source(%dma_start3A_217 : memref<3136xi32, #tpu.memory_space<hbm>>) target(%arg6 : memref<3136xi32, #tpu.memory_space<vmem>>) target_semaphore(%run_scoped3A : memref<!tpu.dma_semaphore, #tpu.memory_space<semaphore_mem>>)
      %dma_wait3A_218 = tpu.memref_slice %arg3[%min3A_1] : memref<50000xi32, #tpu.memory_space<hbm>> -> memref<3136xi32, #tpu.memory_space<hbm>>
      %dma_wait3A_219 = tpu.memref_slice %arg3[%min3A_1] : memref<50000xi32, #tpu.memory_space<hbm>> -> memref<3136xi32, #tpu.memory_space<hbm>>
      tpu.wait_dma2 semaphore(%run_scoped3A : memref<!tpu.dma_semaphore, #tpu.memory_space<semaphore_mem>>) src(%dma_wait3A_219 : memref<3136xi32, #tpu.memory_space<hbm>>) dst(%arg6 : memref<3136xi32, #tpu.memory_space<vmem>>)
      tpu.yield
    }) : () -> ()
    %scan3A = arith.constant 0 : i32
    %scan3A_2 = arith.constant 0 : i32
    %scan3A_3 = arith.constant 196 : i32
    %scan3A_4 = arith.addi %scan3A_2, %scan3A_3 : i32
    %scan3A_5 = arith.constant 1 : i32
    %scan3A_6 = scf.for %scan3A_216 = %scan3A_2 to %scan3A_4 step %scan3A_5 iter_args(%scan3A_217 = %scan3A) -> (i32)  : i32 {
      %mul3A_218 = arith.constant 16 : i32
      %mul3A_219 = arith.muli %scan3A_216, %mul3A_218 : i32
      %get3A = arith.index_cast %mul3A_219 : i32 to index
      %get3A_220 = tpu.vector_load %arg5[%get3A] {strides = array<i32>} : memref<3136xi32, #tpu.memory_space<vmem>>, vector<16xi32>,
      %get3A_221 = vector.shape_cast %get3A_220 : vector<16xi32> to vector<16xi32>
      %mul3A_222 = arith.constant 16 : i32
      %mul3A_223 = arith.muli %scan3A_216, %mul3A_222 : i32
      %get3A_224 = arith.index_cast %mul3A_223 : i32 to index
      %get3A_225 = tpu.vector_load %arg6[%get3A_224] {strides = array<i32>} : memref<3136xi32, #tpu.memory_space<vmem>>, vector<16xi32>,
      %get3A_226 = vector.shape_cast %get3A_225 : vector<16xi32> to vector<16xi32>
      %mul3A_227 = arith.constant 16384 : i32
      %mul3A_228 = vector.broadcast %mul3A_227 : i32 to vector<16xi32>
      %mul3A_229 = arith.muli %get3A_221, %mul3A_228 : vector<16xi32>
      %add3A_230 = arith.addi %mul3A_229, %get3A_226 : vector<16xi32>
      %mul3A_231 = arith.constant 16 : i32
      %mul3A_232 = arith.muli %scan3A_216, %mul3A_231 : i32
      %add3A_233 = arith.addi %min3A_1, %mul3A_232 : i32
      %add3A_234 = vector.broadcast %add3A_233 : i32 to vector<16xi32>
      %add3A_235 = arith.addi %add3A_234, %iota3A : vector<16xi32>
      %mul3A_236 = arith.constant 3136 : i32
      %mul3A_237 = arith.muli %arg1, %mul3A_236 : i32
      %ge3A = vector.broadcast %mul3A_237 : i32 to vector<16xi32>
      %ge3A_238 = arith.cmpi sge, %add3A_235, %ge3A : vector<16xi32>
      %jit3A = arith.constant 2147483632 : i32
      %broadcast_in_dim3A = vector.broadcast %jit3A : i32 to vector<16xi32>
      %select_n3A = arith.select %ge3A_238, %add3A_230, %broadcast_in_dim3A : vector<16xi1>, vector<16xi32>
      %mul3A_239 = arith.constant 16 : i32
      %mul3A_240 = arith.muli %scan3A_216, %mul3A_239 : i32
      %swap3A = arith.index_cast %mul3A_240 : i32 to index
      %swap3A_241 = tpu.vector_load %arg7[%swap3A] {strides = array<i32>} : memref<3136xi32, #tpu.memory_space<vmem>>, vector<16xi32>,
      %swap3A_242 = vector.shape_cast %swap3A_241 : vector<16xi32> to vector<16xi32>
      %swap3A_243 = vector.shape_cast %select_n3A : vector<16xi32> to vector<16xi32>
      tpu.vector_store %arg7[%swap3A], %swap3A_243 {strides = array<i32>} : memref<3136xi32, #tpu.memory_space<vmem>>, vector<16xi32>,
      %scan3A_244 = arith.constant 0 : i32
      scf.yield %scan3A_244 : i32
    }
    %scan3A_7 = arith.constant 196 : i32
    %scan3A_8 = arith.constant 0 : i32
    %scan3A_9 = arith.constant 0 : i32
    %scan3A_10 = arith.constant 196 : i32
    %scan3A_11 = arith.addi %scan3A_9, %scan3A_10 : i32
    %scan3A_12 = arith.constant 1 : i32
    %scan3A_13 = scf.for %scan3A_216 = %scan3A_9 to %scan3A_11 step %scan3A_12 iter_args(%scan3A_217 = %scan3A_8) -> (i32)  : i32 {
      %broadcast_in_dim3A = arith.constant 1.000000e+00 : f32
      %broadcast_in_dim3A_218 = vector.broadcast %broadcast_in_dim3A : f32 to vector<16xf32>
      %mul3A_219 = arith.constant 16 : i32
      %mul3A_220 = arith.muli %scan3A_216, %mul3A_219 : i32
      %swap3A = arith.index_cast %mul3A_220 : i32 to index
      %swap3A_221 = tpu.vector_load %arg10[%swap3A] {strides = array<i32>} : memref<3136xf32, #tpu.memory_space<vmem>>, vector<16xf32>,
      %swap3A_222 = vector.shape_cast %swap3A_221 : vector<16xf32> to vector<16xf32>
      %swap3A_223 = vector.shape_cast %broadcast_in_dim3A_218 : vector<16xf32> to vector<16xf32>
      tpu.vector_store %arg10[%swap3A], %swap3A_223 {strides = array<i32>} : memref<3136xf32, #tpu.memory_space<vmem>>, vector<16xf32>,
      %scan3A_224 = arith.constant 0 : i32
      scf.yield %scan3A_224 : i32
    }
    %scan3A_14 = arith.constant 196 : i32
    %scan3A_15 = arith.constant 0 : i32
    %scan3A_16 = arith.constant 0 : i32
    %scan3A_17 = arith.constant 1232 : i32
    %scan3A_18 = arith.addi %scan3A_16, %scan3A_17 : i32
    %scan3A_19 = arith.constant 1 : i32
    %scan3A_20 = scf.for %scan3A_216 = %scan3A_16 to %scan3A_18 step %scan3A_19 iter_args(%scan3A_217 = %scan3A_15) -> (i32)  : i32 {
      %broadcast_in_dim3A = arith.constant 0.000000e+00 : f32
      %broadcast_in_dim3A_218 = vector.broadcast %broadcast_in_dim3A : f32 to vector<16xf32>
      %mul3A_219 = arith.constant 16 : i32
      %mul3A_220 = arith.muli %scan3A_216, %mul3A_219 : i32
      %swap3A = arith.index_cast %mul3A_220 : i32 to index
      %swap3A_221 = tpu.vector_load %arg11[%swap3A] {strides = array<i32>} : memref<19712xf32, #tpu.memory_space<vmem>>, vector<16xf32>,
      %swap3A_222 = vector.shape_cast %swap3A_221 : vector<16xf32> to vector<16xf32>
      %swap3A_223 = vector.shape_cast %broadcast_in_dim3A_218 : vector<16xf32> to vector<16xf32>
      tpu.vector_store %arg11[%swap3A], %swap3A_223 {strides = array<i32>} : memref<19712xf32, #tpu.memory_space<vmem>>, vector<16xf32>,
      %scan3A_224 = arith.constant 0 : i32
      scf.yield %scan3A_224 : i32
    }
    %scan3A_21 = arith.constant 1232 : i32
    %scan3A_22 = arith.constant 0 : i32
    %scan3A_23 = arith.constant 0 : i32
    %scan3A_24 = arith.constant 4 : i32
    %scan3A_25 = arith.addi %scan3A_23, %scan3A_24 : i32
    %scan3A_26 = arith.constant 1 : i32
    %scan3A_27 = scf.for %scan3A_216 = %scan3A_23 to %scan3A_25 step %scan3A_26 iter_args(%scan3A_217 = %scan3A_22) -> (i32)  : i32 {
      %mul3A_218 = arith.constant 78848 : i32
      %mul3A_219 = arith.muli %arg1, %mul3A_218 : i32
      %mul3A_220 = arith.constant 19712 : i32
      %mul3A_221 = arith.muli %scan3A_216, %mul3A_220 : i32
      %add3A_222 = arith.addi %mul3A_219, %mul3A_221 : i32
      "tpu.region"() ({
        %run_scoped3A = tpu.sem_alloc : memref<!tpu.dma_semaphore, #tpu.memory_space<semaphore_mem>>
        %dma_start3A_224 = tpu.memref_slice %arg12[%add3A_222] : memref<1261696xf32, #tpu.memory_space<vmem_shared>> -> memref<19712xf32, #tpu.memory_space<vmem_shared>>
        %dma_start3A_225 = tpu.memref_slice %arg12[%add3A_222] : memref<1261696xf32, #tpu.memory_space<vmem_shared>> -> memref<19712xf32, #tpu.memory_space<vmem_shared>>
        tpu.enqueue_dma source(%arg11 : memref<19712xf32, #tpu.memory_space<vmem>>) target(%dma_start3A_225 : memref<19712xf32, #tpu.memory_space<vmem_shared>>) target_semaphore(%run_scoped3A : memref<!tpu.dma_semaphore, #tpu.memory_space<semaphore_mem>>)
        %dma_wait3A_226 = tpu.memref_slice %arg12[%add3A_222] : memref<1261696xf32, #tpu.memory_space<vmem_shared>> -> memref<19712xf32, #tpu.memory_space<vmem_shared>>
        %dma_wait3A_227 = tpu.memref_slice %arg12[%add3A_222] : memref<1261696xf32, #tpu.memory_space<vmem_shared>> -> memref<19712xf32, #tpu.memory_space<vmem_shared>>
        tpu.wait_dma2 semaphore(%run_scoped3A : memref<!tpu.dma_semaphore, #tpu.memory_space<semaphore_mem>>) src(%arg11 : memref<19712xf32, #tpu.memory_space<vmem>>) dst(%dma_wait3A_227 : memref<19712xf32, #tpu.memory_space<vmem_shared>>)
        tpu.yield
      }) : () -> ()
      %scan3A_223 = arith.constant 0 : i32
      scf.yield %scan3A_223 : i32
    }
    %scan3A_28 = arith.constant 4 : i32
    %barrier3A = arith.constant 0 : index
    tpu.barrier barrier_id(%barrier3A)
    %mul3A_29 = arith.constant 78848 : i32
    %mul3A_30 = arith.muli %arg1, %mul3A_29 : i32
    %mul3A_31 = arith.constant 500 : i32
    %mul3A_32 = arith.muli %arg0, %mul3A_31 : i32
    %add3A = arith.constant 0 : i32
    %add3A_33 = arith.addi %mul3A_32, %add3A : i32
    %mul3A_34 = arith.constant 16384 : i32
    %mul3A_35 = arith.muli %add3A_33, %mul3A_34 : i32
    %scan3A_36 = arith.constant 0 : i32
    %scan3A_37 = arith.constant 0 : i32
    %scan3A_38 = arith.constant 196 : i32
    %scan3A_39 = arith.addi %scan3A_37, %scan3A_38 : i32
    %scan3A_40 = arith.constant 1 : i32
    %scan3A_41 = scf.for %scan3A_216 = %scan3A_37 to %scan3A_39 step %scan3A_40 iter_args(%scan3A_217 = %scan3A_36) -> (i32)  : i32 {
      %mul3A_218 = arith.constant 16 : i32
      %mul3A_219 = arith.muli %scan3A_216, %mul3A_218 : i32
      %get3A = arith.index_cast %mul3A_219 : i32 to index
      %get3A_220 = tpu.vector_load %arg7[%get3A] {strides = array<i32>} : memref<3136xi32, #tpu.memory_space<vmem>>, vector<16xi32>,
      %get3A_221 = vector.shape_cast %get3A_220 : vector<16xi32> to vector<16xi32>
      %sub3A = vector.broadcast %mul3A_35 : i32 to vector<16xi32>
      %sub3A_222 = arith.subi %get3A_221, %sub3A : vector<16xi32>
      %ge3A = arith.constant 0 : i32
      %ge3A_223 = vector.broadcast %ge3A : i32 to vector<16xi32>
      %ge3A_224 = arith.cmpi sge, %sub3A_222, %ge3A_223 : vector<16xi32>
      %lt3A = arith.constant 1261568 : i32
      %lt3A_225 = vector.broadcast %lt3A : i32 to vector<16xi32>
      %lt3A_226 = arith.cmpi slt, %sub3A_222, %lt3A_225 : vector<16xi32>
      %and3A = arith.andi %ge3A_224, %lt3A_226 : vector<16xi1>
      %and3A_227 = arith.constant 7 : i32
      %and3A_228 = arith.andi %scan3A_216, %and3A_227 : i32
      %mul3A_229 = arith.constant 16 : i32
      %mul3A_230 = arith.muli %and3A_228, %mul3A_229 : i32
      %add3A_231 = arith.constant 1261568 : i32
      %add3A_232 = arith.addi %add3A_231, %mul3A_230 : i32
      %add3A_233 = vector.broadcast %add3A_232 : i32 to vector<16xi32>
      %add3A_234 = arith.addi %add3A_233, %iota3A : vector<16xi32>
      %select_n3A = arith.select %and3A, %sub3A_222, %add3A_234 : vector<16xi1>, vector<16xi32>
      %mul3A_235 = arith.constant 16 : i32
      %mul3A_236 = arith.muli %scan3A_216, %mul3A_235 : i32
      %add3A_237 = arith.constant 0 : i32
      %add3A_238 = arith.addi %add3A_237, %mul3A_236 : i32
      %swap3A = arith.index_cast %add3A_238 : i32 to index
      %swap3A_239 = tpu.vector_load %arg8[%swap3A] {strides = array<i32>} : memref<3136xi32, #tpu.memory_space<vmem>>, vector<16xi32>,
      %swap3A_240 = vector.shape_cast %swap3A_239 : vector<16xi32> to vector<16xi32>
      %swap3A_241 = vector.shape_cast %select_n3A : vector<16xi32> to vector<16xi32>
      tpu.vector_store %arg8[%swap3A], %swap3A_241 {strides = array<i32>} : memref<3136xi32, #tpu.memory_space<vmem>>, vector<16xi32>,
      %scan3A_242 = arith.constant 0 : i32
      scf.yield %scan3A_242 : i32
    }
    %scan3A_42 = arith.constant 196 : i32
    "tpu.region"() ({
      %run_scoped3A = tpu.sem_alloc : memref<!tpu.dma_semaphore, #tpu.memory_space<semaphore_mem>>
      %dma_start3A_216 = arith.constant 0 : i32
      %dma_start3A_217 = tpu.memref_slice %arg12[%dma_start3A_216] : memref<1261696xf32, #tpu.memory_space<vmem_shared>> -> memref<1261696xf32, #tpu.memory_space<vmem_shared>>
      tpu.enqueue_indirect_dma source(%arg10 : memref<3136xf32, #tpu.memory_space<vmem>>) target(%dma_start3A_217 : memref<1261696xf32, #tpu.memory_space<vmem_shared>>) offsets(%arg8 : memref<3136xi32, #tpu.memory_space<vmem>>) semaphore(%run_scoped3A : memref<!tpu.dma_semaphore, #tpu.memory_space<semaphore_mem>>) {add = true}
      %dma_wait3A_218 = arith.constant 0 : i32
      %dma_wait3A_219 = tpu.memref_slice %arg12[%dma_wait3A_218] : memref<1261696xf32, #tpu.memory_space<vmem_shared>> -> memref<1261696xf32, #tpu.memory_space<vmem_shared>>
      tpu.wait_indirect_dma semaphore(%run_scoped3A : memref<!tpu.dma_semaphore, #tpu.memory_space<semaphore_mem>>) src(%arg10 : memref<3136xf32, #tpu.memory_space<vmem>>) dst(%dma_wait3A_219 : memref<1261696xf32, #tpu.memory_space<vmem_shared>>)
      tpu.yield
    }) : () -> ()
    %barrier3A_43 = arith.constant 0 : index
    tpu.barrier barrier_id(%barrier3A_43)
    %mul3A_44 = arith.constant 500 : i32
    %mul3A_45 = arith.muli %arg0, %mul3A_44 : i32
    %add3A_46 = arith.constant 0 : i32
    %add3A_47 = arith.addi %mul3A_45, %add3A_46 : i32
    %mul3A_48 = arith.constant 16384 : i32
    %mul3A_49 = arith.muli %add3A_47, %mul3A_48 : i32
    %add3A_50 = arith.addi %mul3A_49, %mul3A_30 : i32
    %dma_start3A = tpu.memref_slice %arg4[%add3A_50] : memref<16384000xf32, #tpu.memory_space<hbm>> -> memref<78848xf32, #tpu.memory_space<hbm>>
    %dma_start3A_51 = tpu.memref_slice %arg12[%mul3A_30] : memref<1261696xf32, #tpu.memory_space<vmem_shared>> -> memref<78848xf32, #tpu.memory_space<vmem_shared>>
    tpu.enqueue_dma source(%dma_start3A_51 : memref<78848xf32, #tpu.memory_space<vmem_shared>>) target(%dma_start3A : memref<78848xf32, #tpu.memory_space<hbm>>) target_semaphore(%arg13 : memref<!tpu.dma_semaphore, #tpu.memory_space<semaphore_mem>>)
    %mul3A_52 = arith.constant 500 : i32
    %mul3A_53 = arith.muli %arg0, %mul3A_52 : i32
    %add3A_54 = arith.constant 77 : i32
    %add3A_55 = arith.addi %mul3A_53, %add3A_54 : i32
    %mul3A_56 = arith.constant 16384 : i32
    %mul3A_57 = arith.muli %add3A_55, %mul3A_56 : i32
    %scan3A_58 = arith.constant 0 : i32
    %scan3A_59 = arith.constant 0 : i32
    %scan3A_60 = arith.constant 196 : i32
    %scan3A_61 = arith.addi %scan3A_59, %scan3A_60 : i32
    %scan3A_62 = arith.constant 1 : i32
    %scan3A_63 = scf.for %scan3A_216 = %scan3A_59 to %scan3A_61 step %scan3A_62 iter_args(%scan3A_217 = %scan3A_58) -> (i32)  : i32 {
      %mul3A_218 = arith.constant 16 : i32
      %mul3A_219 = arith.muli %scan3A_216, %mul3A_218 : i32
      %get3A = arith.index_cast %mul3A_219 : i32 to index
      %get3A_220 = tpu.vector_load %arg7[%get3A] {strides = array<i32>} : memref<3136xi32, #tpu.memory_space<vmem>>, vector<16xi32>,
      %get3A_221 = vector.shape_cast %get3A_220 : vector<16xi32> to vector<16xi32>
      %sub3A = vector.broadcast %mul3A_57 : i32 to vector<16xi32>
      %sub3A_222 = arith.subi %get3A_221, %sub3A : vector<16xi32>
      %ge3A = arith.constant 0 : i32
      %ge3A_223 = vector.broadcast %ge3A : i32 to vector<16xi32>
      %ge3A_224 = arith.cmpi sge, %sub3A_222, %ge3A_223 : vector<16xi32>
      %lt3A = arith.constant 1261568 : i32
      %lt3A_225 = vector.broadcast %lt3A : i32 to vector<16xi32>
      %lt3A_226 = arith.cmpi slt, %sub3A_222, %lt3A_225 : vector<16xi32>
      %and3A = arith.andi %ge3A_224, %lt3A_226 : vector<16xi1>
      %and3A_227 = arith.constant 7 : i32
      %and3A_228 = arith.andi %scan3A_216, %and3A_227 : i32
      %mul3A_229 = arith.constant 16 : i32
      %mul3A_230 = arith.muli %and3A_228, %mul3A_229 : i32
      %add3A_231 = arith.constant 1261568 : i32
      %add3A_232 = arith.addi %add3A_231, %mul3A_230 : i32
      %add3A_233 = vector.broadcast %add3A_232 : i32 to vector<16xi32>
      %add3A_234 = arith.addi %add3A_233, %iota3A : vector<16xi32>
      %select_n3A = arith.select %and3A, %sub3A_222, %add3A_234 : vector<16xi1>, vector<16xi32>
      %mul3A_235 = arith.constant 16 : i32
      %mul3A_236 = arith.muli %scan3A_216, %mul3A_235 : i32
      %add3A_237 = arith.constant 0 : i32
      %add3A_238 = arith.addi %add3A_237, %mul3A_236 : i32
      %swap3A = arith.index_cast %add3A_238 : i32 to index
      %swap3A_239 = tpu.vector_load %arg9[%swap3A] {strides = array<i32>} : memref<3136xi32, #tpu.memory_space<vmem>>, vector<16xi32>,
      %swap3A_240 = vector.shape_cast %swap3A_239 : vector<16xi32> to vector<16xi32>
      %swap3A_241 = vector.shape_cast %select_n3A : vector<16xi32> to vector<16xi32>
      tpu.vector_store %arg9[%swap3A], %swap3A_241 {strides = array<i32>} : memref<3136xi32, #tpu.memory_space<vmem>>, vector<16xi32>,
      %scan3A_242 = arith.constant 0 : i32
      scf.yield %scan3A_242 : i32
    }
    %scan3A_64 = arith.constant 196 : i32
    %dma_wait3A = tpu.memref_slice %arg4[%add3A_50] : memref<16384000xf32, #tpu.memory_space<hbm>> -> memref<78848xf32, #tpu.memory_space<hbm>>
    %dma_wait3A_65 = tpu.memref_slice %arg12[%mul3A_30] : memref<1261696xf32, #tpu.memory_space<vmem_shared>> -> memref<78848xf32, #tpu.memory_space<vmem_shared>>
    tpu.wait_dma2 semaphore(%arg13 : memref<!tpu.dma_semaphore, #tpu.memory_space<semaphore_mem>>) src(%dma_wait3A_65 : memref<78848xf32, #tpu.memory_space<vmem_shared>>) dst(%dma_wait3A : memref<78848xf32, #tpu.memory_space<hbm>>)
    %barrier3A_66 = arith.constant 0 : index
    tpu.barrier barrier_id(%barrier3A_66)
    "tpu.region"() ({
      %run_scoped3A = tpu.sem_alloc : memref<!tpu.dma_semaphore, #tpu.memory_space<semaphore_mem>>
      %dma_start3A_216 = arith.constant 0 : i32
      %dma_start3A_217 = tpu.memref_slice %arg11[%dma_start3A_216] : memref<19712xf32, #tpu.memory_space<vmem>> -> memref<3136xf32, #tpu.memory_space<vmem>>
      %dma_start3A_218 = arith.constant 0 : i32
      %dma_start3A_219 = tpu.memref_slice %arg12[%dma_start3A_218] : memref<1261696xf32, #tpu.memory_space<vmem_shared>> -> memref<1261696xf32, #tpu.memory_space<vmem_shared>>
      tpu.enqueue_indirect_dma source(%dma_start3A_217 : memref<3136xf32, #tpu.memory_space<vmem>>) target(%dma_start3A_219 : memref<1261696xf32, #tpu.memory_space<vmem_shared>>) offsets(%arg8 : memref<3136xi32, #tpu.memory_space<vmem>>) semaphore(%run_scoped3A : memref<!tpu.dma_semaphore, #tpu.memory_space<semaphore_mem>>)
      %dma_wait3A_220 = arith.constant 0 : i32
      %dma_wait3A_221 = tpu.memref_slice %arg11[%dma_wait3A_220] : memref<19712xf32, #tpu.memory_space<vmem>> -> memref<3136xf32, #tpu.memory_space<vmem>>
      %dma_wait3A_222 = arith.constant 0 : i32
      %dma_wait3A_223 = tpu.memref_slice %arg12[%dma_wait3A_222] : memref<1261696xf32, #tpu.memory_space<vmem_shared>> -> memref<1261696xf32, #tpu.memory_space<vmem_shared>>
      tpu.wait_indirect_dma semaphore(%run_scoped3A : memref<!tpu.dma_semaphore, #tpu.memory_space<semaphore_mem>>) src(%dma_wait3A_221 : memref<3136xf32, #tpu.memory_space<vmem>>) dst(%dma_wait3A_223 : memref<1261696xf32, #tpu.memory_space<vmem_shared>>)
      tpu.yield
    }) : () -> ()
    %barrier3A_67 = arith.constant 0 : index
    tpu.barrier barrier_id(%barrier3A_67)
    "tpu.region"() ({
      %run_scoped3A = tpu.sem_alloc : memref<!tpu.dma_semaphore, #tpu.memory_space<semaphore_mem>>
      %dma_start3A_216 = arith.constant 0 : i32
      %dma_start3A_217 = tpu.memref_slice %arg12[%dma_start3A_216] : memref<1261696xf32, #tpu.memory_space<vmem_shared>> -> memref<1261696xf32, #tpu.memory_space<vmem_shared>>
      tpu.enqueue_indirect_dma source(%arg10 : memref<3136xf32, #tpu.memory_space<vmem>>) target(%dma_start3A_217 : memref<1261696xf32, #tpu.memory_space<vmem_shared>>) offsets(%arg9 : memref<3136xi32, #tpu.memory_space<vmem>>) semaphore(%run_scoped3A : memref<!tpu.dma_semaphore, #tpu.memory_space<semaphore_mem>>) {add = true}
      %dma_wait3A_218 = arith.constant 0 : i32
      %dma_wait3A_219 = tpu.memref_slice %arg12[%dma_wait3A_218] : memref<1261696xf32, #tpu.memory_space<vmem_shared>> -> memref<1261696xf32, #tpu.memory_space<vmem_shared>>
      tpu.wait_indirect_dma semaphore(%run_scoped3A : memref<!tpu.dma_semaphore, #tpu.memory_space<semaphore_mem>>) src(%arg10 : memref<3136xf32, #tpu.memory_space<vmem>>) dst(%dma_wait3A_219 : memref<1261696xf32, #tpu.memory_space<vmem_shared>>)
      tpu.yield
    }) : () -> ()
    %barrier3A_68 = arith.constant 0 : index
    tpu.barrier barrier_id(%barrier3A_68)
    %mul3A_69 = arith.constant 500 : i32
    %mul3A_70 = arith.muli %arg0, %mul3A_69 : i32
    %add3A_71 = arith.constant 77 : i32
    %add3A_72 = arith.addi %mul3A_70, %add3A_71 : i32
    %mul3A_73 = arith.constant 16384 : i32
    %mul3A_74 = arith.muli %add3A_72, %mul3A_73 : i32
    %add3A_75 = arith.addi %mul3A_74, %mul3A_30 : i32
    %dma_start3A_76 = tpu.memref_slice %arg4[%add3A_75] : memref<16384000xf32, #tpu.memory_space<hbm>> -> memref<78848xf32, #tpu.memory_space<hbm>>
    %dma_start3A_77 = tpu.memref_slice %arg12[%mul3A_30] : memref<1261696xf32, #tpu.memory_space<vmem_shared>> -> memref<78848xf32, #tpu.memory_space<vmem_shared>>
    tpu.enqueue_dma source(%dma_start3A_77 : memref<78848xf32, #tpu.memory_space<vmem_shared>>) target(%dma_start3A_76 : memref<78848xf32, #tpu.memory_space<hbm>>) target_semaphore(%arg13 : memref<!tpu.dma_semaphore, #tpu.memory_space<semaphore_mem>>)
    %mul3A_78 = arith.constant 500 : i32
    %mul3A_79 = arith.muli %arg0, %mul3A_78 : i32
    %add3A_80 = arith.constant 154 : i32
    %add3A_81 = arith.addi %mul3A_79, %add3A_80 : i32
    %mul3A_82 = arith.constant 16384 : i32
    %mul3A_83 = arith.muli %add3A_81, %mul3A_82 : i32
    %scan3A_84 = arith.constant 0 : i32
    %scan3A_85 = arith.constant 0 : i32
    %scan3A_86 = arith.constant 196 : i32
    %scan3A_87 = arith.addi %scan3A_85, %scan3A_86 : i32
    %scan3A_88 = arith.constant 1 : i32
    %scan3A_89 = scf.for %scan3A_216 = %scan3A_85 to %scan3A_87 step %scan3A_88 iter_args(%scan3A_217 = %scan3A_84) -> (i32)  : i32 {
      %mul3A_218 = arith.constant 16 : i32
      %mul3A_219 = arith.muli %scan3A_216, %mul3A_218 : i32
      %get3A = arith.index_cast %mul3A_219 : i32 to index
      %get3A_220 = tpu.vector_load %arg7[%get3A] {strides = array<i32>} : memref<3136xi32, #tpu.memory_space<vmem>>, vector<16xi32>,
      %get3A_221 = vector.shape_cast %get3A_220 : vector<16xi32> to vector<16xi32>
      %sub3A = vector.broadcast %mul3A_83 : i32 to vector<16xi32>
      %sub3A_222 = arith.subi %get3A_221, %sub3A : vector<16xi32>
      %ge3A = arith.constant 0 : i32
      %ge3A_223 = vector.broadcast %ge3A : i32 to vector<16xi32>
      %ge3A_224 = arith.cmpi sge, %sub3A_222, %ge3A_223 : vector<16xi32>
      %lt3A = arith.constant 1261568 : i32
      %lt3A_225 = vector.broadcast %lt3A : i32 to vector<16xi32>
      %lt3A_226 = arith.cmpi slt, %sub3A_222, %lt3A_225 : vector<16xi32>
      %and3A = arith.andi %ge3A_224, %lt3A_226 : vector<16xi1>
      %and3A_227 = arith.constant 7 : i32
      %and3A_228 = arith.andi %scan3A_216, %and3A_227 : i32
      %mul3A_229 = arith.constant 16 : i32
      %mul3A_230 = arith.muli %and3A_228, %mul3A_229 : i32
      %add3A_231 = arith.constant 1261568 : i32
      %add3A_232 = arith.addi %add3A_231, %mul3A_230 : i32
      %add3A_233 = vector.broadcast %add3A_232 : i32 to vector<16xi32>
      %add3A_234 = arith.addi %add3A_233, %iota3A : vector<16xi32>
      %select_n3A = arith.select %and3A, %sub3A_222, %add3A_234 : vector<16xi1>, vector<16xi32>
      %mul3A_235 = arith.constant 16 : i32
      %mul3A_236 = arith.muli %scan3A_216, %mul3A_235 : i32
      %add3A_237 = arith.constant 0 : i32
      %add3A_238 = arith.addi %add3A_237, %mul3A_236 : i32
      %swap3A = arith.index_cast %add3A_238 : i32 to index
      %swap3A_239 = tpu.vector_load %arg8[%swap3A] {strides = array<i32>} : memref<3136xi32, #tpu.memory_space<vmem>>, vector<16xi32>,
      %swap3A_240 = vector.shape_cast %swap3A_239 : vector<16xi32> to vector<16xi32>
      %swap3A_241 = vector.shape_cast %select_n3A : vector<16xi32> to vector<16xi32>
      tpu.vector_store %arg8[%swap3A], %swap3A_241 {strides = array<i32>} : memref<3136xi32, #tpu.memory_space<vmem>>, vector<16xi32>,
      %scan3A_242 = arith.constant 0 : i32
      scf.yield %scan3A_242 : i32
    }
    %scan3A_90 = arith.constant 196 : i32
    %dma_wait3A_91 = tpu.memref_slice %arg4[%add3A_75] : memref<16384000xf32, #tpu.memory_space<hbm>> -> memref<78848xf32, #tpu.memory_space<hbm>>
    %dma_wait3A_92 = tpu.memref_slice %arg12[%mul3A_30] : memref<1261696xf32, #tpu.memory_space<vmem_shared>> -> memref<78848xf32, #tpu.memory_space<vmem_shared>>
    tpu.wait_dma2 semaphore(%arg13 : memref<!tpu.dma_semaphore, #tpu.memory_space<semaphore_mem>>) src(%dma_wait3A_92 : memref<78848xf32, #tpu.memory_space<vmem_shared>>) dst(%dma_wait3A_91 : memref<78848xf32, #tpu.memory_space<hbm>>)
    %barrier3A_93 = arith.constant 0 : index
    tpu.barrier barrier_id(%barrier3A_93)
    "tpu.region"() ({
      %run_scoped3A = tpu.sem_alloc : memref<!tpu.dma_semaphore, #tpu.memory_space<semaphore_mem>>
      %dma_start3A_216 = arith.constant 0 : i32
      %dma_start3A_217 = tpu.memref_slice %arg11[%dma_start3A_216] : memref<19712xf32, #tpu.memory_space<vmem>> -> memref<3136xf32, #tpu.memory_space<vmem>>
      %dma_start3A_218 = arith.constant 0 : i32
      %dma_start3A_219 = tpu.memref_slice %arg12[%dma_start3A_218] : memref<1261696xf32, #tpu.memory_space<vmem_shared>> -> memref<1261696xf32, #tpu.memory_space<vmem_shared>>
      tpu.enqueue_indirect_dma source(%dma_start3A_217 : memref<3136xf32, #tpu.memory_space<vmem>>) target(%dma_start3A_219 : memref<1261696xf32, #tpu.memory_space<vmem_shared>>) offsets(%arg9 : memref<3136xi32, #tpu.memory_space<vmem>>) semaphore(%run_scoped3A : memref<!tpu.dma_semaphore, #tpu.memory_space<semaphore_mem>>)
      %dma_wait3A_220 = arith.constant 0 : i32
      %dma_wait3A_221 = tpu.memref_slice %arg11[%dma_wait3A_220] : memref<19712xf32, #tpu.memory_space<vmem>> -> memref<3136xf32, #tpu.memory_space<vmem>>
      %dma_wait3A_222 = arith.constant 0 : i32
      %dma_wait3A_223 = tpu.memref_slice %arg12[%dma_wait3A_222] : memref<1261696xf32, #tpu.memory_space<vmem_shared>> -> memref<1261696xf32, #tpu.memory_space<vmem_shared>>
      tpu.wait_indirect_dma semaphore(%run_scoped3A : memref<!tpu.dma_semaphore, #tpu.memory_space<semaphore_mem>>) src(%dma_wait3A_221 : memref<3136xf32, #tpu.memory_space<vmem>>) dst(%dma_wait3A_223 : memref<1261696xf32, #tpu.memory_space<vmem_shared>>)
      tpu.yield
    }) : () -> ()
    %barrier3A_94 = arith.constant 0 : index
    tpu.barrier barrier_id(%barrier3A_94)
    "tpu.region"() ({
      %run_scoped3A = tpu.sem_alloc : memref<!tpu.dma_semaphore, #tpu.memory_space<semaphore_mem>>
      %dma_start3A_216 = arith.constant 0 : i32
      %dma_start3A_217 = tpu.memref_slice %arg12[%dma_start3A_216] : memref<1261696xf32, #tpu.memory_space<vmem_shared>> -> memref<1261696xf32, #tpu.memory_space<vmem_shared>>
      tpu.enqueue_indirect_dma source(%arg10 : memref<3136xf32, #tpu.memory_space<vmem>>) target(%dma_start3A_217 : memref<1261696xf32, #tpu.memory_space<vmem_shared>>) offsets(%arg8 : memref<3136xi32, #tpu.memory_space<vmem>>) semaphore(%run_scoped3A : memref<!tpu.dma_semaphore, #tpu.memory_space<semaphore_mem>>) {add = true}
      %dma_wait3A_218 = arith.constant 0 : i32
      %dma_wait3A_219 = tpu.memref_slice %arg12[%dma_wait3A_218] : memref<1261696xf32, #tpu.memory_space<vmem_shared>> -> memref<1261696xf32, #tpu.memory_space<vmem_shared>>
      tpu.wait_indirect_dma semaphore(%run_scoped3A : memref<!tpu.dma_semaphore, #tpu.memory_space<semaphore_mem>>) src(%arg10 : memref<3136xf32, #tpu.memory_space<vmem>>) dst(%dma_wait3A_219 : memref<1261696xf32, #tpu.memory_space<vmem_shared>>)
      tpu.yield
    }) : () -> ()
    %barrier3A_95 = arith.constant 0 : index
    tpu.barrier barrier_id(%barrier3A_95)
    %mul3A_96 = arith.constant 500 : i32
    %mul3A_97 = arith.muli %arg0, %mul3A_96 : i32
    %add3A_98 = arith.constant 154 : i32
    %add3A_99 = arith.addi %mul3A_97, %add3A_98 : i32
    %mul3A_100 = arith.constant 16384 : i32
    %mul3A_101 = arith.muli %add3A_99, %mul3A_100 : i32
    %add3A_102 = arith.addi %mul3A_101, %mul3A_30 : i32
    %dma_start3A_103 = tpu.memref_slice %arg4[%add3A_102] : memref<16384000xf32, #tpu.memory_space<hbm>> -> memref<78848xf32, #tpu.memory_space<hbm>>
    %dma_start3A_104 = tpu.memref_slice %arg12[%mul3A_30] : memref<1261696xf32, #tpu.memory_space<vmem_shared>> -> memref<78848xf32, #tpu.memory_space<vmem_shared>>
    tpu.enqueue_dma source(%dma_start3A_104 : memref<78848xf32, #tpu.memory_space<vmem_shared>>) target(%dma_start3A_103 : memref<78848xf32, #tpu.memory_space<hbm>>) target_semaphore(%arg13 : memref<!tpu.dma_semaphore, #tpu.memory_space<semaphore_mem>>)
    %mul3A_105 = arith.constant 500 : i32
    %mul3A_106 = arith.muli %arg0, %mul3A_105 : i32
    %add3A_107 = arith.constant 231 : i32
    %add3A_108 = arith.addi %mul3A_106, %add3A_107 : i32
    %mul3A_109 = arith.constant 16384 : i32
    %mul3A_110 = arith.muli %add3A_108, %mul3A_109 : i32
    %scan3A_111 = arith.constant 0 : i32
    %scan3A_112 = arith.constant 0 : i32
    %scan3A_113 = arith.constant 196 : i32
    %scan3A_114 = arith.addi %scan3A_112, %scan3A_113 : i32
    %scan3A_115 = arith.constant 1 : i32
    %scan3A_116 = scf.for %scan3A_216 = %scan3A_112 to %scan3A_114 step %scan3A_115 iter_args(%scan3A_217 = %scan3A_111) -> (i32)  : i32 {
      %mul3A_218 = arith.constant 16 : i32
      %mul3A_219 = arith.muli %scan3A_216, %mul3A_218 : i32
      %get3A = arith.index_cast %mul3A_219 : i32 to index
      %get3A_220 = tpu.vector_load %arg7[%get3A] {strides = array<i32>} : memref<3136xi32, #tpu.memory_space<vmem>>, vector<16xi32>,
      %get3A_221 = vector.shape_cast %get3A_220 : vector<16xi32> to vector<16xi32>
      %sub3A = vector.broadcast %mul3A_110 : i32 to vector<16xi32>
      %sub3A_222 = arith.subi %get3A_221, %sub3A : vector<16xi32>
      %ge3A = arith.constant 0 : i32
      %ge3A_223 = vector.broadcast %ge3A : i32 to vector<16xi32>
      %ge3A_224 = arith.cmpi sge, %sub3A_222, %ge3A_223 : vector<16xi32>
      %lt3A = arith.constant 1261568 : i32
      %lt3A_225 = vector.broadcast %lt3A : i32 to vector<16xi32>
      %lt3A_226 = arith.cmpi slt, %sub3A_222, %lt3A_225 : vector<16xi32>
      %and3A = arith.andi %ge3A_224, %lt3A_226 : vector<16xi1>
      %and3A_227 = arith.constant 7 : i32
      %and3A_228 = arith.andi %scan3A_216, %and3A_227 : i32
      %mul3A_229 = arith.constant 16 : i32
      %mul3A_230 = arith.muli %and3A_228, %mul3A_229 : i32
      %add3A_231 = arith.constant 1261568 : i32
      %add3A_232 = arith.addi %add3A_231, %mul3A_230 : i32
      %add3A_233 = vector.broadcast %add3A_232 : i32 to vector<16xi32>
      %add3A_234 = arith.addi %add3A_233, %iota3A : vector<16xi32>
      %select_n3A = arith.select %and3A, %sub3A_222, %add3A_234 : vector<16xi1>, vector<16xi32>
      %mul3A_235 = arith.constant 16 : i32
      %mul3A_236 = arith.muli %scan3A_216, %mul3A_235 : i32
      %add3A_237 = arith.constant 0 : i32
      %add3A_238 = arith.addi %add3A_237, %mul3A_236 : i32
      %swap3A = arith.index_cast %add3A_238 : i32 to index
      %swap3A_239 = tpu.vector_load %arg9[%swap3A] {strides = array<i32>} : memref<3136xi32, #tpu.memory_space<vmem>>, vector<16xi32>,
      %swap3A_240 = vector.shape_cast %swap3A_239 : vector<16xi32> to vector<16xi32>
      %swap3A_241 = vector.shape_cast %select_n3A : vector<16xi32> to vector<16xi32>
      tpu.vector_store %arg9[%swap3A], %swap3A_241 {strides = array<i32>} : memref<3136xi32, #tpu.memory_space<vmem>>, vector<16xi32>,
      %scan3A_242 = arith.constant 0 : i32
      scf.yield %scan3A_242 : i32
    }
    %scan3A_117 = arith.constant 196 : i32
    %dma_wait3A_118 = tpu.memref_slice %arg4[%add3A_102] : memref<16384000xf32, #tpu.memory_space<hbm>> -> memref<78848xf32, #tpu.memory_space<hbm>>
    %dma_wait3A_119 = tpu.memref_slice %arg12[%mul3A_30] : memref<1261696xf32, #tpu.memory_space<vmem_shared>> -> memref<78848xf32, #tpu.memory_space<vmem_shared>>
    tpu.wait_dma2 semaphore(%arg13 : memref<!tpu.dma_semaphore, #tpu.memory_space<semaphore_mem>>) src(%dma_wait3A_119 : memref<78848xf32, #tpu.memory_space<vmem_shared>>) dst(%dma_wait3A_118 : memref<78848xf32, #tpu.memory_space<hbm>>)
    %barrier3A_120 = arith.constant 0 : index
    tpu.barrier barrier_id(%barrier3A_120)
    "tpu.region"() ({
      %run_scoped3A = tpu.sem_alloc : memref<!tpu.dma_semaphore, #tpu.memory_space<semaphore_mem>>
      %dma_start3A_216 = arith.constant 0 : i32
      %dma_start3A_217 = tpu.memref_slice %arg11[%dma_start3A_216] : memref<19712xf32, #tpu.memory_space<vmem>> -> memref<3136xf32, #tpu.memory_space<vmem>>
      %dma_start3A_218 = arith.constant 0 : i32
      %dma_start3A_219 = tpu.memref_slice %arg12[%dma_start3A_218] : memref<1261696xf32, #tpu.memory_space<vmem_shared>> -> memref<1261696xf32, #tpu.memory_space<vmem_shared>>
      tpu.enqueue_indirect_dma source(%dma_start3A_217 : memref<3136xf32, #tpu.memory_space<vmem>>) target(%dma_start3A_219 : memref<1261696xf32, #tpu.memory_space<vmem_shared>>) offsets(%arg8 : memref<3136xi32, #tpu.memory_space<vmem>>) semaphore(%run_scoped3A : memref<!tpu.dma_semaphore, #tpu.memory_space<semaphore_mem>>)
      %dma_wait3A_220 = arith.constant 0 : i32
      %dma_wait3A_221 = tpu.memref_slice %arg11[%dma_wait3A_220] : memref<19712xf32, #tpu.memory_space<vmem>> -> memref<3136xf32, #tpu.memory_space<vmem>>
      %dma_wait3A_222 = arith.constant 0 : i32
      %dma_wait3A_223 = tpu.memref_slice %arg12[%dma_wait3A_222] : memref<1261696xf32, #tpu.memory_space<vmem_shared>> -> memref<1261696xf32, #tpu.memory_space<vmem_shared>>
      tpu.wait_indirect_dma semaphore(%run_scoped3A : memref<!tpu.dma_semaphore, #tpu.memory_space<semaphore_mem>>) src(%dma_wait3A_221 : memref<3136xf32, #tpu.memory_space<vmem>>) dst(%dma_wait3A_223 : memref<1261696xf32, #tpu.memory_space<vmem_shared>>)
      tpu.yield
    }) : () -> ()
    %barrier3A_121 = arith.constant 0 : index
    tpu.barrier barrier_id(%barrier3A_121)
    "tpu.region"() ({
      %run_scoped3A = tpu.sem_alloc : memref<!tpu.dma_semaphore, #tpu.memory_space<semaphore_mem>>
      %dma_start3A_216 = arith.constant 0 : i32
      %dma_start3A_217 = tpu.memref_slice %arg12[%dma_start3A_216] : memref<1261696xf32, #tpu.memory_space<vmem_shared>> -> memref<1261696xf32, #tpu.memory_space<vmem_shared>>
      tpu.enqueue_indirect_dma source(%arg10 : memref<3136xf32, #tpu.memory_space<vmem>>) target(%dma_start3A_217 : memref<1261696xf32, #tpu.memory_space<vmem_shared>>) offsets(%arg9 : memref<3136xi32, #tpu.memory_space<vmem>>) semaphore(%run_scoped3A : memref<!tpu.dma_semaphore, #tpu.memory_space<semaphore_mem>>) {add = true}
      %dma_wait3A_218 = arith.constant 0 : i32
      %dma_wait3A_219 = tpu.memref_slice %arg12[%dma_wait3A_218] : memref<1261696xf32, #tpu.memory_space<vmem_shared>> -> memref<1261696xf32, #tpu.memory_space<vmem_shared>>
      tpu.wait_indirect_dma semaphore(%run_scoped3A : memref<!tpu.dma_semaphore, #tpu.memory_space<semaphore_mem>>) src(%arg10 : memref<3136xf32, #tpu.memory_space<vmem>>) dst(%dma_wait3A_219 : memref<1261696xf32, #tpu.memory_space<vmem_shared>>)
      tpu.yield
    }) : () -> ()
    %barrier3A_122 = arith.constant 0 : index
    tpu.barrier barrier_id(%barrier3A_122)
    %mul3A_123 = arith.constant 500 : i32
    %mul3A_124 = arith.muli %arg0, %mul3A_123 : i32
    %add3A_125 = arith.constant 231 : i32
    %add3A_126 = arith.addi %mul3A_124, %add3A_125 : i32
    %mul3A_127 = arith.constant 16384 : i32
    %mul3A_128 = arith.muli %add3A_126, %mul3A_127 : i32
    %add3A_129 = arith.addi %mul3A_128, %mul3A_30 : i32
    %dma_start3A_130 = tpu.memref_slice %arg4[%add3A_129] : memref<16384000xf32, #tpu.memory_space<hbm>> -> memref<78848xf32, #tpu.memory_space<hbm>>
    %dma_start3A_131 = tpu.memref_slice %arg12[%mul3A_30] : memref<1261696xf32, #tpu.memory_space<vmem_shared>> -> memref<78848xf32, #tpu.memory_space<vmem_shared>>
    tpu.enqueue_dma source(%dma_start3A_131 : memref<78848xf32, #tpu.memory_space<vmem_shared>>) target(%dma_start3A_130 : memref<78848xf32, #tpu.memory_space<hbm>>) target_semaphore(%arg13 : memref<!tpu.dma_semaphore, #tpu.memory_space<semaphore_mem>>)
    %mul3A_132 = arith.constant 500 : i32
    %mul3A_133 = arith.muli %arg0, %mul3A_132 : i32
    %add3A_134 = arith.constant 308 : i32
    %add3A_135 = arith.addi %mul3A_133, %add3A_134 : i32
    %mul3A_136 = arith.constant 16384 : i32
    %mul3A_137 = arith.muli %add3A_135, %mul3A_136 : i32
    %scan3A_138 = arith.constant 0 : i32
    %scan3A_139 = arith.constant 0 : i32
    %scan3A_140 = arith.constant 196 : i32
    %scan3A_141 = arith.addi %scan3A_139, %scan3A_140 : i32
    %scan3A_142 = arith.constant 1 : i32
    %scan3A_143 = scf.for %scan3A_216 = %scan3A_139 to %scan3A_141 step %scan3A_142 iter_args(%scan3A_217 = %scan3A_138) -> (i32)  : i32 {
      %mul3A_218 = arith.constant 16 : i32
      %mul3A_219 = arith.muli %scan3A_216, %mul3A_218 : i32
      %get3A = arith.index_cast %mul3A_219 : i32 to index
      %get3A_220 = tpu.vector_load %arg7[%get3A] {strides = array<i32>} : memref<3136xi32, #tpu.memory_space<vmem>>, vector<16xi32>,
      %get3A_221 = vector.shape_cast %get3A_220 : vector<16xi32> to vector<16xi32>
      %sub3A = vector.broadcast %mul3A_137 : i32 to vector<16xi32>
      %sub3A_222 = arith.subi %get3A_221, %sub3A : vector<16xi32>
      %ge3A = arith.constant 0 : i32
      %ge3A_223 = vector.broadcast %ge3A : i32 to vector<16xi32>
      %ge3A_224 = arith.cmpi sge, %sub3A_222, %ge3A_223 : vector<16xi32>
      %lt3A = arith.constant 1261568 : i32
      %lt3A_225 = vector.broadcast %lt3A : i32 to vector<16xi32>
      %lt3A_226 = arith.cmpi slt, %sub3A_222, %lt3A_225 : vector<16xi32>
      %and3A = arith.andi %ge3A_224, %lt3A_226 : vector<16xi1>
      %and3A_227 = arith.constant 7 : i32
      %and3A_228 = arith.andi %scan3A_216, %and3A_227 : i32
      %mul3A_229 = arith.constant 16 : i32
      %mul3A_230 = arith.muli %and3A_228, %mul3A_229 : i32
      %add3A_231 = arith.constant 1261568 : i32
      %add3A_232 = arith.addi %add3A_231, %mul3A_230 : i32
      %add3A_233 = vector.broadcast %add3A_232 : i32 to vector<16xi32>
      %add3A_234 = arith.addi %add3A_233, %iota3A : vector<16xi32>
      %select_n3A = arith.select %and3A, %sub3A_222, %add3A_234 : vector<16xi1>, vector<16xi32>
      %mul3A_235 = arith.constant 16 : i32
      %mul3A_236 = arith.muli %scan3A_216, %mul3A_235 : i32
      %add3A_237 = arith.constant 0 : i32
      %add3A_238 = arith.addi %add3A_237, %mul3A_236 : i32
      %swap3A = arith.index_cast %add3A_238 : i32 to index
      %swap3A_239 = tpu.vector_load %arg8[%swap3A] {strides = array<i32>} : memref<3136xi32, #tpu.memory_space<vmem>>, vector<16xi32>,
      %swap3A_240 = vector.shape_cast %swap3A_239 : vector<16xi32> to vector<16xi32>
      %swap3A_241 = vector.shape_cast %select_n3A : vector<16xi32> to vector<16xi32>
      tpu.vector_store %arg8[%swap3A], %swap3A_241 {strides = array<i32>} : memref<3136xi32, #tpu.memory_space<vmem>>, vector<16xi32>,
      %scan3A_242 = arith.constant 0 : i32
      scf.yield %scan3A_242 : i32
    }
    %scan3A_144 = arith.constant 196 : i32
    %dma_wait3A_145 = tpu.memref_slice %arg4[%add3A_129] : memref<16384000xf32, #tpu.memory_space<hbm>> -> memref<78848xf32, #tpu.memory_space<hbm>>
    %dma_wait3A_146 = tpu.memref_slice %arg12[%mul3A_30] : memref<1261696xf32, #tpu.memory_space<vmem_shared>> -> memref<78848xf32, #tpu.memory_space<vmem_shared>>
    tpu.wait_dma2 semaphore(%arg13 : memref<!tpu.dma_semaphore, #tpu.memory_space<semaphore_mem>>) src(%dma_wait3A_146 : memref<78848xf32, #tpu.memory_space<vmem_shared>>) dst(%dma_wait3A_145 : memref<78848xf32, #tpu.memory_space<hbm>>)
    %barrier3A_147 = arith.constant 0 : index
    tpu.barrier barrier_id(%barrier3A_147)
    "tpu.region"() ({
      %run_scoped3A = tpu.sem_alloc : memref<!tpu.dma_semaphore, #tpu.memory_space<semaphore_mem>>
      %dma_start3A_216 = arith.constant 0 : i32
      %dma_start3A_217 = tpu.memref_slice %arg11[%dma_start3A_216] : memref<19712xf32, #tpu.memory_space<vmem>> -> memref<3136xf32, #tpu.memory_space<vmem>>
      %dma_start3A_218 = arith.constant 0 : i32
      %dma_start3A_219 = tpu.memref_slice %arg12[%dma_start3A_218] : memref<1261696xf32, #tpu.memory_space<vmem_shared>> -> memref<1261696xf32, #tpu.memory_space<vmem_shared>>
      tpu.enqueue_indirect_dma source(%dma_start3A_217 : memref<3136xf32, #tpu.memory_space<vmem>>) target(%dma_start3A_219 : memref<1261696xf32, #tpu.memory_space<vmem_shared>>) offsets(%arg9 : memref<3136xi32, #tpu.memory_space<vmem>>) semaphore(%run_scoped3A : memref<!tpu.dma_semaphore, #tpu.memory_space<semaphore_mem>>)
      %dma_wait3A_220 = arith.constant 0 : i32
      %dma_wait3A_221 = tpu.memref_slice %arg11[%dma_wait3A_220] : memref<19712xf32, #tpu.memory_space<vmem>> -> memref<3136xf32, #tpu.memory_space<vmem>>
      %dma_wait3A_222 = arith.constant 0 : i32
      %dma_wait3A_223 = tpu.memref_slice %arg12[%dma_wait3A_222] : memref<1261696xf32, #tpu.memory_space<vmem_shared>> -> memref<1261696xf32, #tpu.memory_space<vmem_shared>>
      tpu.wait_indirect_dma semaphore(%run_scoped3A : memref<!tpu.dma_semaphore, #tpu.memory_space<semaphore_mem>>) src(%dma_wait3A_221 : memref<3136xf32, #tpu.memory_space<vmem>>) dst(%dma_wait3A_223 : memref<1261696xf32, #tpu.memory_space<vmem_shared>>)
      tpu.yield
    }) : () -> ()
    %barrier3A_148 = arith.constant 0 : index
    tpu.barrier barrier_id(%barrier3A_148)
    "tpu.region"() ({
      %run_scoped3A = tpu.sem_alloc : memref<!tpu.dma_semaphore, #tpu.memory_space<semaphore_mem>>
      %dma_start3A_216 = arith.constant 0 : i32
      %dma_start3A_217 = tpu.memref_slice %arg12[%dma_start3A_216] : memref<1261696xf32, #tpu.memory_space<vmem_shared>> -> memref<1261696xf32, #tpu.memory_space<vmem_shared>>
      tpu.enqueue_indirect_dma source(%arg10 : memref<3136xf32, #tpu.memory_space<vmem>>) target(%dma_start3A_217 : memref<1261696xf32, #tpu.memory_space<vmem_shared>>) offsets(%arg8 : memref<3136xi32, #tpu.memory_space<vmem>>) semaphore(%run_scoped3A : memref<!tpu.dma_semaphore, #tpu.memory_space<semaphore_mem>>) {add = true}
      %dma_wait3A_218 = arith.constant 0 : i32
      %dma_wait3A_219 = tpu.memref_slice %arg12[%dma_wait3A_218] : memref<1261696xf32, #tpu.memory_space<vmem_shared>> -> memref<1261696xf32, #tpu.memory_space<vmem_shared>>
      tpu.wait_indirect_dma semaphore(%run_scoped3A : memref<!tpu.dma_semaphore, #tpu.memory_space<semaphore_mem>>) src(%arg10 : memref<3136xf32, #tpu.memory_space<vmem>>) dst(%dma_wait3A_219 : memref<1261696xf32, #tpu.memory_space<vmem_shared>>)
      tpu.yield
    }) : () -> ()
    %barrier3A_149 = arith.constant 0 : index
    tpu.barrier barrier_id(%barrier3A_149)
    %mul3A_150 = arith.constant 500 : i32
    %mul3A_151 = arith.muli %arg0, %mul3A_150 : i32
    %add3A_152 = arith.constant 308 : i32
    %add3A_153 = arith.addi %mul3A_151, %add3A_152 : i32
    %mul3A_154 = arith.constant 16384 : i32
    %mul3A_155 = arith.muli %add3A_153, %mul3A_154 : i32
    %add3A_156 = arith.addi %mul3A_155, %mul3A_30 : i32
    %dma_start3A_157 = tpu.memref_slice %arg4[%add3A_156] : memref<16384000xf32, #tpu.memory_space<hbm>> -> memref<78848xf32, #tpu.memory_space<hbm>>
    %dma_start3A_158 = tpu.memref_slice %arg12[%mul3A_30] : memref<1261696xf32, #tpu.memory_space<vmem_shared>> -> memref<78848xf32, #tpu.memory_space<vmem_shared>>
    tpu.enqueue_dma source(%dma_start3A_158 : memref<78848xf32, #tpu.memory_space<vmem_shared>>) target(%dma_start3A_157 : memref<78848xf32, #tpu.memory_space<hbm>>) target_semaphore(%arg13 : memref<!tpu.dma_semaphore, #tpu.memory_space<semaphore_mem>>)
    %mul3A_159 = arith.constant 500 : i32
    %mul3A_160 = arith.muli %arg0, %mul3A_159 : i32
    %add3A_161 = arith.constant 385 : i32
    %add3A_162 = arith.addi %mul3A_160, %add3A_161 : i32
    %mul3A_163 = arith.constant 16384 : i32
    %mul3A_164 = arith.muli %add3A_162, %mul3A_163 : i32
    %scan3A_165 = arith.constant 0 : i32
    %scan3A_166 = arith.constant 0 : i32
    %scan3A_167 = arith.constant 196 : i32
    %scan3A_168 = arith.addi %scan3A_166, %scan3A_167 : i32
    %scan3A_169 = arith.constant 1 : i32
    %scan3A_170 = scf.for %scan3A_216 = %scan3A_166 to %scan3A_168 step %scan3A_169 iter_args(%scan3A_217 = %scan3A_165) -> (i32)  : i32 {
      %mul3A_218 = arith.constant 16 : i32
      %mul3A_219 = arith.muli %scan3A_216, %mul3A_218 : i32
      %get3A = arith.index_cast %mul3A_219 : i32 to index
      %get3A_220 = tpu.vector_load %arg7[%get3A] {strides = array<i32>} : memref<3136xi32, #tpu.memory_space<vmem>>, vector<16xi32>,
      %get3A_221 = vector.shape_cast %get3A_220 : vector<16xi32> to vector<16xi32>
      %sub3A = vector.broadcast %mul3A_164 : i32 to vector<16xi32>
      %sub3A_222 = arith.subi %get3A_221, %sub3A : vector<16xi32>
      %ge3A = arith.constant 0 : i32
      %ge3A_223 = vector.broadcast %ge3A : i32 to vector<16xi32>
      %ge3A_224 = arith.cmpi sge, %sub3A_222, %ge3A_223 : vector<16xi32>
      %lt3A = arith.constant 1261568 : i32
      %lt3A_225 = vector.broadcast %lt3A : i32 to vector<16xi32>
      %lt3A_226 = arith.cmpi slt, %sub3A_222, %lt3A_225 : vector<16xi32>
      %and3A = arith.andi %ge3A_224, %lt3A_226 : vector<16xi1>
      %and3A_227 = arith.constant 7 : i32
      %and3A_228 = arith.andi %scan3A_216, %and3A_227 : i32
      %mul3A_229 = arith.constant 16 : i32
      %mul3A_230 = arith.muli %and3A_228, %mul3A_229 : i32
      %add3A_231 = arith.constant 1261568 : i32
      %add3A_232 = arith.addi %add3A_231, %mul3A_230 : i32
      %add3A_233 = vector.broadcast %add3A_232 : i32 to vector<16xi32>
      %add3A_234 = arith.addi %add3A_233, %iota3A : vector<16xi32>
      %select_n3A = arith.select %and3A, %sub3A_222, %add3A_234 : vector<16xi1>, vector<16xi32>
      %mul3A_235 = arith.constant 16 : i32
      %mul3A_236 = arith.muli %scan3A_216, %mul3A_235 : i32
      %add3A_237 = arith.constant 0 : i32
      %add3A_238 = arith.addi %add3A_237, %mul3A_236 : i32
      %swap3A = arith.index_cast %add3A_238 : i32 to index
      %swap3A_239 = tpu.vector_load %arg9[%swap3A] {strides = array<i32>} : memref<3136xi32, #tpu.memory_space<vmem>>, vector<16xi32>,
      %swap3A_240 = vector.shape_cast %swap3A_239 : vector<16xi32> to vector<16xi32>
      %swap3A_241 = vector.shape_cast %select_n3A : vector<16xi32> to vector<16xi32>
      tpu.vector_store %arg9[%swap3A], %swap3A_241 {strides = array<i32>} : memref<3136xi32, #tpu.memory_space<vmem>>, vector<16xi32>,
      %scan3A_242 = arith.constant 0 : i32
      scf.yield %scan3A_242 : i32
    }
    %scan3A_171 = arith.constant 196 : i32
    %dma_wait3A_172 = tpu.memref_slice %arg4[%add3A_156] : memref<16384000xf32, #tpu.memory_space<hbm>> -> memref<78848xf32, #tpu.memory_space<hbm>>
    %dma_wait3A_173 = tpu.memref_slice %arg12[%mul3A_30] : memref<1261696xf32, #tpu.memory_space<vmem_shared>> -> memref<78848xf32, #tpu.memory_space<vmem_shared>>
    tpu.wait_dma2 semaphore(%arg13 : memref<!tpu.dma_semaphore, #tpu.memory_space<semaphore_mem>>) src(%dma_wait3A_173 : memref<78848xf32, #tpu.memory_space<vmem_shared>>) dst(%dma_wait3A_172 : memref<78848xf32, #tpu.memory_space<hbm>>)
    %barrier3A_174 = arith.constant 0 : index
    tpu.barrier barrier_id(%barrier3A_174)
    "tpu.region"() ({
      %run_scoped3A = tpu.sem_alloc : memref<!tpu.dma_semaphore, #tpu.memory_space<semaphore_mem>>
      %dma_start3A_216 = arith.constant 0 : i32
      %dma_start3A_217 = tpu.memref_slice %arg11[%dma_start3A_216] : memref<19712xf32, #tpu.memory_space<vmem>> -> memref<3136xf32, #tpu.memory_space<vmem>>
      %dma_start3A_218 = arith.constant 0 : i32
      %dma_start3A_219 = tpu.memref_slice %arg12[%dma_start3A_218] : memref<1261696xf32, #tpu.memory_space<vmem_shared>> -> memref<1261696xf32, #tpu.memory_space<vmem_shared>>
      tpu.enqueue_indirect_dma source(%dma_start3A_217 : memref<3136xf32, #tpu.memory_space<vmem>>) target(%dma_start3A_219 : memref<1261696xf32, #tpu.memory_space<vmem_shared>>) offsets(%arg8 : memref<3136xi32, #tpu.memory_space<vmem>>) semaphore(%run_scoped3A : memref<!tpu.dma_semaphore, #tpu.memory_space<semaphore_mem>>)
      %dma_wait3A_220 = arith.constant 0 : i32
      %dma_wait3A_221 = tpu.memref_slice %arg11[%dma_wait3A_220] : memref<19712xf32, #tpu.memory_space<vmem>> -> memref<3136xf32, #tpu.memory_space<vmem>>
      %dma_wait3A_222 = arith.constant 0 : i32
      %dma_wait3A_223 = tpu.memref_slice %arg12[%dma_wait3A_222] : memref<1261696xf32, #tpu.memory_space<vmem_shared>> -> memref<1261696xf32, #tpu.memory_space<vmem_shared>>
      tpu.wait_indirect_dma semaphore(%run_scoped3A : memref<!tpu.dma_semaphore, #tpu.memory_space<semaphore_mem>>) src(%dma_wait3A_221 : memref<3136xf32, #tpu.memory_space<vmem>>) dst(%dma_wait3A_223 : memref<1261696xf32, #tpu.memory_space<vmem_shared>>)
      tpu.yield
    }) : () -> ()
    %barrier3A_175 = arith.constant 0 : index
    tpu.barrier barrier_id(%barrier3A_175)
    "tpu.region"() ({
      %run_scoped3A = tpu.sem_alloc : memref<!tpu.dma_semaphore, #tpu.memory_space<semaphore_mem>>
      %dma_start3A_216 = arith.constant 0 : i32
      %dma_start3A_217 = tpu.memref_slice %arg12[%dma_start3A_216] : memref<1261696xf32, #tpu.memory_space<vmem_shared>> -> memref<1261696xf32, #tpu.memory_space<vmem_shared>>
      tpu.enqueue_indirect_dma source(%arg10 : memref<3136xf32, #tpu.memory_space<vmem>>) target(%dma_start3A_217 : memref<1261696xf32, #tpu.memory_space<vmem_shared>>) offsets(%arg9 : memref<3136xi32, #tpu.memory_space<vmem>>) semaphore(%run_scoped3A : memref<!tpu.dma_semaphore, #tpu.memory_space<semaphore_mem>>) {add = true}
      %dma_wait3A_218 = arith.constant 0 : i32
      %dma_wait3A_219 = tpu.memref_slice %arg12[%dma_wait3A_218] : memref<1261696xf32, #tpu.memory_space<vmem_shared>> -> memref<1261696xf32, #tpu.memory_space<vmem_shared>>
      tpu.wait_indirect_dma semaphore(%run_scoped3A : memref<!tpu.dma_semaphore, #tpu.memory_space<semaphore_mem>>) src(%arg10 : memref<3136xf32, #tpu.memory_space<vmem>>) dst(%dma_wait3A_219 : memref<1261696xf32, #tpu.memory_space<vmem_shared>>)
      tpu.yield
    }) : () -> ()
    %barrier3A_176 = arith.constant 0 : index
    tpu.barrier barrier_id(%barrier3A_176)
    %mul3A_177 = arith.constant 500 : i32
    %mul3A_178 = arith.muli %arg0, %mul3A_177 : i32
    %add3A_179 = arith.constant 385 : i32
    %add3A_180 = arith.addi %mul3A_178, %add3A_179 : i32
    %mul3A_181 = arith.constant 16384 : i32
    %mul3A_182 = arith.muli %add3A_180, %mul3A_181 : i32
    %add3A_183 = arith.addi %mul3A_182, %mul3A_30 : i32
    %dma_start3A_184 = tpu.memref_slice %arg4[%add3A_183] : memref<16384000xf32, #tpu.memory_space<hbm>> -> memref<78848xf32, #tpu.memory_space<hbm>>
    %dma_start3A_185 = tpu.memref_slice %arg12[%mul3A_30] : memref<1261696xf32, #tpu.memory_space<vmem_shared>> -> memref<78848xf32, #tpu.memory_space<vmem_shared>>
    tpu.enqueue_dma source(%dma_start3A_185 : memref<78848xf32, #tpu.memory_space<vmem_shared>>) target(%dma_start3A_184 : memref<78848xf32, #tpu.memory_space<hbm>>) target_semaphore(%arg13 : memref<!tpu.dma_semaphore, #tpu.memory_space<semaphore_mem>>)
    %mul3A_186 = arith.constant 500 : i32
    %mul3A_187 = arith.muli %arg0, %mul3A_186 : i32
    %add3A_188 = arith.constant 423 : i32
    %add3A_189 = arith.addi %mul3A_187, %add3A_188 : i32
    %mul3A_190 = arith.constant 16384 : i32
    %mul3A_191 = arith.muli %add3A_189, %mul3A_190 : i32
    %scan3A_192 = arith.constant 0 : i32
    %scan3A_193 = arith.constant 0 : i32
    %scan3A_194 = arith.constant 196 : i32
    %scan3A_195 = arith.addi %scan3A_193, %scan3A_194 : i32
    %scan3A_196 = arith.constant 1 : i32
    %scan3A_197 = scf.for %scan3A_216 = %scan3A_193 to %scan3A_195 step %scan3A_196 iter_args(%scan3A_217 = %scan3A_192) -> (i32)  : i32 {
      %mul3A_218 = arith.constant 16 : i32
      %mul3A_219 = arith.muli %scan3A_216, %mul3A_218 : i32
      %get3A = arith.index_cast %mul3A_219 : i32 to index
      %get3A_220 = tpu.vector_load %arg7[%get3A] {strides = array<i32>} : memref<3136xi32, #tpu.memory_space<vmem>>, vector<16xi32>,
      %get3A_221 = vector.shape_cast %get3A_220 : vector<16xi32> to vector<16xi32>
      %sub3A = vector.broadcast %mul3A_191 : i32 to vector<16xi32>
      %sub3A_222 = arith.subi %get3A_221, %sub3A : vector<16xi32>
      %ge3A = arith.constant 0 : i32
      %ge3A_223 = vector.broadcast %ge3A : i32 to vector<16xi32>
      %ge3A_224 = arith.cmpi sge, %sub3A_222, %ge3A_223 : vector<16xi32>
      %lt3A = arith.constant 1261568 : i32
      %lt3A_225 = vector.broadcast %lt3A : i32 to vector<16xi32>
      %lt3A_226 = arith.cmpi slt, %sub3A_222, %lt3A_225 : vector<16xi32>
      %and3A = arith.andi %ge3A_224, %lt3A_226 : vector<16xi1>
      %and3A_227 = arith.constant 7 : i32
      %and3A_228 = arith.andi %scan3A_216, %and3A_227 : i32
      %mul3A_229 = arith.constant 16 : i32
      %mul3A_230 = arith.muli %and3A_228, %mul3A_229 : i32
      %add3A_231 = arith.constant 1261568 : i32
      %add3A_232 = arith.addi %add3A_231, %mul3A_230 : i32
      %add3A_233 = vector.broadcast %add3A_232 : i32 to vector<16xi32>
      %add3A_234 = arith.addi %add3A_233, %iota3A : vector<16xi32>
      %select_n3A = arith.select %and3A, %sub3A_222, %add3A_234 : vector<16xi1>, vector<16xi32>
      %mul3A_235 = arith.constant 16 : i32
      %mul3A_236 = arith.muli %scan3A_216, %mul3A_235 : i32
      %add3A_237 = arith.constant 0 : i32
      %add3A_238 = arith.addi %add3A_237, %mul3A_236 : i32
      %swap3A = arith.index_cast %add3A_238 : i32 to index
      %swap3A_239 = tpu.vector_load %arg8[%swap3A] {strides = array<i32>} : memref<3136xi32, #tpu.memory_space<vmem>>, vector<16xi32>,
      %swap3A_240 = vector.shape_cast %swap3A_239 : vector<16xi32> to vector<16xi32>
      %swap3A_241 = vector.shape_cast %select_n3A : vector<16xi32> to vector<16xi32>
      tpu.vector_store %arg8[%swap3A], %swap3A_241 {strides = array<i32>} : memref<3136xi32, #tpu.memory_space<vmem>>, vector<16xi32>,
      %scan3A_242 = arith.constant 0 : i32
      scf.yield %scan3A_242 : i32
    }
    %scan3A_198 = arith.constant 196 : i32
    %dma_wait3A_199 = tpu.memref_slice %arg4[%add3A_183] : memref<16384000xf32, #tpu.memory_space<hbm>> -> memref<78848xf32, #tpu.memory_space<hbm>>
    %dma_wait3A_200 = tpu.memref_slice %arg12[%mul3A_30] : memref<1261696xf32, #tpu.memory_space<vmem_shared>> -> memref<78848xf32, #tpu.memory_space<vmem_shared>>
    tpu.wait_dma2 semaphore(%arg13 : memref<!tpu.dma_semaphore, #tpu.memory_space<semaphore_mem>>) src(%dma_wait3A_200 : memref<78848xf32, #tpu.memory_space<vmem_shared>>) dst(%dma_wait3A_199 : memref<78848xf32, #tpu.memory_space<hbm>>)
    %barrier3A_201 = arith.constant 0 : index
    tpu.barrier barrier_id(%barrier3A_201)
    "tpu.region"() ({
      %run_scoped3A = tpu.sem_alloc : memref<!tpu.dma_semaphore, #tpu.memory_space<semaphore_mem>>
      %dma_start3A_216 = arith.constant 0 : i32
      %dma_start3A_217 = tpu.memref_slice %arg11[%dma_start3A_216] : memref<19712xf32, #tpu.memory_space<vmem>> -> memref<3136xf32, #tpu.memory_space<vmem>>
      %dma_start3A_218 = arith.constant 0 : i32
      %dma_start3A_219 = tpu.memref_slice %arg12[%dma_start3A_218] : memref<1261696xf32, #tpu.memory_space<vmem_shared>> -> memref<1261696xf32, #tpu.memory_space<vmem_shared>>
      tpu.enqueue_indirect_dma source(%dma_start3A_217 : memref<3136xf32, #tpu.memory_space<vmem>>) target(%dma_start3A_219 : memref<1261696xf32, #tpu.memory_space<vmem_shared>>) offsets(%arg9 : memref<3136xi32, #tpu.memory_space<vmem>>) semaphore(%run_scoped3A : memref<!tpu.dma_semaphore, #tpu.memory_space<semaphore_mem>>)
      %dma_wait3A_220 = arith.constant 0 : i32
      %dma_wait3A_221 = tpu.memref_slice %arg11[%dma_wait3A_220] : memref<19712xf32, #tpu.memory_space<vmem>> -> memref<3136xf32, #tpu.memory_space<vmem>>
      %dma_wait3A_222 = arith.constant 0 : i32
      %dma_wait3A_223 = tpu.memref_slice %arg12[%dma_wait3A_222] : memref<1261696xf32, #tpu.memory_space<vmem_shared>> -> memref<1261696xf32, #tpu.memory_space<vmem_shared>>
      tpu.wait_indirect_dma semaphore(%run_scoped3A : memref<!tpu.dma_semaphore, #tpu.memory_space<semaphore_mem>>) src(%dma_wait3A_221 : memref<3136xf32, #tpu.memory_space<vmem>>) dst(%dma_wait3A_223 : memref<1261696xf32, #tpu.memory_space<vmem_shared>>)
      tpu.yield
    }) : () -> ()
    %barrier3A_202 = arith.constant 0 : index
    tpu.barrier barrier_id(%barrier3A_202)
    "tpu.region"() ({
      %run_scoped3A = tpu.sem_alloc : memref<!tpu.dma_semaphore, #tpu.memory_space<semaphore_mem>>
      %dma_start3A_216 = arith.constant 0 : i32
      %dma_start3A_217 = tpu.memref_slice %arg12[%dma_start3A_216] : memref<1261696xf32, #tpu.memory_space<vmem_shared>> -> memref<1261696xf32, #tpu.memory_space<vmem_shared>>
      tpu.enqueue_indirect_dma source(%arg10 : memref<3136xf32, #tpu.memory_space<vmem>>) target(%dma_start3A_217 : memref<1261696xf32, #tpu.memory_space<vmem_shared>>) offsets(%arg8 : memref<3136xi32, #tpu.memory_space<vmem>>) semaphore(%run_scoped3A : memref<!tpu.dma_semaphore, #tpu.memory_space<semaphore_mem>>) {add = true}
      %dma_wait3A_218 = arith.constant 0 : i32
      %dma_wait3A_219 = tpu.memref_slice %arg12[%dma_wait3A_218] : memref<1261696xf32, #tpu.memory_space<vmem_shared>> -> memref<1261696xf32, #tpu.memory_space<vmem_shared>>
      tpu.wait_indirect_dma semaphore(%run_scoped3A : memref<!tpu.dma_semaphore, #tpu.memory_space<semaphore_mem>>) src(%arg10 : memref<3136xf32, #tpu.memory_space<vmem>>) dst(%dma_wait3A_219 : memref<1261696xf32, #tpu.memory_space<vmem_shared>>)
      tpu.yield
    }) : () -> ()
    %barrier3A_203 = arith.constant 0 : index
    tpu.barrier barrier_id(%barrier3A_203)
    %mul3A_204 = arith.constant 500 : i32
    %mul3A_205 = arith.muli %arg0, %mul3A_204 : i32
    %add3A_206 = arith.constant 423 : i32
    %add3A_207 = arith.addi %mul3A_205, %add3A_206 : i32
    %mul3A_208 = arith.constant 16384 : i32
    %mul3A_209 = arith.muli %add3A_207, %mul3A_208 : i32
    %add3A_210 = arith.addi %mul3A_209, %mul3A_30 : i32
    %dma_start3A_211 = tpu.memref_slice %arg4[%add3A_210] : memref<16384000xf32, #tpu.memory_space<hbm>> -> memref<78848xf32, #tpu.memory_space<hbm>>
    %dma_start3A_212 = tpu.memref_slice %arg12[%mul3A_30] : memref<1261696xf32, #tpu.memory_space<vmem_shared>> -> memref<78848xf32, #tpu.memory_space<vmem_shared>>
    tpu.enqueue_dma source(%dma_start3A_212 : memref<78848xf32, #tpu.memory_space<vmem_shared>>) target(%dma_start3A_211 : memref<78848xf32, #tpu.memory_space<hbm>>) target_semaphore(%arg13 : memref<!tpu.dma_semaphore, #tpu.memory_space<semaphore_mem>>)
    %dma_wait3A_213 = tpu.memref_slice %arg4[%add3A_210] : memref<16384000xf32, #tpu.memory_space<hbm>> -> memref<78848xf32, #tpu.memory_space<hbm>>
    %dma_wait3A_214 = tpu.memref_slice %arg12[%mul3A_30] : memref<1261696xf32, #tpu.memory_space<vmem_shared>> -> memref<78848xf32, #tpu.memory_space<vmem_shared>>
    tpu.wait_dma2 semaphore(%arg13 : memref<!tpu.dma_semaphore, #tpu.memory_space<semaphore_mem>>) src(%dma_wait3A_214 : memref<78848xf32, #tpu.memory_space<vmem_shared>>) dst(%dma_wait3A_213 : memref<78848xf32, #tpu.memory_space<hbm>>)
    %barrier3A_215 = arith.constant 0 : index
    tpu.barrier barrier_id(%barrier3A_215)
    return
  }
}

#map = affine_map<(d0, d1) -> (0)>
module attributes {stable_mosaic.version = 14 : i64} {
  func.func @sc_counts(%arg0: i32, %arg1: i32, %arg2: memref<50000xi32, #tpu.memory_space<hbm>>, %arg3: memref<50000xi32, #tpu.memory_space<hbm>>, %arg4: memref<50000xi32, #tpu.memory_space<hbm>>, %arg5: memref<50000xi32, #tpu.memory_space<hbm>>, %arg6: memref<16384000xf32, #tpu.memory_space<hbm>>, %arg7: memref<3136xi32, #tpu.memory_space<vmem>>, %arg8: memref<3136xi32, #tpu.memory_space<vmem>>, %arg9: memref<3136xi32, #tpu.memory_space<vmem>>, %arg10: memref<3136xi32, #tpu.memory_space<vmem>>, %arg11: memref<6272xi32, #tpu.memory_space<vmem>>, %arg12: memref<6272xi32, #tpu.memory_space<vmem>>, %arg13: memref<6272xf32, #tpu.memory_space<vmem>>, %arg14: memref<19712xf32, #tpu.memory_space<vmem>>, %arg15: memref<1261696xf32, #tpu.memory_space<vmem_shared>>, %arg16: memref<!tpu.dma_semaphore, #tpu.memory_space<semaphore_mem>>) attributes {dimension_semantics = [#tpu.dimension_semantics<core_parallel>, #tpu.dimension_semantics<subcore_parallel>], iteration_bounds = array<i64: 2, 16>, scalar_prefetch = 0 : i64, scratch_operands = 10 : i64, tpu.core_type = #tpu.core_type<sc_vector_subcore>, window_params = [{transform_indices = #map}, {transform_indices = #map}, {transform_indices = #map}, {transform_indices = #map}, {transform_indices = #map}]} {
    %mul3A = arith.constant 3136 : i32
    %mul3A_0 = arith.muli %arg1, %mul3A : i32
    %min3A = arith.constant 46864 : i32
    %min3A_1 = arith.minsi %mul3A_0, %min3A : i32
    %iota3A = tpu.iota {dimensions = array<i32: 0>} : vector<16xi32>
    "tpu.region"() ({
      %run_scoped3A = tpu.sem_alloc : memref<!tpu.dma_semaphore, #tpu.memory_space<semaphore_mem>>
      %dma_start3A_272 = tpu.memref_slice %arg2[%min3A_1] : memref<50000xi32, #tpu.memory_space<hbm>> -> memref<3136xi32, #tpu.memory_space<hbm>>
      %dma_start3A_273 = tpu.memref_slice %arg2[%min3A_1] : memref<50000xi32, #tpu.memory_space<hbm>> -> memref<3136xi32, #tpu.memory_space<hbm>>
      tpu.enqueue_dma source(%dma_start3A_273 : memref<3136xi32, #tpu.memory_space<hbm>>) target(%arg7 : memref<3136xi32, #tpu.memory_space<vmem>>) target_semaphore(%run_scoped3A : memref<!tpu.dma_semaphore, #tpu.memory_space<semaphore_mem>>)
      %dma_wait3A_274 = tpu.memref_slice %arg2[%min3A_1] : memref<50000xi32, #tpu.memory_space<hbm>> -> memref<3136xi32, #tpu.memory_space<hbm>>
      %dma_wait3A_275 = tpu.memref_slice %arg2[%min3A_1] : memref<50000xi32, #tpu.memory_space<hbm>> -> memref<3136xi32, #tpu.memory_space<hbm>>
      tpu.wait_dma2 semaphore(%run_scoped3A : memref<!tpu.dma_semaphore, #tpu.memory_space<semaphore_mem>>) src(%dma_wait3A_275 : memref<3136xi32, #tpu.memory_space<hbm>>) dst(%arg7 : memref<3136xi32, #tpu.memory_space<vmem>>)
      tpu.yield
    }) : () -> ()
    "tpu.region"() ({
      %run_scoped3A = tpu.sem_alloc : memref<!tpu.dma_semaphore, #tpu.memory_space<semaphore_mem>>
      %dma_start3A_272 = tpu.memref_slice %arg3[%min3A_1] : memref<50000xi32, #tpu.memory_space<hbm>> -> memref<3136xi32, #tpu.memory_space<hbm>>
      %dma_start3A_273 = tpu.memref_slice %arg3[%min3A_1] : memref<50000xi32, #tpu.memory_space<hbm>> -> memref<3136xi32, #tpu.memory_space<hbm>>
      tpu.enqueue_dma source(%dma_start3A_273 : memref<3136xi32, #tpu.memory_space<hbm>>) target(%arg8 : memref<3136xi32, #tpu.memory_space<vmem>>) target_semaphore(%run_scoped3A : memref<!tpu.dma_semaphore, #tpu.memory_space<semaphore_mem>>)
      %dma_wait3A_274 = tpu.memref_slice %arg3[%min3A_1] : memref<50000xi32, #tpu.memory_space<hbm>> -> memref<3136xi32, #tpu.memory_space<hbm>>
      %dma_wait3A_275 = tpu.memref_slice %arg3[%min3A_1] : memref<50000xi32, #tpu.memory_space<hbm>> -> memref<3136xi32, #tpu.memory_space<hbm>>
      tpu.wait_dma2 semaphore(%run_scoped3A : memref<!tpu.dma_semaphore, #tpu.memory_space<semaphore_mem>>) src(%dma_wait3A_275 : memref<3136xi32, #tpu.memory_space<hbm>>) dst(%arg8 : memref<3136xi32, #tpu.memory_space<vmem>>)
      tpu.yield
    }) : () -> ()
    %scan3A = arith.constant 0 : i32
    %scan3A_2 = arith.constant 0 : i32
    %scan3A_3 = arith.constant 196 : i32
    %scan3A_4 = arith.addi %scan3A_2, %scan3A_3 : i32
    %scan3A_5 = arith.constant 1 : i32
    %scan3A_6 = scf.for %scan3A_272 = %scan3A_2 to %scan3A_4 step %scan3A_5 iter_args(%scan3A_273 = %scan3A) -> (i32)  : i32 {
      %mul3A_274 = arith.constant 16 : i32
      %mul3A_275 = arith.muli %scan3A_272, %mul3A_274 : i32
      %get3A = arith.index_cast %mul3A_275 : i32 to index
      %get3A_276 = tpu.vector_load %arg7[%get3A] {strides = array<i32>} : memref<3136xi32, #tpu.memory_space<vmem>>, vector<16xi32>,
      %get3A_277 = vector.shape_cast %get3A_276 : vector<16xi32> to vector<16xi32>
      %mul3A_278 = arith.constant 16 : i32
      %mul3A_279 = arith.muli %scan3A_272, %mul3A_278 : i32
      %get3A_280 = arith.index_cast %mul3A_279 : i32 to index
      %get3A_281 = tpu.vector_load %arg8[%get3A_280] {strides = array<i32>} : memref<3136xi32, #tpu.memory_space<vmem>>, vector<16xi32>,
      %get3A_282 = vector.shape_cast %get3A_281 : vector<16xi32> to vector<16xi32>
      %mul3A_283 = arith.constant 16384 : i32
      %mul3A_284 = vector.broadcast %mul3A_283 : i32 to vector<16xi32>
      %mul3A_285 = arith.muli %get3A_277, %mul3A_284 : vector<16xi32>
      %add3A_286 = arith.addi %mul3A_285, %get3A_282 : vector<16xi32>
      %mul3A_287 = arith.constant 16 : i32
      %mul3A_288 = arith.muli %scan3A_272, %mul3A_287 : i32
      %add3A_289 = arith.addi %min3A_1, %mul3A_288 : i32
      %add3A_290 = vector.broadcast %add3A_289 : i32 to vector<16xi32>
      %add3A_291 = arith.addi %add3A_290, %iota3A : vector<16xi32>
      %mul3A_292 = arith.constant 3136 : i32
      %mul3A_293 = arith.muli %arg1, %mul3A_292 : i32
      %ge3A = vector.broadcast %mul3A_293 : i32 to vector<16xi32>
      %ge3A_294 = arith.cmpi sge, %add3A_291, %ge3A : vector<16xi32>
      %jit3A = arith.constant 2147483632 : i32
      %broadcast_in_dim3A = vector.broadcast %jit3A : i32 to vector<16xi32>
      %select_n3A = arith.select %ge3A_294, %add3A_286, %broadcast_in_dim3A : vector<16xi1>, vector<16xi32>
      %mul3A_295 = arith.constant 16 : i32
      %mul3A_296 = arith.muli %scan3A_272, %mul3A_295 : i32
      %swap3A = arith.index_cast %mul3A_296 : i32 to index
      %swap3A_297 = tpu.vector_load %arg9[%swap3A] {strides = array<i32>} : memref<3136xi32, #tpu.memory_space<vmem>>, vector<16xi32>,
      %swap3A_298 = vector.shape_cast %swap3A_297 : vector<16xi32> to vector<16xi32>
      %swap3A_299 = vector.shape_cast %select_n3A : vector<16xi32> to vector<16xi32>
      tpu.vector_store %arg9[%swap3A], %swap3A_299 {strides = array<i32>} : memref<3136xi32, #tpu.memory_space<vmem>>, vector<16xi32>,
      %scan3A_300 = arith.constant 0 : i32
      scf.yield %scan3A_300 : i32
    }
    %scan3A_7 = arith.constant 196 : i32
    "tpu.region"() ({
      %run_scoped3A = tpu.sem_alloc : memref<!tpu.dma_semaphore, #tpu.memory_space<semaphore_mem>>
      %dma_start3A_272 = tpu.memref_slice %arg4[%min3A_1] : memref<50000xi32, #tpu.memory_space<hbm>> -> memref<3136xi32, #tpu.memory_space<hbm>>
      %dma_start3A_273 = tpu.memref_slice %arg4[%min3A_1] : memref<50000xi32, #tpu.memory_space<hbm>> -> memref<3136xi32, #tpu.memory_space<hbm>>
      tpu.enqueue_dma source(%dma_start3A_273 : memref<3136xi32, #tpu.memory_space<hbm>>) target(%arg7 : memref<3136xi32, #tpu.memory_space<vmem>>) target_semaphore(%run_scoped3A : memref<!tpu.dma_semaphore, #tpu.memory_space<semaphore_mem>>)
      %dma_wait3A_274 = tpu.memref_slice %arg4[%min3A_1] : memref<50000xi32, #tpu.memory_space<hbm>> -> memref<3136xi32, #tpu.memory_space<hbm>>
      %dma_wait3A_275 = tpu.memref_slice %arg4[%min3A_1] : memref<50000xi32, #tpu.memory_space<hbm>> -> memref<3136xi32, #tpu.memory_space<hbm>>
      tpu.wait_dma2 semaphore(%run_scoped3A : memref<!tpu.dma_semaphore, #tpu.memory_space<semaphore_mem>>) src(%dma_wait3A_275 : memref<3136xi32, #tpu.memory_space<hbm>>) dst(%arg7 : memref<3136xi32, #tpu.memory_space<vmem>>)
      tpu.yield
    }) : () -> ()
    "tpu.region"() ({
      %run_scoped3A = tpu.sem_alloc : memref<!tpu.dma_semaphore, #tpu.memory_space<semaphore_mem>>
      %dma_start3A_272 = tpu.memref_slice %arg5[%min3A_1] : memref<50000xi32, #tpu.memory_space<hbm>> -> memref<3136xi32, #tpu.memory_space<hbm>>
      %dma_start3A_273 = tpu.memref_slice %arg5[%min3A_1] : memref<50000xi32, #tpu.memory_space<hbm>> -> memref<3136xi32, #tpu.memory_space<hbm>>
      tpu.enqueue_dma source(%dma_start3A_273 : memref<3136xi32, #tpu.memory_space<hbm>>) target(%arg8 : memref<3136xi32, #tpu.memory_space<vmem>>) target_semaphore(%run_scoped3A : memref<!tpu.dma_semaphore, #tpu.memory_space<semaphore_mem>>)
      %dma_wait3A_274 = tpu.memref_slice %arg5[%min3A_1] : memref<50000xi32, #tpu.memory_space<hbm>> -> memref<3136xi32, #tpu.memory_space<hbm>>
      %dma_wait3A_275 = tpu.memref_slice %arg5[%min3A_1] : memref<50000xi32, #tpu.memory_space<hbm>> -> memref<3136xi32, #tpu.memory_space<hbm>>
      tpu.wait_dma2 semaphore(%run_scoped3A : memref<!tpu.dma_semaphore, #tpu.memory_space<semaphore_mem>>) src(%dma_wait3A_275 : memref<3136xi32, #tpu.memory_space<hbm>>) dst(%arg8 : memref<3136xi32, #tpu.memory_space<vmem>>)
      tpu.yield
    }) : () -> ()
    %scan3A_8 = arith.constant 0 : i32
    %scan3A_9 = arith.constant 0 : i32
    %scan3A_10 = arith.constant 196 : i32
    %scan3A_11 = arith.addi %scan3A_9, %scan3A_10 : i32
    %scan3A_12 = arith.constant 1 : i32
    %scan3A_13 = scf.for %scan3A_272 = %scan3A_9 to %scan3A_11 step %scan3A_12 iter_args(%scan3A_273 = %scan3A_8) -> (i32)  : i32 {
      %mul3A_274 = arith.constant 16 : i32
      %mul3A_275 = arith.muli %scan3A_272, %mul3A_274 : i32
      %get3A = arith.index_cast %mul3A_275 : i32 to index
      %get3A_276 = tpu.vector_load %arg7[%get3A] {strides = array<i32>} : memref<3136xi32, #tpu.memory_space<vmem>>, vector<16xi32>,
      %get3A_277 = vector.shape_cast %get3A_276 : vector<16xi32> to vector<16xi32>
      %mul3A_278 = arith.constant 16 : i32
      %mul3A_279 = arith.muli %scan3A_272, %mul3A_278 : i32
      %get3A_280 = arith.index_cast %mul3A_279 : i32 to index
      %get3A_281 = tpu.vector_load %arg8[%get3A_280] {strides = array<i32>} : memref<3136xi32, #tpu.memory_space<vmem>>, vector<16xi32>,
      %get3A_282 = vector.shape_cast %get3A_281 : vector<16xi32> to vector<16xi32>
      %mul3A_283 = arith.constant 16384 : i32
      %mul3A_284 = vector.broadcast %mul3A_283 : i32 to vector<16xi32>
      %mul3A_285 = arith.muli %get3A_277, %mul3A_284 : vector<16xi32>
      %add3A_286 = arith.addi %mul3A_285, %get3A_282 : vector<16xi32>
      %mul3A_287 = arith.constant 16 : i32
      %mul3A_288 = arith.muli %scan3A_272, %mul3A_287 : i32
      %add3A_289 = arith.addi %min3A_1, %mul3A_288 : i32
      %add3A_290 = vector.broadcast %add3A_289 : i32 to vector<16xi32>
      %add3A_291 = arith.addi %add3A_290, %iota3A : vector<16xi32>
      %mul3A_292 = arith.constant 3136 : i32
      %mul3A_293 = arith.muli %arg1, %mul3A_292 : i32
      %ge3A = vector.broadcast %mul3A_293 : i32 to vector<16xi32>
      %ge3A_294 = arith.cmpi sge, %add3A_291, %ge3A : vector<16xi32>
      %jit3A = arith.constant 2147483632 : i32
      %broadcast_in_dim3A = vector.broadcast %jit3A : i32 to vector<16xi32>
      %select_n3A = arith.select %ge3A_294, %add3A_286, %broadcast_in_dim3A : vector<16xi1>, vector<16xi32>
      %mul3A_295 = arith.constant 16 : i32
      %mul3A_296 = arith.muli %scan3A_272, %mul3A_295 : i32
      %swap3A = arith.index_cast %mul3A_296 : i32 to index
      %swap3A_297 = tpu.vector_load %arg10[%swap3A] {strides = array<i32>} : memref<3136xi32, #tpu.memory_space<vmem>>, vector<16xi32>,
      %swap3A_298 = vector.shape_cast %swap3A_297 : vector<16xi32> to vector<16xi32>
      %swap3A_299 = vector.shape_cast %select_n3A : vector<16xi32> to vector<16xi32>
      tpu.vector_store %arg10[%swap3A], %swap3A_299 {strides = array<i32>} : memref<3136xi32, #tpu.memory_space<vmem>>, vector<16xi32>,
      %scan3A_300 = arith.constant 0 : i32
      scf.yield %scan3A_300 : i32
    }
    %scan3A_14 = arith.constant 196 : i32
    %scan3A_15 = arith.constant 0 : i32
    %scan3A_16 = arith.constant 0 : i32
    %scan3A_17 = arith.constant 392 : i32
    %scan3A_18 = arith.addi %scan3A_16, %scan3A_17 : i32
    %scan3A_19 = arith.constant 1 : i32
    %scan3A_20 = scf.for %scan3A_272 = %scan3A_16 to %scan3A_18 step %scan3A_19 iter_args(%scan3A_273 = %scan3A_15) -> (i32)  : i32 {
      %broadcast_in_dim3A = arith.constant 1.000000e+00 : f32
      %broadcast_in_dim3A_274 = vector.broadcast %broadcast_in_dim3A : f32 to vector<16xf32>
      %mul3A_275 = arith.constant 16 : i32
      %mul3A_276 = arith.muli %scan3A_272, %mul3A_275 : i32
      %swap3A = arith.index_cast %mul3A_276 : i32 to index
      %swap3A_277 = tpu.vector_load %arg13[%swap3A] {strides = array<i32>} : memref<6272xf32, #tpu.memory_space<vmem>>, vector<16xf32>,
      %swap3A_278 = vector.shape_cast %swap3A_277 : vector<16xf32> to vector<16xf32>
      %swap3A_279 = vector.shape_cast %broadcast_in_dim3A_274 : vector<16xf32> to vector<16xf32>
      tpu.vector_store %arg13[%swap3A], %swap3A_279 {strides = array<i32>} : memref<6272xf32, #tpu.memory_space<vmem>>, vector<16xf32>,
      %scan3A_280 = arith.constant 0 : i32
      scf.yield %scan3A_280 : i32
    }
    %scan3A_21 = arith.constant 392 : i32
    %scan3A_22 = arith.constant 0 : i32
    %scan3A_23 = arith.constant 0 : i32
    %scan3A_24 = arith.constant 1232 : i32
    %scan3A_25 = arith.addi %scan3A_23, %scan3A_24 : i32
    %scan3A_26 = arith.constant 1 : i32
    %scan3A_27 = scf.for %scan3A_272 = %scan3A_23 to %scan3A_25 step %scan3A_26 iter_args(%scan3A_273 = %scan3A_22) -> (i32)  : i32 {
      %broadcast_in_dim3A = arith.constant 0.000000e+00 : f32
      %broadcast_in_dim3A_274 = vector.broadcast %broadcast_in_dim3A : f32 to vector<16xf32>
      %mul3A_275 = arith.constant 16 : i32
      %mul3A_276 = arith.muli %scan3A_272, %mul3A_275 : i32
      %swap3A = arith.index_cast %mul3A_276 : i32 to index
      %swap3A_277 = tpu.vector_load %arg14[%swap3A] {strides = array<i32>} : memref<19712xf32, #tpu.memory_space<vmem>>, vector<16xf32>,
      %swap3A_278 = vector.shape_cast %swap3A_277 : vector<16xf32> to vector<16xf32>
      %swap3A_279 = vector.shape_cast %broadcast_in_dim3A_274 : vector<16xf32> to vector<16xf32>
      tpu.vector_store %arg14[%swap3A], %swap3A_279 {strides = array<i32>} : memref<19712xf32, #tpu.memory_space<vmem>>, vector<16xf32>,
      %scan3A_280 = arith.constant 0 : i32
      scf.yield %scan3A_280 : i32
    }
    %scan3A_28 = arith.constant 1232 : i32
    %scan3A_29 = arith.constant 0 : i32
    %scan3A_30 = arith.constant 0 : i32
    %scan3A_31 = arith.constant 4 : i32
    %scan3A_32 = arith.addi %scan3A_30, %scan3A_31 : i32
    %scan3A_33 = arith.constant 1 : i32
    %scan3A_34 = scf.for %scan3A_272 = %scan3A_30 to %scan3A_32 step %scan3A_33 iter_args(%scan3A_273 = %scan3A_29) -> (i32)  : i32 {
      %mul3A_274 = arith.constant 78848 : i32
      %mul3A_275 = arith.muli %arg1, %mul3A_274 : i32
      %mul3A_276 = arith.constant 19712 : i32
      %mul3A_277 = arith.muli %scan3A_272, %mul3A_276 : i32
      %add3A_278 = arith.addi %mul3A_275, %mul3A_277 : i32
      "tpu.region"() ({
        %run_scoped3A = tpu.sem_alloc : memref<!tpu.dma_semaphore, #tpu.memory_space<semaphore_mem>>
        %dma_start3A_280 = tpu.memref_slice %arg15[%add3A_278] : memref<1261696xf32, #tpu.memory_space<vmem_shared>> -> memref<19712xf32, #tpu.memory_space<vmem_shared>>
        %dma_start3A_281 = tpu.memref_slice %arg15[%add3A_278] : memref<1261696xf32, #tpu.memory_space<vmem_shared>> -> memref<19712xf32, #tpu.memory_space<vmem_shared>>
        tpu.enqueue_dma source(%arg14 : memref<19712xf32, #tpu.memory_space<vmem>>) target(%dma_start3A_281 : memref<19712xf32, #tpu.memory_space<vmem_shared>>) target_semaphore(%run_scoped3A : memref<!tpu.dma_semaphore, #tpu.memory_space<semaphore_mem>>)
        %dma_wait3A_282 = tpu.memref_slice %arg15[%add3A_278] : memref<1261696xf32, #tpu.memory_space<vmem_shared>> -> memref<19712xf32, #tpu.memory_space<vmem_shared>>
        %dma_wait3A_283 = tpu.memref_slice %arg15[%add3A_278] : memref<1261696xf32, #tpu.memory_space<vmem_shared>> -> memref<19712xf32, #tpu.memory_space<vmem_shared>>
        tpu.wait_dma2 semaphore(%run_scoped3A : memref<!tpu.dma_semaphore, #tpu.memory_space<semaphore_mem>>) src(%arg14 : memref<19712xf32, #tpu.memory_space<vmem>>) dst(%dma_wait3A_283 : memref<19712xf32, #tpu.memory_space<vmem_shared>>)
        tpu.yield
      }) : () -> ()
      %scan3A_279 = arith.constant 0 : i32
      scf.yield %scan3A_279 : i32
    }
    %scan3A_35 = arith.constant 4 : i32
    %barrier3A = arith.constant 0 : index
    tpu.barrier barrier_id(%barrier3A)
    %mul3A_36 = arith.constant 78848 : i32
    %mul3A_37 = arith.muli %arg1, %mul3A_36 : i32
    %mul3A_38 = arith.constant 500 : i32
    %mul3A_39 = arith.muli %arg0, %mul3A_38 : i32
    %add3A = arith.constant 0 : i32
    %add3A_40 = arith.addi %mul3A_39, %add3A : i32
    %mul3A_41 = arith.constant 16384 : i32
    %mul3A_42 = arith.muli %add3A_40, %mul3A_41 : i32
    %scan3A_43 = arith.constant 0 : i32
    %scan3A_44 = arith.constant 0 : i32
    %scan3A_45 = arith.constant 196 : i32
    %scan3A_46 = arith.addi %scan3A_44, %scan3A_45 : i32
    %scan3A_47 = arith.constant 1 : i32
    %scan3A_48 = scf.for %scan3A_272 = %scan3A_44 to %scan3A_46 step %scan3A_47 iter_args(%scan3A_273 = %scan3A_43) -> (i32)  : i32 {
      %mul3A_274 = arith.constant 16 : i32
      %mul3A_275 = arith.muli %scan3A_272, %mul3A_274 : i32
      %get3A = arith.index_cast %mul3A_275 : i32 to index
      %get3A_276 = tpu.vector_load %arg9[%get3A] {strides = array<i32>} : memref<3136xi32, #tpu.memory_space<vmem>>, vector<16xi32>,
      %get3A_277 = vector.shape_cast %get3A_276 : vector<16xi32> to vector<16xi32>
      %sub3A = vector.broadcast %mul3A_42 : i32 to vector<16xi32>
      %sub3A_278 = arith.subi %get3A_277, %sub3A : vector<16xi32>
      %ge3A = arith.constant 0 : i32
      %ge3A_279 = vector.broadcast %ge3A : i32 to vector<16xi32>
      %ge3A_280 = arith.cmpi sge, %sub3A_278, %ge3A_279 : vector<16xi32>
      %lt3A = arith.constant 1261568 : i32
      %lt3A_281 = vector.broadcast %lt3A : i32 to vector<16xi32>
      %lt3A_282 = arith.cmpi slt, %sub3A_278, %lt3A_281 : vector<16xi32>
      %and3A = arith.andi %ge3A_280, %lt3A_282 : vector<16xi1>
      %and3A_283 = arith.constant 7 : i32
      %and3A_284 = arith.andi %scan3A_272, %and3A_283 : i32
      %mul3A_285 = arith.constant 16 : i32
      %mul3A_286 = arith.muli %and3A_284, %mul3A_285 : i32
      %add3A_287 = arith.constant 1261568 : i32
      %add3A_288 = arith.addi %add3A_287, %mul3A_286 : i32
      %add3A_289 = vector.broadcast %add3A_288 : i32 to vector<16xi32>
      %add3A_290 = arith.addi %add3A_289, %iota3A : vector<16xi32>
      %select_n3A = arith.select %and3A, %sub3A_278, %add3A_290 : vector<16xi1>, vector<16xi32>
      %mul3A_291 = arith.constant 16 : i32
      %mul3A_292 = arith.muli %scan3A_272, %mul3A_291 : i32
      %add3A_293 = arith.constant 0 : i32
      %add3A_294 = arith.addi %add3A_293, %mul3A_292 : i32
      %swap3A = arith.index_cast %add3A_294 : i32 to index
      %swap3A_295 = tpu.vector_load %arg11[%swap3A] {strides = array<i32>} : memref<6272xi32, #tpu.memory_space<vmem>>, vector<16xi32>,
      %swap3A_296 = vector.shape_cast %swap3A_295 : vector<16xi32> to vector<16xi32>
      %swap3A_297 = vector.shape_cast %select_n3A : vector<16xi32> to vector<16xi32>
      tpu.vector_store %arg11[%swap3A], %swap3A_297 {strides = array<i32>} : memref<6272xi32, #tpu.memory_space<vmem>>, vector<16xi32>,
      %scan3A_298 = arith.constant 0 : i32
      scf.yield %scan3A_298 : i32
    }
    %scan3A_49 = arith.constant 196 : i32
    %scan3A_50 = arith.constant 0 : i32
    %scan3A_51 = arith.constant 0 : i32
    %scan3A_52 = arith.constant 196 : i32
    %scan3A_53 = arith.addi %scan3A_51, %scan3A_52 : i32
    %scan3A_54 = arith.constant 1 : i32
    %scan3A_55 = scf.for %scan3A_272 = %scan3A_51 to %scan3A_53 step %scan3A_54 iter_args(%scan3A_273 = %scan3A_50) -> (i32)  : i32 {
      %mul3A_274 = arith.constant 16 : i32
      %mul3A_275 = arith.muli %scan3A_272, %mul3A_274 : i32
      %get3A = arith.index_cast %mul3A_275 : i32 to index
      %get3A_276 = tpu.vector_load %arg10[%get3A] {strides = array<i32>} : memref<3136xi32, #tpu.memory_space<vmem>>, vector<16xi32>,
      %get3A_277 = vector.shape_cast %get3A_276 : vector<16xi32> to vector<16xi32>
      %sub3A = vector.broadcast %mul3A_42 : i32 to vector<16xi32>
      %sub3A_278 = arith.subi %get3A_277, %sub3A : vector<16xi32>
      %ge3A = arith.constant 0 : i32
      %ge3A_279 = vector.broadcast %ge3A : i32 to vector<16xi32>
      %ge3A_280 = arith.cmpi sge, %sub3A_278, %ge3A_279 : vector<16xi32>
      %lt3A = arith.constant 1261568 : i32
      %lt3A_281 = vector.broadcast %lt3A : i32 to vector<16xi32>
      %lt3A_282 = arith.cmpi slt, %sub3A_278, %lt3A_281 : vector<16xi32>
      %and3A = arith.andi %ge3A_280, %lt3A_282 : vector<16xi1>
      %and3A_283 = arith.constant 7 : i32
      %and3A_284 = arith.andi %scan3A_272, %and3A_283 : i32
      %mul3A_285 = arith.constant 16 : i32
      %mul3A_286 = arith.muli %and3A_284, %mul3A_285 : i32
      %add3A_287 = arith.constant 1261568 : i32
      %add3A_288 = arith.addi %add3A_287, %mul3A_286 : i32
      %add3A_289 = vector.broadcast %add3A_288 : i32 to vector<16xi32>
      %add3A_290 = arith.addi %add3A_289, %iota3A : vector<16xi32>
      %select_n3A = arith.select %and3A, %sub3A_278, %add3A_290 : vector<16xi1>, vector<16xi32>
      %mul3A_291 = arith.constant 16 : i32
      %mul3A_292 = arith.muli %scan3A_272, %mul3A_291 : i32
      %add3A_293 = arith.constant 3136 : i32
      %add3A_294 = arith.addi %add3A_293, %mul3A_292 : i32
      %swap3A = arith.index_cast %add3A_294 : i32 to index
      %swap3A_295 = tpu.vector_load %arg11[%swap3A] {strides = array<i32>} : memref<6272xi32, #tpu.memory_space<vmem>>, vector<16xi32>,
      %swap3A_296 = vector.shape_cast %swap3A_295 : vector<16xi32> to vector<16xi32>
      %swap3A_297 = vector.shape_cast %select_n3A : vector<16xi32> to vector<16xi32>
      tpu.vector_store %arg11[%swap3A], %swap3A_297 {strides = array<i32>} : memref<6272xi32, #tpu.memory_space<vmem>>, vector<16xi32>,
      %scan3A_298 = arith.constant 0 : i32
      scf.yield %scan3A_298 : i32
    }
    %scan3A_56 = arith.constant 196 : i32
    "tpu.region"() ({
      %run_scoped3A = tpu.sem_alloc : memref<!tpu.dma_semaphore, #tpu.memory_space<semaphore_mem>>
      %dma_start3A_272 = arith.constant 0 : i32
      %dma_start3A_273 = tpu.memref_slice %arg15[%dma_start3A_272] : memref<1261696xf32, #tpu.memory_space<vmem_shared>> -> memref<1261696xf32, #tpu.memory_space<vmem_shared>>
      tpu.enqueue_indirect_dma source(%arg13 : memref<6272xf32, #tpu.memory_space<vmem>>) target(%dma_start3A_273 : memref<1261696xf32, #tpu.memory_space<vmem_shared>>) offsets(%arg11 : memref<6272xi32, #tpu.memory_space<vmem>>) semaphore(%run_scoped3A : memref<!tpu.dma_semaphore, #tpu.memory_space<semaphore_mem>>) {add = true}
      %dma_wait3A_274 = arith.constant 0 : i32
      %dma_wait3A_275 = tpu.memref_slice %arg15[%dma_wait3A_274] : memref<1261696xf32, #tpu.memory_space<vmem_shared>> -> memref<1261696xf32, #tpu.memory_space<vmem_shared>>
      tpu.wait_indirect_dma semaphore(%run_scoped3A : memref<!tpu.dma_semaphore, #tpu.memory_space<semaphore_mem>>) src(%arg13 : memref<6272xf32, #tpu.memory_space<vmem>>) dst(%dma_wait3A_275 : memref<1261696xf32, #tpu.memory_space<vmem_shared>>)
      tpu.yield
    }) : () -> ()
    %barrier3A_57 = arith.constant 0 : index
    tpu.barrier barrier_id(%barrier3A_57)
    %mul3A_58 = arith.constant 500 : i32
    %mul3A_59 = arith.muli %arg0, %mul3A_58 : i32
    %add3A_60 = arith.constant 0 : i32
    %add3A_61 = arith.addi %mul3A_59, %add3A_60 : i32
    %mul3A_62 = arith.constant 16384 : i32
    %mul3A_63 = arith.muli %add3A_61, %mul3A_62 : i32
    %add3A_64 = arith.addi %mul3A_63, %mul3A_37 : i32
    %dma_start3A = tpu.memref_slice %arg6[%add3A_64] : memref<16384000xf32, #tpu.memory_space<hbm>> -> memref<78848xf32, #tpu.memory_space<hbm>>
    %dma_start3A_65 = tpu.memref_slice %arg15[%mul3A_37] : memref<1261696xf32, #tpu.memory_space<vmem_shared>> -> memref<78848xf32, #tpu.memory_space<vmem_shared>>
    tpu.enqueue_dma source(%dma_start3A_65 : memref<78848xf32, #tpu.memory_space<vmem_shared>>) target(%dma_start3A : memref<78848xf32, #tpu.memory_space<hbm>>) target_semaphore(%arg16 : memref<!tpu.dma_semaphore, #tpu.memory_space<semaphore_mem>>)
    %mul3A_66 = arith.constant 500 : i32
    %mul3A_67 = arith.muli %arg0, %mul3A_66 : i32
    %add3A_68 = arith.constant 77 : i32
    %add3A_69 = arith.addi %mul3A_67, %add3A_68 : i32
    %mul3A_70 = arith.constant 16384 : i32
    %mul3A_71 = arith.muli %add3A_69, %mul3A_70 : i32
    %scan3A_72 = arith.constant 0 : i32
    %scan3A_73 = arith.constant 0 : i32
    %scan3A_74 = arith.constant 196 : i32
    %scan3A_75 = arith.addi %scan3A_73, %scan3A_74 : i32
    %scan3A_76 = arith.constant 1 : i32
    %scan3A_77 = scf.for %scan3A_272 = %scan3A_73 to %scan3A_75 step %scan3A_76 iter_args(%scan3A_273 = %scan3A_72) -> (i32)  : i32 {
      %mul3A_274 = arith.constant 16 : i32
      %mul3A_275 = arith.muli %scan3A_272, %mul3A_274 : i32
      %get3A = arith.index_cast %mul3A_275 : i32 to index
      %get3A_276 = tpu.vector_load %arg9[%get3A] {strides = array<i32>} : memref<3136xi32, #tpu.memory_space<vmem>>, vector<16xi32>,
      %get3A_277 = vector.shape_cast %get3A_276 : vector<16xi32> to vector<16xi32>
      %sub3A = vector.broadcast %mul3A_71 : i32 to vector<16xi32>
      %sub3A_278 = arith.subi %get3A_277, %sub3A : vector<16xi32>
      %ge3A = arith.constant 0 : i32
      %ge3A_279 = vector.broadcast %ge3A : i32 to vector<16xi32>
      %ge3A_280 = arith.cmpi sge, %sub3A_278, %ge3A_279 : vector<16xi32>
      %lt3A = arith.constant 1261568 : i32
      %lt3A_281 = vector.broadcast %lt3A : i32 to vector<16xi32>
      %lt3A_282 = arith.cmpi slt, %sub3A_278, %lt3A_281 : vector<16xi32>
      %and3A = arith.andi %ge3A_280, %lt3A_282 : vector<16xi1>
      %and3A_283 = arith.constant 7 : i32
      %and3A_284 = arith.andi %scan3A_272, %and3A_283 : i32
      %mul3A_285 = arith.constant 16 : i32
      %mul3A_286 = arith.muli %and3A_284, %mul3A_285 : i32
      %add3A_287 = arith.constant 1261568 : i32
      %add3A_288 = arith.addi %add3A_287, %mul3A_286 : i32
      %add3A_289 = vector.broadcast %add3A_288 : i32 to vector<16xi32>
      %add3A_290 = arith.addi %add3A_289, %iota3A : vector<16xi32>
      %select_n3A = arith.select %and3A, %sub3A_278, %add3A_290 : vector<16xi1>, vector<16xi32>
      %mul3A_291 = arith.constant 16 : i32
      %mul3A_292 = arith.muli %scan3A_272, %mul3A_291 : i32
      %add3A_293 = arith.constant 0 : i32
      %add3A_294 = arith.addi %add3A_293, %mul3A_292 : i32
      %swap3A = arith.index_cast %add3A_294 : i32 to index
      %swap3A_295 = tpu.vector_load %arg12[%swap3A] {strides = array<i32>} : memref<6272xi32, #tpu.memory_space<vmem>>, vector<16xi32>,
      %swap3A_296 = vector.shape_cast %swap3A_295 : vector<16xi32> to vector<16xi32>
      %swap3A_297 = vector.shape_cast %select_n3A : vector<16xi32> to vector<16xi32>
      tpu.vector_store %arg12[%swap3A], %swap3A_297 {strides = array<i32>} : memref<6272xi32, #tpu.memory_space<vmem>>, vector<16xi32>,
      %scan3A_298 = arith.constant 0 : i32
      scf.yield %scan3A_298 : i32
    }
    %scan3A_78 = arith.constant 196 : i32
    %scan3A_79 = arith.constant 0 : i32
    %scan3A_80 = arith.constant 0 : i32
    %scan3A_81 = arith.constant 196 : i32
    %scan3A_82 = arith.addi %scan3A_80, %scan3A_81 : i32
    %scan3A_83 = arith.constant 1 : i32
    %scan3A_84 = scf.for %scan3A_272 = %scan3A_80 to %scan3A_82 step %scan3A_83 iter_args(%scan3A_273 = %scan3A_79) -> (i32)  : i32 {
      %mul3A_274 = arith.constant 16 : i32
      %mul3A_275 = arith.muli %scan3A_272, %mul3A_274 : i32
      %get3A = arith.index_cast %mul3A_275 : i32 to index
      %get3A_276 = tpu.vector_load %arg10[%get3A] {strides = array<i32>} : memref<3136xi32, #tpu.memory_space<vmem>>, vector<16xi32>,
      %get3A_277 = vector.shape_cast %get3A_276 : vector<16xi32> to vector<16xi32>
      %sub3A = vector.broadcast %mul3A_71 : i32 to vector<16xi32>
      %sub3A_278 = arith.subi %get3A_277, %sub3A : vector<16xi32>
      %ge3A = arith.constant 0 : i32
      %ge3A_279 = vector.broadcast %ge3A : i32 to vector<16xi32>
      %ge3A_280 = arith.cmpi sge, %sub3A_278, %ge3A_279 : vector<16xi32>
      %lt3A = arith.constant 1261568 : i32
      %lt3A_281 = vector.broadcast %lt3A : i32 to vector<16xi32>
      %lt3A_282 = arith.cmpi slt, %sub3A_278, %lt3A_281 : vector<16xi32>
      %and3A = arith.andi %ge3A_280, %lt3A_282 : vector<16xi1>
      %and3A_283 = arith.constant 7 : i32
      %and3A_284 = arith.andi %scan3A_272, %and3A_283 : i32
      %mul3A_285 = arith.constant 16 : i32
      %mul3A_286 = arith.muli %and3A_284, %mul3A_285 : i32
      %add3A_287 = arith.constant 1261568 : i32
      %add3A_288 = arith.addi %add3A_287, %mul3A_286 : i32
      %add3A_289 = vector.broadcast %add3A_288 : i32 to vector<16xi32>
      %add3A_290 = arith.addi %add3A_289, %iota3A : vector<16xi32>
      %select_n3A = arith.select %and3A, %sub3A_278, %add3A_290 : vector<16xi1>, vector<16xi32>
      %mul3A_291 = arith.constant 16 : i32
      %mul3A_292 = arith.muli %scan3A_272, %mul3A_291 : i32
      %add3A_293 = arith.constant 3136 : i32
      %add3A_294 = arith.addi %add3A_293, %mul3A_292 : i32
      %swap3A = arith.index_cast %add3A_294 : i32 to index
      %swap3A_295 = tpu.vector_load %arg12[%swap3A] {strides = array<i32>} : memref<6272xi32, #tpu.memory_space<vmem>>, vector<16xi32>,
      %swap3A_296 = vector.shape_cast %swap3A_295 : vector<16xi32> to vector<16xi32>
      %swap3A_297 = vector.shape_cast %select_n3A : vector<16xi32> to vector<16xi32>
      tpu.vector_store %arg12[%swap3A], %swap3A_297 {strides = array<i32>} : memref<6272xi32, #tpu.memory_space<vmem>>, vector<16xi32>,
      %scan3A_298 = arith.constant 0 : i32
      scf.yield %scan3A_298 : i32
    }
    %scan3A_85 = arith.constant 196 : i32
    %dma_wait3A = tpu.memref_slice %arg6[%add3A_64] : memref<16384000xf32, #tpu.memory_space<hbm>> -> memref<78848xf32, #tpu.memory_space<hbm>>
    %dma_wait3A_86 = tpu.memref_slice %arg15[%mul3A_37] : memref<1261696xf32, #tpu.memory_space<vmem_shared>> -> memref<78848xf32, #tpu.memory_space<vmem_shared>>
    tpu.wait_dma2 semaphore(%arg16 : memref<!tpu.dma_semaphore, #tpu.memory_space<semaphore_mem>>) src(%dma_wait3A_86 : memref<78848xf32, #tpu.memory_space<vmem_shared>>) dst(%dma_wait3A : memref<78848xf32, #tpu.memory_space<hbm>>)
    %barrier3A_87 = arith.constant 0 : index
    tpu.barrier barrier_id(%barrier3A_87)
    "tpu.region"() ({
      %run_scoped3A = tpu.sem_alloc : memref<!tpu.dma_semaphore, #tpu.memory_space<semaphore_mem>>
      %dma_start3A_272 = arith.constant 0 : i32
      %dma_start3A_273 = tpu.memref_slice %arg14[%dma_start3A_272] : memref<19712xf32, #tpu.memory_space<vmem>> -> memref<6272xf32, #tpu.memory_space<vmem>>
      %dma_start3A_274 = arith.constant 0 : i32
      %dma_start3A_275 = tpu.memref_slice %arg15[%dma_start3A_274] : memref<1261696xf32, #tpu.memory_space<vmem_shared>> -> memref<1261696xf32, #tpu.memory_space<vmem_shared>>
      tpu.enqueue_indirect_dma source(%dma_start3A_273 : memref<6272xf32, #tpu.memory_space<vmem>>) target(%dma_start3A_275 : memref<1261696xf32, #tpu.memory_space<vmem_shared>>) offsets(%arg11 : memref<6272xi32, #tpu.memory_space<vmem>>) semaphore(%run_scoped3A : memref<!tpu.dma_semaphore, #tpu.memory_space<semaphore_mem>>)
      %dma_wait3A_276 = arith.constant 0 : i32
      %dma_wait3A_277 = tpu.memref_slice %arg14[%dma_wait3A_276] : memref<19712xf32, #tpu.memory_space<vmem>> -> memref<6272xf32, #tpu.memory_space<vmem>>
      %dma_wait3A_278 = arith.constant 0 : i32
      %dma_wait3A_279 = tpu.memref_slice %arg15[%dma_wait3A_278] : memref<1261696xf32, #tpu.memory_space<vmem_shared>> -> memref<1261696xf32, #tpu.memory_space<vmem_shared>>
      tpu.wait_indirect_dma semaphore(%run_scoped3A : memref<!tpu.dma_semaphore, #tpu.memory_space<semaphore_mem>>) src(%dma_wait3A_277 : memref<6272xf32, #tpu.memory_space<vmem>>) dst(%dma_wait3A_279 : memref<1261696xf32, #tpu.memory_space<vmem_shared>>)
      tpu.yield
    }) : () -> ()
    %barrier3A_88 = arith.constant 0 : index
    tpu.barrier barrier_id(%barrier3A_88)
    "tpu.region"() ({
      %run_scoped3A = tpu.sem_alloc : memref<!tpu.dma_semaphore, #tpu.memory_space<semaphore_mem>>
      %dma_start3A_272 = arith.constant 0 : i32
      %dma_start3A_273 = tpu.memref_slice %arg15[%dma_start3A_272] : memref<1261696xf32, #tpu.memory_space<vmem_shared>> -> memref<1261696xf32, #tpu.memory_space<vmem_shared>>
      tpu.enqueue_indirect_dma source(%arg13 : memref<6272xf32, #tpu.memory_space<vmem>>) target(%dma_start3A_273 : memref<1261696xf32, #tpu.memory_space<vmem_shared>>) offsets(%arg12 : memref<6272xi32, #tpu.memory_space<vmem>>) semaphore(%run_scoped3A : memref<!tpu.dma_semaphore, #tpu.memory_space<semaphore_mem>>) {add = true}
      %dma_wait3A_274 = arith.constant 0 : i32
      %dma_wait3A_275 = tpu.memref_slice %arg15[%dma_wait3A_274] : memref<1261696xf32, #tpu.memory_space<vmem_shared>> -> memref<1261696xf32, #tpu.memory_space<vmem_shared>>
      tpu.wait_indirect_dma semaphore(%run_scoped3A : memref<!tpu.dma_semaphore, #tpu.memory_space<semaphore_mem>>) src(%arg13 : memref<6272xf32, #tpu.memory_space<vmem>>) dst(%dma_wait3A_275 : memref<1261696xf32, #tpu.memory_space<vmem_shared>>)
      tpu.yield
    }) : () -> ()
    %barrier3A_89 = arith.constant 0 : index
    tpu.barrier barrier_id(%barrier3A_89)
    %mul3A_90 = arith.constant 500 : i32
    %mul3A_91 = arith.muli %arg0, %mul3A_90 : i32
    %add3A_92 = arith.constant 77 : i32
    %add3A_93 = arith.addi %mul3A_91, %add3A_92 : i32
    %mul3A_94 = arith.constant 16384 : i32
    %mul3A_95 = arith.muli %add3A_93, %mul3A_94 : i32
    %add3A_96 = arith.addi %mul3A_95, %mul3A_37 : i32
    %dma_start3A_97 = tpu.memref_slice %arg6[%add3A_96] : memref<16384000xf32, #tpu.memory_space<hbm>> -> memref<78848xf32, #tpu.memory_space<hbm>>
    %dma_start3A_98 = tpu.memref_slice %arg15[%mul3A_37] : memref<1261696xf32, #tpu.memory_space<vmem_shared>> -> memref<78848xf32, #tpu.memory_space<vmem_shared>>
    tpu.enqueue_dma source(%dma_start3A_98 : memref<78848xf32, #tpu.memory_space<vmem_shared>>) target(%dma_start3A_97 : memref<78848xf32, #tpu.memory_space<hbm>>) target_semaphore(%arg16 : memref<!tpu.dma_semaphore, #tpu.memory_space<semaphore_mem>>)
    %mul3A_99 = arith.constant 500 : i32
    %mul3A_100 = arith.muli %arg0, %mul3A_99 : i32
    %add3A_101 = arith.constant 154 : i32
    %add3A_102 = arith.addi %mul3A_100, %add3A_101 : i32
    %mul3A_103 = arith.constant 16384 : i32
    %mul3A_104 = arith.muli %add3A_102, %mul3A_103 : i32
    %scan3A_105 = arith.constant 0 : i32
    %scan3A_106 = arith.constant 0 : i32
    %scan3A_107 = arith.constant 196 : i32
    %scan3A_108 = arith.addi %scan3A_106, %scan3A_107 : i32
    %scan3A_109 = arith.constant 1 : i32
    %scan3A_110 = scf.for %scan3A_272 = %scan3A_106 to %scan3A_108 step %scan3A_109 iter_args(%scan3A_273 = %scan3A_105) -> (i32)  : i32 {
      %mul3A_274 = arith.constant 16 : i32
      %mul3A_275 = arith.muli %scan3A_272, %mul3A_274 : i32
      %get3A = arith.index_cast %mul3A_275 : i32 to index
      %get3A_276 = tpu.vector_load %arg9[%get3A] {strides = array<i32>} : memref<3136xi32, #tpu.memory_space<vmem>>, vector<16xi32>,
      %get3A_277 = vector.shape_cast %get3A_276 : vector<16xi32> to vector<16xi32>
      %sub3A = vector.broadcast %mul3A_104 : i32 to vector<16xi32>
      %sub3A_278 = arith.subi %get3A_277, %sub3A : vector<16xi32>
      %ge3A = arith.constant 0 : i32
      %ge3A_279 = vector.broadcast %ge3A : i32 to vector<16xi32>
      %ge3A_280 = arith.cmpi sge, %sub3A_278, %ge3A_279 : vector<16xi32>
      %lt3A = arith.constant 1261568 : i32
      %lt3A_281 = vector.broadcast %lt3A : i32 to vector<16xi32>
      %lt3A_282 = arith.cmpi slt, %sub3A_278, %lt3A_281 : vector<16xi32>
      %and3A = arith.andi %ge3A_280, %lt3A_282 : vector<16xi1>
      %and3A_283 = arith.constant 7 : i32
      %and3A_284 = arith.andi %scan3A_272, %and3A_283 : i32
      %mul3A_285 = arith.constant 16 : i32
      %mul3A_286 = arith.muli %and3A_284, %mul3A_285 : i32
      %add3A_287 = arith.constant 1261568 : i32
      %add3A_288 = arith.addi %add3A_287, %mul3A_286 : i32
      %add3A_289 = vector.broadcast %add3A_288 : i32 to vector<16xi32>
      %add3A_290 = arith.addi %add3A_289, %iota3A : vector<16xi32>
      %select_n3A = arith.select %and3A, %sub3A_278, %add3A_290 : vector<16xi1>, vector<16xi32>
      %mul3A_291 = arith.constant 16 : i32
      %mul3A_292 = arith.muli %scan3A_272, %mul3A_291 : i32
      %add3A_293 = arith.constant 0 : i32
      %add3A_294 = arith.addi %add3A_293, %mul3A_292 : i32
      %swap3A = arith.index_cast %add3A_294 : i32 to index
      %swap3A_295 = tpu.vector_load %arg11[%swap3A] {strides = array<i32>} : memref<6272xi32, #tpu.memory_space<vmem>>, vector<16xi32>,
      %swap3A_296 = vector.shape_cast %swap3A_295 : vector<16xi32> to vector<16xi32>
      %swap3A_297 = vector.shape_cast %select_n3A : vector<16xi32> to vector<16xi32>
      tpu.vector_store %arg11[%swap3A], %swap3A_297 {strides = array<i32>} : memref<6272xi32, #tpu.memory_space<vmem>>, vector<16xi32>,
      %scan3A_298 = arith.constant 0 : i32
      scf.yield %scan3A_298 : i32
    }
    %scan3A_111 = arith.constant 196 : i32
    %scan3A_112 = arith.constant 0 : i32
    %scan3A_113 = arith.constant 0 : i32
    %scan3A_114 = arith.constant 196 : i32
    %scan3A_115 = arith.addi %scan3A_113, %scan3A_114 : i32
    %scan3A_116 = arith.constant 1 : i32
    %scan3A_117 = scf.for %scan3A_272 = %scan3A_113 to %scan3A_115 step %scan3A_116 iter_args(%scan3A_273 = %scan3A_112) -> (i32)  : i32 {
      %mul3A_274 = arith.constant 16 : i32
      %mul3A_275 = arith.muli %scan3A_272, %mul3A_274 : i32
      %get3A = arith.index_cast %mul3A_275 : i32 to index
      %get3A_276 = tpu.vector_load %arg10[%get3A] {strides = array<i32>} : memref<3136xi32, #tpu.memory_space<vmem>>, vector<16xi32>,
      %get3A_277 = vector.shape_cast %get3A_276 : vector<16xi32> to vector<16xi32>
      %sub3A = vector.broadcast %mul3A_104 : i32 to vector<16xi32>
      %sub3A_278 = arith.subi %get3A_277, %sub3A : vector<16xi32>
      %ge3A = arith.constant 0 : i32
      %ge3A_279 = vector.broadcast %ge3A : i32 to vector<16xi32>
      %ge3A_280 = arith.cmpi sge, %sub3A_278, %ge3A_279 : vector<16xi32>
      %lt3A = arith.constant 1261568 : i32
      %lt3A_281 = vector.broadcast %lt3A : i32 to vector<16xi32>
      %lt3A_282 = arith.cmpi slt, %sub3A_278, %lt3A_281 : vector<16xi32>
      %and3A = arith.andi %ge3A_280, %lt3A_282 : vector<16xi1>
      %and3A_283 = arith.constant 7 : i32
      %and3A_284 = arith.andi %scan3A_272, %and3A_283 : i32
      %mul3A_285 = arith.constant 16 : i32
      %mul3A_286 = arith.muli %and3A_284, %mul3A_285 : i32
      %add3A_287 = arith.constant 1261568 : i32
      %add3A_288 = arith.addi %add3A_287, %mul3A_286 : i32
      %add3A_289 = vector.broadcast %add3A_288 : i32 to vector<16xi32>
      %add3A_290 = arith.addi %add3A_289, %iota3A : vector<16xi32>
      %select_n3A = arith.select %and3A, %sub3A_278, %add3A_290 : vector<16xi1>, vector<16xi32>
      %mul3A_291 = arith.constant 16 : i32
      %mul3A_292 = arith.muli %scan3A_272, %mul3A_291 : i32
      %add3A_293 = arith.constant 3136 : i32
      %add3A_294 = arith.addi %add3A_293, %mul3A_292 : i32
      %swap3A = arith.index_cast %add3A_294 : i32 to index
      %swap3A_295 = tpu.vector_load %arg11[%swap3A] {strides = array<i32>} : memref<6272xi32, #tpu.memory_space<vmem>>, vector<16xi32>,
      %swap3A_296 = vector.shape_cast %swap3A_295 : vector<16xi32> to vector<16xi32>
      %swap3A_297 = vector.shape_cast %select_n3A : vector<16xi32> to vector<16xi32>
      tpu.vector_store %arg11[%swap3A], %swap3A_297 {strides = array<i32>} : memref<6272xi32, #tpu.memory_space<vmem>>, vector<16xi32>,
      %scan3A_298 = arith.constant 0 : i32
      scf.yield %scan3A_298 : i32
    }
    %scan3A_118 = arith.constant 196 : i32
    %dma_wait3A_119 = tpu.memref_slice %arg6[%add3A_96] : memref<16384000xf32, #tpu.memory_space<hbm>> -> memref<78848xf32, #tpu.memory_space<hbm>>
    %dma_wait3A_120 = tpu.memref_slice %arg15[%mul3A_37] : memref<1261696xf32, #tpu.memory_space<vmem_shared>> -> memref<78848xf32, #tpu.memory_space<vmem_shared>>
    tpu.wait_dma2 semaphore(%arg16 : memref<!tpu.dma_semaphore, #tpu.memory_space<semaphore_mem>>) src(%dma_wait3A_120 : memref<78848xf32, #tpu.memory_space<vmem_shared>>) dst(%dma_wait3A_119 : memref<78848xf32, #tpu.memory_space<hbm>>)
    %barrier3A_121 = arith.constant 0 : index
    tpu.barrier barrier_id(%barrier3A_121)
    "tpu.region"() ({
      %run_scoped3A = tpu.sem_alloc : memref<!tpu.dma_semaphore, #tpu.memory_space<semaphore_mem>>
      %dma_start3A_272 = arith.constant 0 : i32
      %dma_start3A_273 = tpu.memref_slice %arg14[%dma_start3A_272] : memref<19712xf32, #tpu.memory_space<vmem>> -> memref<6272xf32, #tpu.memory_space<vmem>>
      %dma_start3A_274 = arith.constant 0 : i32
      %dma_start3A_275 = tpu.memref_slice %arg15[%dma_start3A_274] : memref<1261696xf32, #tpu.memory_space<vmem_shared>> -> memref<1261696xf32, #tpu.memory_space<vmem_shared>>
      tpu.enqueue_indirect_dma source(%dma_start3A_273 : memref<6272xf32, #tpu.memory_space<vmem>>) target(%dma_start3A_275 : memref<1261696xf32, #tpu.memory_space<vmem_shared>>) offsets(%arg12 : memref<6272xi32, #tpu.memory_space<vmem>>) semaphore(%run_scoped3A : memref<!tpu.dma_semaphore, #tpu.memory_space<semaphore_mem>>)
      %dma_wait3A_276 = arith.constant 0 : i32
      %dma_wait3A_277 = tpu.memref_slice %arg14[%dma_wait3A_276] : memref<19712xf32, #tpu.memory_space<vmem>> -> memref<6272xf32, #tpu.memory_space<vmem>>
      %dma_wait3A_278 = arith.constant 0 : i32
      %dma_wait3A_279 = tpu.memref_slice %arg15[%dma_wait3A_278] : memref<1261696xf32, #tpu.memory_space<vmem_shared>> -> memref<1261696xf32, #tpu.memory_space<vmem_shared>>
      tpu.wait_indirect_dma semaphore(%run_scoped3A : memref<!tpu.dma_semaphore, #tpu.memory_space<semaphore_mem>>) src(%dma_wait3A_277 : memref<6272xf32, #tpu.memory_space<vmem>>) dst(%dma_wait3A_279 : memref<1261696xf32, #tpu.memory_space<vmem_shared>>)
      tpu.yield
    }) : () -> ()
    %barrier3A_122 = arith.constant 0 : index
    tpu.barrier barrier_id(%barrier3A_122)
    "tpu.region"() ({
      %run_scoped3A = tpu.sem_alloc : memref<!tpu.dma_semaphore, #tpu.memory_space<semaphore_mem>>
      %dma_start3A_272 = arith.constant 0 : i32
      %dma_start3A_273 = tpu.memref_slice %arg15[%dma_start3A_272] : memref<1261696xf32, #tpu.memory_space<vmem_shared>> -> memref<1261696xf32, #tpu.memory_space<vmem_shared>>
      tpu.enqueue_indirect_dma source(%arg13 : memref<6272xf32, #tpu.memory_space<vmem>>) target(%dma_start3A_273 : memref<1261696xf32, #tpu.memory_space<vmem_shared>>) offsets(%arg11 : memref<6272xi32, #tpu.memory_space<vmem>>) semaphore(%run_scoped3A : memref<!tpu.dma_semaphore, #tpu.memory_space<semaphore_mem>>) {add = true}
      %dma_wait3A_274 = arith.constant 0 : i32
      %dma_wait3A_275 = tpu.memref_slice %arg15[%dma_wait3A_274] : memref<1261696xf32, #tpu.memory_space<vmem_shared>> -> memref<1261696xf32, #tpu.memory_space<vmem_shared>>
      tpu.wait_indirect_dma semaphore(%run_scoped3A : memref<!tpu.dma_semaphore, #tpu.memory_space<semaphore_mem>>) src(%arg13 : memref<6272xf32, #tpu.memory_space<vmem>>) dst(%dma_wait3A_275 : memref<1261696xf32, #tpu.memory_space<vmem_shared>>)
      tpu.yield
    }) : () -> ()
    %barrier3A_123 = arith.constant 0 : index
    tpu.barrier barrier_id(%barrier3A_123)
    %mul3A_124 = arith.constant 500 : i32
    %mul3A_125 = arith.muli %arg0, %mul3A_124 : i32
    %add3A_126 = arith.constant 154 : i32
    %add3A_127 = arith.addi %mul3A_125, %add3A_126 : i32
    %mul3A_128 = arith.constant 16384 : i32
    %mul3A_129 = arith.muli %add3A_127, %mul3A_128 : i32
    %add3A_130 = arith.addi %mul3A_129, %mul3A_37 : i32
    %dma_start3A_131 = tpu.memref_slice %arg6[%add3A_130] : memref<16384000xf32, #tpu.memory_space<hbm>> -> memref<78848xf32, #tpu.memory_space<hbm>>
    %dma_start3A_132 = tpu.memref_slice %arg15[%mul3A_37] : memref<1261696xf32, #tpu.memory_space<vmem_shared>> -> memref<78848xf32, #tpu.memory_space<vmem_shared>>
    tpu.enqueue_dma source(%dma_start3A_132 : memref<78848xf32, #tpu.memory_space<vmem_shared>>) target(%dma_start3A_131 : memref<78848xf32, #tpu.memory_space<hbm>>) target_semaphore(%arg16 : memref<!tpu.dma_semaphore, #tpu.memory_space<semaphore_mem>>)
    %mul3A_133 = arith.constant 500 : i32
    %mul3A_134 = arith.muli %arg0, %mul3A_133 : i32
    %add3A_135 = arith.constant 231 : i32
    %add3A_136 = arith.addi %mul3A_134, %add3A_135 : i32
    %mul3A_137 = arith.constant 16384 : i32
    %mul3A_138 = arith.muli %add3A_136, %mul3A_137 : i32
    %scan3A_139 = arith.constant 0 : i32
    %scan3A_140 = arith.constant 0 : i32
    %scan3A_141 = arith.constant 196 : i32
    %scan3A_142 = arith.addi %scan3A_140, %scan3A_141 : i32
    %scan3A_143 = arith.constant 1 : i32
    %scan3A_144 = scf.for %scan3A_272 = %scan3A_140 to %scan3A_142 step %scan3A_143 iter_args(%scan3A_273 = %scan3A_139) -> (i32)  : i32 {
      %mul3A_274 = arith.constant 16 : i32
      %mul3A_275 = arith.muli %scan3A_272, %mul3A_274 : i32
      %get3A = arith.index_cast %mul3A_275 : i32 to index
      %get3A_276 = tpu.vector_load %arg9[%get3A] {strides = array<i32>} : memref<3136xi32, #tpu.memory_space<vmem>>, vector<16xi32>,
      %get3A_277 = vector.shape_cast %get3A_276 : vector<16xi32> to vector<16xi32>
      %sub3A = vector.broadcast %mul3A_138 : i32 to vector<16xi32>
      %sub3A_278 = arith.subi %get3A_277, %sub3A : vector<16xi32>
      %ge3A = arith.constant 0 : i32
      %ge3A_279 = vector.broadcast %ge3A : i32 to vector<16xi32>
      %ge3A_280 = arith.cmpi sge, %sub3A_278, %ge3A_279 : vector<16xi32>
      %lt3A = arith.constant 1261568 : i32
      %lt3A_281 = vector.broadcast %lt3A : i32 to vector<16xi32>
      %lt3A_282 = arith.cmpi slt, %sub3A_278, %lt3A_281 : vector<16xi32>
      %and3A = arith.andi %ge3A_280, %lt3A_282 : vector<16xi1>
      %and3A_283 = arith.constant 7 : i32
      %and3A_284 = arith.andi %scan3A_272, %and3A_283 : i32
      %mul3A_285 = arith.constant 16 : i32
      %mul3A_286 = arith.muli %and3A_284, %mul3A_285 : i32
      %add3A_287 = arith.constant 1261568 : i32
      %add3A_288 = arith.addi %add3A_287, %mul3A_286 : i32
      %add3A_289 = vector.broadcast %add3A_288 : i32 to vector<16xi32>
      %add3A_290 = arith.addi %add3A_289, %iota3A : vector<16xi32>
      %select_n3A = arith.select %and3A, %sub3A_278, %add3A_290 : vector<16xi1>, vector<16xi32>
      %mul3A_291 = arith.constant 16 : i32
      %mul3A_292 = arith.muli %scan3A_272, %mul3A_291 : i32
      %add3A_293 = arith.constant 0 : i32
      %add3A_294 = arith.addi %add3A_293, %mul3A_292 : i32
      %swap3A = arith.index_cast %add3A_294 : i32 to index
      %swap3A_295 = tpu.vector_load %arg12[%swap3A] {strides = array<i32>} : memref<6272xi32, #tpu.memory_space<vmem>>, vector<16xi32>,
      %swap3A_296 = vector.shape_cast %swap3A_295 : vector<16xi32> to vector<16xi32>
      %swap3A_297 = vector.shape_cast %select_n3A : vector<16xi32> to vector<16xi32>
      tpu.vector_store %arg12[%swap3A], %swap3A_297 {strides = array<i32>} : memref<6272xi32, #tpu.memory_space<vmem>>, vector<16xi32>,
      %scan3A_298 = arith.constant 0 : i32
      scf.yield %scan3A_298 : i32
    }
    %scan3A_145 = arith.constant 196 : i32
    %scan3A_146 = arith.constant 0 : i32
    %scan3A_147 = arith.constant 0 : i32
    %scan3A_148 = arith.constant 196 : i32
    %scan3A_149 = arith.addi %scan3A_147, %scan3A_148 : i32
    %scan3A_150 = arith.constant 1 : i32
    %scan3A_151 = scf.for %scan3A_272 = %scan3A_147 to %scan3A_149 step %scan3A_150 iter_args(%scan3A_273 = %scan3A_146) -> (i32)  : i32 {
      %mul3A_274 = arith.constant 16 : i32
      %mul3A_275 = arith.muli %scan3A_272, %mul3A_274 : i32
      %get3A = arith.index_cast %mul3A_275 : i32 to index
      %get3A_276 = tpu.vector_load %arg10[%get3A] {strides = array<i32>} : memref<3136xi32, #tpu.memory_space<vmem>>, vector<16xi32>,
      %get3A_277 = vector.shape_cast %get3A_276 : vector<16xi32> to vector<16xi32>
      %sub3A = vector.broadcast %mul3A_138 : i32 to vector<16xi32>
      %sub3A_278 = arith.subi %get3A_277, %sub3A : vector<16xi32>
      %ge3A = arith.constant 0 : i32
      %ge3A_279 = vector.broadcast %ge3A : i32 to vector<16xi32>
      %ge3A_280 = arith.cmpi sge, %sub3A_278, %ge3A_279 : vector<16xi32>
      %lt3A = arith.constant 1261568 : i32
      %lt3A_281 = vector.broadcast %lt3A : i32 to vector<16xi32>
      %lt3A_282 = arith.cmpi slt, %sub3A_278, %lt3A_281 : vector<16xi32>
      %and3A = arith.andi %ge3A_280, %lt3A_282 : vector<16xi1>
      %and3A_283 = arith.constant 7 : i32
      %and3A_284 = arith.andi %scan3A_272, %and3A_283 : i32
      %mul3A_285 = arith.constant 16 : i32
      %mul3A_286 = arith.muli %and3A_284, %mul3A_285 : i32
      %add3A_287 = arith.constant 1261568 : i32
      %add3A_288 = arith.addi %add3A_287, %mul3A_286 : i32
      %add3A_289 = vector.broadcast %add3A_288 : i32 to vector<16xi32>
      %add3A_290 = arith.addi %add3A_289, %iota3A : vector<16xi32>
      %select_n3A = arith.select %and3A, %sub3A_278, %add3A_290 : vector<16xi1>, vector<16xi32>
      %mul3A_291 = arith.constant 16 : i32
      %mul3A_292 = arith.muli %scan3A_272, %mul3A_291 : i32
      %add3A_293 = arith.constant 3136 : i32
      %add3A_294 = arith.addi %add3A_293, %mul3A_292 : i32
      %swap3A = arith.index_cast %add3A_294 : i32 to index
      %swap3A_295 = tpu.vector_load %arg12[%swap3A] {strides = array<i32>} : memref<6272xi32, #tpu.memory_space<vmem>>, vector<16xi32>,
      %swap3A_296 = vector.shape_cast %swap3A_295 : vector<16xi32> to vector<16xi32>
      %swap3A_297 = vector.shape_cast %select_n3A : vector<16xi32> to vector<16xi32>
      tpu.vector_store %arg12[%swap3A], %swap3A_297 {strides = array<i32>} : memref<6272xi32, #tpu.memory_space<vmem>>, vector<16xi32>,
      %scan3A_298 = arith.constant 0 : i32
      scf.yield %scan3A_298 : i32
    }
    %scan3A_152 = arith.constant 196 : i32
    %dma_wait3A_153 = tpu.memref_slice %arg6[%add3A_130] : memref<16384000xf32, #tpu.memory_space<hbm>> -> memref<78848xf32, #tpu.memory_space<hbm>>
    %dma_wait3A_154 = tpu.memref_slice %arg15[%mul3A_37] : memref<1261696xf32, #tpu.memory_space<vmem_shared>> -> memref<78848xf32, #tpu.memory_space<vmem_shared>>
    tpu.wait_dma2 semaphore(%arg16 : memref<!tpu.dma_semaphore, #tpu.memory_space<semaphore_mem>>) src(%dma_wait3A_154 : memref<78848xf32, #tpu.memory_space<vmem_shared>>) dst(%dma_wait3A_153 : memref<78848xf32, #tpu.memory_space<hbm>>)
    %barrier3A_155 = arith.constant 0 : index
    tpu.barrier barrier_id(%barrier3A_155)
    "tpu.region"() ({
      %run_scoped3A = tpu.sem_alloc : memref<!tpu.dma_semaphore, #tpu.memory_space<semaphore_mem>>
      %dma_start3A_272 = arith.constant 0 : i32
      %dma_start3A_273 = tpu.memref_slice %arg14[%dma_start3A_272] : memref<19712xf32, #tpu.memory_space<vmem>> -> memref<6272xf32, #tpu.memory_space<vmem>>
      %dma_start3A_274 = arith.constant 0 : i32
      %dma_start3A_275 = tpu.memref_slice %arg15[%dma_start3A_274] : memref<1261696xf32, #tpu.memory_space<vmem_shared>> -> memref<1261696xf32, #tpu.memory_space<vmem_shared>>
      tpu.enqueue_indirect_dma source(%dma_start3A_273 : memref<6272xf32, #tpu.memory_space<vmem>>) target(%dma_start3A_275 : memref<1261696xf32, #tpu.memory_space<vmem_shared>>) offsets(%arg11 : memref<6272xi32, #tpu.memory_space<vmem>>) semaphore(%run_scoped3A : memref<!tpu.dma_semaphore, #tpu.memory_space<semaphore_mem>>)
      %dma_wait3A_276 = arith.constant 0 : i32
      %dma_wait3A_277 = tpu.memref_slice %arg14[%dma_wait3A_276] : memref<19712xf32, #tpu.memory_space<vmem>> -> memref<6272xf32, #tpu.memory_space<vmem>>
      %dma_wait3A_278 = arith.constant 0 : i32
      %dma_wait3A_279 = tpu.memref_slice %arg15[%dma_wait3A_278] : memref<1261696xf32, #tpu.memory_space<vmem_shared>> -> memref<1261696xf32, #tpu.memory_space<vmem_shared>>
      tpu.wait_indirect_dma semaphore(%run_scoped3A : memref<!tpu.dma_semaphore, #tpu.memory_space<semaphore_mem>>) src(%dma_wait3A_277 : memref<6272xf32, #tpu.memory_space<vmem>>) dst(%dma_wait3A_279 : memref<1261696xf32, #tpu.memory_space<vmem_shared>>)
      tpu.yield
    }) : () -> ()
    %barrier3A_156 = arith.constant 0 : index
    tpu.barrier barrier_id(%barrier3A_156)
    "tpu.region"() ({
      %run_scoped3A = tpu.sem_alloc : memref<!tpu.dma_semaphore, #tpu.memory_space<semaphore_mem>>
      %dma_start3A_272 = arith.constant 0 : i32
      %dma_start3A_273 = tpu.memref_slice %arg15[%dma_start3A_272] : memref<1261696xf32, #tpu.memory_space<vmem_shared>> -> memref<1261696xf32, #tpu.memory_space<vmem_shared>>
      tpu.enqueue_indirect_dma source(%arg13 : memref<6272xf32, #tpu.memory_space<vmem>>) target(%dma_start3A_273 : memref<1261696xf32, #tpu.memory_space<vmem_shared>>) offsets(%arg12 : memref<6272xi32, #tpu.memory_space<vmem>>) semaphore(%run_scoped3A : memref<!tpu.dma_semaphore, #tpu.memory_space<semaphore_mem>>) {add = true}
      %dma_wait3A_274 = arith.constant 0 : i32
      %dma_wait3A_275 = tpu.memref_slice %arg15[%dma_wait3A_274] : memref<1261696xf32, #tpu.memory_space<vmem_shared>> -> memref<1261696xf32, #tpu.memory_space<vmem_shared>>
      tpu.wait_indirect_dma semaphore(%run_scoped3A : memref<!tpu.dma_semaphore, #tpu.memory_space<semaphore_mem>>) src(%arg13 : memref<6272xf32, #tpu.memory_space<vmem>>) dst(%dma_wait3A_275 : memref<1261696xf32, #tpu.memory_space<vmem_shared>>)
      tpu.yield
    }) : () -> ()
    %barrier3A_157 = arith.constant 0 : index
    tpu.barrier barrier_id(%barrier3A_157)
    %mul3A_158 = arith.constant 500 : i32
    %mul3A_159 = arith.muli %arg0, %mul3A_158 : i32
    %add3A_160 = arith.constant 231 : i32
    %add3A_161 = arith.addi %mul3A_159, %add3A_160 : i32
    %mul3A_162 = arith.constant 16384 : i32
    %mul3A_163 = arith.muli %add3A_161, %mul3A_162 : i32
    %add3A_164 = arith.addi %mul3A_163, %mul3A_37 : i32
    %dma_start3A_165 = tpu.memref_slice %arg6[%add3A_164] : memref<16384000xf32, #tpu.memory_space<hbm>> -> memref<78848xf32, #tpu.memory_space<hbm>>
    %dma_start3A_166 = tpu.memref_slice %arg15[%mul3A_37] : memref<1261696xf32, #tpu.memory_space<vmem_shared>> -> memref<78848xf32, #tpu.memory_space<vmem_shared>>
    tpu.enqueue_dma source(%dma_start3A_166 : memref<78848xf32, #tpu.memory_space<vmem_shared>>) target(%dma_start3A_165 : memref<78848xf32, #tpu.memory_space<hbm>>) target_semaphore(%arg16 : memref<!tpu.dma_semaphore, #tpu.memory_space<semaphore_mem>>)
    %mul3A_167 = arith.constant 500 : i32
    %mul3A_168 = arith.muli %arg0, %mul3A_167 : i32
    %add3A_169 = arith.constant 308 : i32
    %add3A_170 = arith.addi %mul3A_168, %add3A_169 : i32
    %mul3A_171 = arith.constant 16384 : i32
    %mul3A_172 = arith.muli %add3A_170, %mul3A_171 : i32
    %scan3A_173 = arith.constant 0 : i32
    %scan3A_174 = arith.constant 0 : i32
    %scan3A_175 = arith.constant 196 : i32
    %scan3A_176 = arith.addi %scan3A_174, %scan3A_175 : i32
    %scan3A_177 = arith.constant 1 : i32
    %scan3A_178 = scf.for %scan3A_272 = %scan3A_174 to %scan3A_176 step %scan3A_177 iter_args(%scan3A_273 = %scan3A_173) -> (i32)  : i32 {
      %mul3A_274 = arith.constant 16 : i32
      %mul3A_275 = arith.muli %scan3A_272, %mul3A_274 : i32
      %get3A = arith.index_cast %mul3A_275 : i32 to index
      %get3A_276 = tpu.vector_load %arg9[%get3A] {strides = array<i32>} : memref<3136xi32, #tpu.memory_space<vmem>>, vector<16xi32>,
      %get3A_277 = vector.shape_cast %get3A_276 : vector<16xi32> to vector<16xi32>
      %sub3A = vector.broadcast %mul3A_172 : i32 to vector<16xi32>
      %sub3A_278 = arith.subi %get3A_277, %sub3A : vector<16xi32>
      %ge3A = arith.constant 0 : i32
      %ge3A_279 = vector.broadcast %ge3A : i32 to vector<16xi32>
      %ge3A_280 = arith.cmpi sge, %sub3A_278, %ge3A_279 : vector<16xi32>
      %lt3A = arith.constant 1261568 : i32
      %lt3A_281 = vector.broadcast %lt3A : i32 to vector<16xi32>
      %lt3A_282 = arith.cmpi slt, %sub3A_278, %lt3A_281 : vector<16xi32>
      %and3A = arith.andi %ge3A_280, %lt3A_282 : vector<16xi1>
      %and3A_283 = arith.constant 7 : i32
      %and3A_284 = arith.andi %scan3A_272, %and3A_283 : i32
      %mul3A_285 = arith.constant 16 : i32
      %mul3A_286 = arith.muli %and3A_284, %mul3A_285 : i32
      %add3A_287 = arith.constant 1261568 : i32
      %add3A_288 = arith.addi %add3A_287, %mul3A_286 : i32
      %add3A_289 = vector.broadcast %add3A_288 : i32 to vector<16xi32>
      %add3A_290 = arith.addi %add3A_289, %iota3A : vector<16xi32>
      %select_n3A = arith.select %and3A, %sub3A_278, %add3A_290 : vector<16xi1>, vector<16xi32>
      %mul3A_291 = arith.constant 16 : i32
      %mul3A_292 = arith.muli %scan3A_272, %mul3A_291 : i32
      %add3A_293 = arith.constant 0 : i32
      %add3A_294 = arith.addi %add3A_293, %mul3A_292 : i32
      %swap3A = arith.index_cast %add3A_294 : i32 to index
      %swap3A_295 = tpu.vector_load %arg11[%swap3A] {strides = array<i32>} : memref<6272xi32, #tpu.memory_space<vmem>>, vector<16xi32>,
      %swap3A_296 = vector.shape_cast %swap3A_295 : vector<16xi32> to vector<16xi32>
      %swap3A_297 = vector.shape_cast %select_n3A : vector<16xi32> to vector<16xi32>
      tpu.vector_store %arg11[%swap3A], %swap3A_297 {strides = array<i32>} : memref<6272xi32, #tpu.memory_space<vmem>>, vector<16xi32>,
      %scan3A_298 = arith.constant 0 : i32
      scf.yield %scan3A_298 : i32
    }
    %scan3A_179 = arith.constant 196 : i32
    %scan3A_180 = arith.constant 0 : i32
    %scan3A_181 = arith.constant 0 : i32
    %scan3A_182 = arith.constant 196 : i32
    %scan3A_183 = arith.addi %scan3A_181, %scan3A_182 : i32
    %scan3A_184 = arith.constant 1 : i32
    %scan3A_185 = scf.for %scan3A_272 = %scan3A_181 to %scan3A_183 step %scan3A_184 iter_args(%scan3A_273 = %scan3A_180) -> (i32)  : i32 {
      %mul3A_274 = arith.constant 16 : i32
      %mul3A_275 = arith.muli %scan3A_272, %mul3A_274 : i32
      %get3A = arith.index_cast %mul3A_275 : i32 to index
      %get3A_276 = tpu.vector_load %arg10[%get3A] {strides = array<i32>} : memref<3136xi32, #tpu.memory_space<vmem>>, vector<16xi32>,
      %get3A_277 = vector.shape_cast %get3A_276 : vector<16xi32> to vector<16xi32>
      %sub3A = vector.broadcast %mul3A_172 : i32 to vector<16xi32>
      %sub3A_278 = arith.subi %get3A_277, %sub3A : vector<16xi32>
      %ge3A = arith.constant 0 : i32
      %ge3A_279 = vector.broadcast %ge3A : i32 to vector<16xi32>
      %ge3A_280 = arith.cmpi sge, %sub3A_278, %ge3A_279 : vector<16xi32>
      %lt3A = arith.constant 1261568 : i32
      %lt3A_281 = vector.broadcast %lt3A : i32 to vector<16xi32>
      %lt3A_282 = arith.cmpi slt, %sub3A_278, %lt3A_281 : vector<16xi32>
      %and3A = arith.andi %ge3A_280, %lt3A_282 : vector<16xi1>
      %and3A_283 = arith.constant 7 : i32
      %and3A_284 = arith.andi %scan3A_272, %and3A_283 : i32
      %mul3A_285 = arith.constant 16 : i32
      %mul3A_286 = arith.muli %and3A_284, %mul3A_285 : i32
      %add3A_287 = arith.constant 1261568 : i32
      %add3A_288 = arith.addi %add3A_287, %mul3A_286 : i32
      %add3A_289 = vector.broadcast %add3A_288 : i32 to vector<16xi32>
      %add3A_290 = arith.addi %add3A_289, %iota3A : vector<16xi32>
      %select_n3A = arith.select %and3A, %sub3A_278, %add3A_290 : vector<16xi1>, vector<16xi32>
      %mul3A_291 = arith.constant 16 : i32
      %mul3A_292 = arith.muli %scan3A_272, %mul3A_291 : i32
      %add3A_293 = arith.constant 3136 : i32
      %add3A_294 = arith.addi %add3A_293, %mul3A_292 : i32
      %swap3A = arith.index_cast %add3A_294 : i32 to index
      %swap3A_295 = tpu.vector_load %arg11[%swap3A] {strides = array<i32>} : memref<6272xi32, #tpu.memory_space<vmem>>, vector<16xi32>,
      %swap3A_296 = vector.shape_cast %swap3A_295 : vector<16xi32> to vector<16xi32>
      %swap3A_297 = vector.shape_cast %select_n3A : vector<16xi32> to vector<16xi32>
      tpu.vector_store %arg11[%swap3A], %swap3A_297 {strides = array<i32>} : memref<6272xi32, #tpu.memory_space<vmem>>, vector<16xi32>,
      %scan3A_298 = arith.constant 0 : i32
      scf.yield %scan3A_298 : i32
    }
    %scan3A_186 = arith.constant 196 : i32
    %dma_wait3A_187 = tpu.memref_slice %arg6[%add3A_164] : memref<16384000xf32, #tpu.memory_space<hbm>> -> memref<78848xf32, #tpu.memory_space<hbm>>
    %dma_wait3A_188 = tpu.memref_slice %arg15[%mul3A_37] : memref<1261696xf32, #tpu.memory_space<vmem_shared>> -> memref<78848xf32, #tpu.memory_space<vmem_shared>>
    tpu.wait_dma2 semaphore(%arg16 : memref<!tpu.dma_semaphore, #tpu.memory_space<semaphore_mem>>) src(%dma_wait3A_188 : memref<78848xf32, #tpu.memory_space<vmem_shared>>) dst(%dma_wait3A_187 : memref<78848xf32, #tpu.memory_space<hbm>>)
    %barrier3A_189 = arith.constant 0 : index
    tpu.barrier barrier_id(%barrier3A_189)
    "tpu.region"() ({
      %run_scoped3A = tpu.sem_alloc : memref<!tpu.dma_semaphore, #tpu.memory_space<semaphore_mem>>
      %dma_start3A_272 = arith.constant 0 : i32
      %dma_start3A_273 = tpu.memref_slice %arg14[%dma_start3A_272] : memref<19712xf32, #tpu.memory_space<vmem>> -> memref<6272xf32, #tpu.memory_space<vmem>>
      %dma_start3A_274 = arith.constant 0 : i32
      %dma_start3A_275 = tpu.memref_slice %arg15[%dma_start3A_274] : memref<1261696xf32, #tpu.memory_space<vmem_shared>> -> memref<1261696xf32, #tpu.memory_space<vmem_shared>>
      tpu.enqueue_indirect_dma source(%dma_start3A_273 : memref<6272xf32, #tpu.memory_space<vmem>>) target(%dma_start3A_275 : memref<1261696xf32, #tpu.memory_space<vmem_shared>>) offsets(%arg12 : memref<6272xi32, #tpu.memory_space<vmem>>) semaphore(%run_scoped3A : memref<!tpu.dma_semaphore, #tpu.memory_space<semaphore_mem>>)
      %dma_wait3A_276 = arith.constant 0 : i32
      %dma_wait3A_277 = tpu.memref_slice %arg14[%dma_wait3A_276] : memref<19712xf32, #tpu.memory_space<vmem>> -> memref<6272xf32, #tpu.memory_space<vmem>>
      %dma_wait3A_278 = arith.constant 0 : i32
      %dma_wait3A_279 = tpu.memref_slice %arg15[%dma_wait3A_278] : memref<1261696xf32, #tpu.memory_space<vmem_shared>> -> memref<1261696xf32, #tpu.memory_space<vmem_shared>>
      tpu.wait_indirect_dma semaphore(%run_scoped3A : memref<!tpu.dma_semaphore, #tpu.memory_space<semaphore_mem>>) src(%dma_wait3A_277 : memref<6272xf32, #tpu.memory_space<vmem>>) dst(%dma_wait3A_279 : memref<1261696xf32, #tpu.memory_space<vmem_shared>>)
      tpu.yield
    }) : () -> ()
    %barrier3A_190 = arith.constant 0 : index
    tpu.barrier barrier_id(%barrier3A_190)
    "tpu.region"() ({
      %run_scoped3A = tpu.sem_alloc : memref<!tpu.dma_semaphore, #tpu.memory_space<semaphore_mem>>
      %dma_start3A_272 = arith.constant 0 : i32
      %dma_start3A_273 = tpu.memref_slice %arg15[%dma_start3A_272] : memref<1261696xf32, #tpu.memory_space<vmem_shared>> -> memref<1261696xf32, #tpu.memory_space<vmem_shared>>
      tpu.enqueue_indirect_dma source(%arg13 : memref<6272xf32, #tpu.memory_space<vmem>>) target(%dma_start3A_273 : memref<1261696xf32, #tpu.memory_space<vmem_shared>>) offsets(%arg11 : memref<6272xi32, #tpu.memory_space<vmem>>) semaphore(%run_scoped3A : memref<!tpu.dma_semaphore, #tpu.memory_space<semaphore_mem>>) {add = true}
      %dma_wait3A_274 = arith.constant 0 : i32
      %dma_wait3A_275 = tpu.memref_slice %arg15[%dma_wait3A_274] : memref<1261696xf32, #tpu.memory_space<vmem_shared>> -> memref<1261696xf32, #tpu.memory_space<vmem_shared>>
      tpu.wait_indirect_dma semaphore(%run_scoped3A : memref<!tpu.dma_semaphore, #tpu.memory_space<semaphore_mem>>) src(%arg13 : memref<6272xf32, #tpu.memory_space<vmem>>) dst(%dma_wait3A_275 : memref<1261696xf32, #tpu.memory_space<vmem_shared>>)
      tpu.yield
    }) : () -> ()
    %barrier3A_191 = arith.constant 0 : index
    tpu.barrier barrier_id(%barrier3A_191)
    %mul3A_192 = arith.constant 500 : i32
    %mul3A_193 = arith.muli %arg0, %mul3A_192 : i32
    %add3A_194 = arith.constant 308 : i32
    %add3A_195 = arith.addi %mul3A_193, %add3A_194 : i32
    %mul3A_196 = arith.constant 16384 : i32
    %mul3A_197 = arith.muli %add3A_195, %mul3A_196 : i32
    %add3A_198 = arith.addi %mul3A_197, %mul3A_37 : i32
    %dma_start3A_199 = tpu.memref_slice %arg6[%add3A_198] : memref<16384000xf32, #tpu.memory_space<hbm>> -> memref<78848xf32, #tpu.memory_space<hbm>>
    %dma_start3A_200 = tpu.memref_slice %arg15[%mul3A_37] : memref<1261696xf32, #tpu.memory_space<vmem_shared>> -> memref<78848xf32, #tpu.memory_space<vmem_shared>>
    tpu.enqueue_dma source(%dma_start3A_200 : memref<78848xf32, #tpu.memory_space<vmem_shared>>) target(%dma_start3A_199 : memref<78848xf32, #tpu.memory_space<hbm>>) target_semaphore(%arg16 : memref<!tpu.dma_semaphore, #tpu.memory_space<semaphore_mem>>)
    %mul3A_201 = arith.constant 500 : i32
    %mul3A_202 = arith.muli %arg0, %mul3A_201 : i32
    %add3A_203 = arith.constant 385 : i32
    %add3A_204 = arith.addi %mul3A_202, %add3A_203 : i32
    %mul3A_205 = arith.constant 16384 : i32
    %mul3A_206 = arith.muli %add3A_204, %mul3A_205 : i32
    %scan3A_207 = arith.constant 0 : i32
    %scan3A_208 = arith.constant 0 : i32
    %scan3A_209 = arith.constant 196 : i32
    %scan3A_210 = arith.addi %scan3A_208, %scan3A_209 : i32
    %scan3A_211 = arith.constant 1 : i32
    %scan3A_212 = scf.for %scan3A_272 = %scan3A_208 to %scan3A_210 step %scan3A_211 iter_args(%scan3A_273 = %scan3A_207) -> (i32)  : i32 {
      %mul3A_274 = arith.constant 16 : i32
      %mul3A_275 = arith.muli %scan3A_272, %mul3A_274 : i32
      %get3A = arith.index_cast %mul3A_275 : i32 to index
      %get3A_276 = tpu.vector_load %arg9[%get3A] {strides = array<i32>} : memref<3136xi32, #tpu.memory_space<vmem>>, vector<16xi32>,
      %get3A_277 = vector.shape_cast %get3A_276 : vector<16xi32> to vector<16xi32>
      %sub3A = vector.broadcast %mul3A_206 : i32 to vector<16xi32>
      %sub3A_278 = arith.subi %get3A_277, %sub3A : vector<16xi32>
      %ge3A = arith.constant 0 : i32
      %ge3A_279 = vector.broadcast %ge3A : i32 to vector<16xi32>
      %ge3A_280 = arith.cmpi sge, %sub3A_278, %ge3A_279 : vector<16xi32>
      %lt3A = arith.constant 1261568 : i32
      %lt3A_281 = vector.broadcast %lt3A : i32 to vector<16xi32>
      %lt3A_282 = arith.cmpi slt, %sub3A_278, %lt3A_281 : vector<16xi32>
      %and3A = arith.andi %ge3A_280, %lt3A_282 : vector<16xi1>
      %and3A_283 = arith.constant 7 : i32
      %and3A_284 = arith.andi %scan3A_272, %and3A_283 : i32
      %mul3A_285 = arith.constant 16 : i32
      %mul3A_286 = arith.muli %and3A_284, %mul3A_285 : i32
      %add3A_287 = arith.constant 1261568 : i32
      %add3A_288 = arith.addi %add3A_287, %mul3A_286 : i32
      %add3A_289 = vector.broadcast %add3A_288 : i32 to vector<16xi32>
      %add3A_290 = arith.addi %add3A_289, %iota3A : vector<16xi32>
      %select_n3A = arith.select %and3A, %sub3A_278, %add3A_290 : vector<16xi1>, vector<16xi32>
      %mul3A_291 = arith.constant 16 : i32
      %mul3A_292 = arith.muli %scan3A_272, %mul3A_291 : i32
      %add3A_293 = arith.constant 0 : i32
      %add3A_294 = arith.addi %add3A_293, %mul3A_292 : i32
      %swap3A = arith.index_cast %add3A_294 : i32 to index
      %swap3A_295 = tpu.vector_load %arg12[%swap3A] {strides = array<i32>} : memref<6272xi32, #tpu.memory_space<vmem>>, vector<16xi32>,
      %swap3A_296 = vector.shape_cast %swap3A_295 : vector<16xi32> to vector<16xi32>
      %swap3A_297 = vector.shape_cast %select_n3A : vector<16xi32> to vector<16xi32>
      tpu.vector_store %arg12[%swap3A], %swap3A_297 {strides = array<i32>} : memref<6272xi32, #tpu.memory_space<vmem>>, vector<16xi32>,
      %scan3A_298 = arith.constant 0 : i32
      scf.yield %scan3A_298 : i32
    }
    %scan3A_213 = arith.constant 196 : i32
    %scan3A_214 = arith.constant 0 : i32
    %scan3A_215 = arith.constant 0 : i32
    %scan3A_216 = arith.constant 196 : i32
    %scan3A_217 = arith.addi %scan3A_215, %scan3A_216 : i32
    %scan3A_218 = arith.constant 1 : i32
    %scan3A_219 = scf.for %scan3A_272 = %scan3A_215 to %scan3A_217 step %scan3A_218 iter_args(%scan3A_273 = %scan3A_214) -> (i32)  : i32 {
      %mul3A_274 = arith.constant 16 : i32
      %mul3A_275 = arith.muli %scan3A_272, %mul3A_274 : i32
      %get3A = arith.index_cast %mul3A_275 : i32 to index
      %get3A_276 = tpu.vector_load %arg10[%get3A] {strides = array<i32>} : memref<3136xi32, #tpu.memory_space<vmem>>, vector<16xi32>,
      %get3A_277 = vector.shape_cast %get3A_276 : vector<16xi32> to vector<16xi32>
      %sub3A = vector.broadcast %mul3A_206 : i32 to vector<16xi32>
      %sub3A_278 = arith.subi %get3A_277, %sub3A : vector<16xi32>
      %ge3A = arith.constant 0 : i32
      %ge3A_279 = vector.broadcast %ge3A : i32 to vector<16xi32>
      %ge3A_280 = arith.cmpi sge, %sub3A_278, %ge3A_279 : vector<16xi32>
      %lt3A = arith.constant 1261568 : i32
      %lt3A_281 = vector.broadcast %lt3A : i32 to vector<16xi32>
      %lt3A_282 = arith.cmpi slt, %sub3A_278, %lt3A_281 : vector<16xi32>
      %and3A = arith.andi %ge3A_280, %lt3A_282 : vector<16xi1>
      %and3A_283 = arith.constant 7 : i32
      %and3A_284 = arith.andi %scan3A_272, %and3A_283 : i32
      %mul3A_285 = arith.constant 16 : i32
      %mul3A_286 = arith.muli %and3A_284, %mul3A_285 : i32
      %add3A_287 = arith.constant 1261568 : i32
      %add3A_288 = arith.addi %add3A_287, %mul3A_286 : i32
      %add3A_289 = vector.broadcast %add3A_288 : i32 to vector<16xi32>
      %add3A_290 = arith.addi %add3A_289, %iota3A : vector<16xi32>
      %select_n3A = arith.select %and3A, %sub3A_278, %add3A_290 : vector<16xi1>, vector<16xi32>
      %mul3A_291 = arith.constant 16 : i32
      %mul3A_292 = arith.muli %scan3A_272, %mul3A_291 : i32
      %add3A_293 = arith.constant 3136 : i32
      %add3A_294 = arith.addi %add3A_293, %mul3A_292 : i32
      %swap3A = arith.index_cast %add3A_294 : i32 to index
      %swap3A_295 = tpu.vector_load %arg12[%swap3A] {strides = array<i32>} : memref<6272xi32, #tpu.memory_space<vmem>>, vector<16xi32>,
      %swap3A_296 = vector.shape_cast %swap3A_295 : vector<16xi32> to vector<16xi32>
      %swap3A_297 = vector.shape_cast %select_n3A : vector<16xi32> to vector<16xi32>
      tpu.vector_store %arg12[%swap3A], %swap3A_297 {strides = array<i32>} : memref<6272xi32, #tpu.memory_space<vmem>>, vector<16xi32>,
      %scan3A_298 = arith.constant 0 : i32
      scf.yield %scan3A_298 : i32
    }
    %scan3A_220 = arith.constant 196 : i32
    %dma_wait3A_221 = tpu.memref_slice %arg6[%add3A_198] : memref<16384000xf32, #tpu.memory_space<hbm>> -> memref<78848xf32, #tpu.memory_space<hbm>>
    %dma_wait3A_222 = tpu.memref_slice %arg15[%mul3A_37] : memref<1261696xf32, #tpu.memory_space<vmem_shared>> -> memref<78848xf32, #tpu.memory_space<vmem_shared>>
    tpu.wait_dma2 semaphore(%arg16 : memref<!tpu.dma_semaphore, #tpu.memory_space<semaphore_mem>>) src(%dma_wait3A_222 : memref<78848xf32, #tpu.memory_space<vmem_shared>>) dst(%dma_wait3A_221 : memref<78848xf32, #tpu.memory_space<hbm>>)
    %barrier3A_223 = arith.constant 0 : index
    tpu.barrier barrier_id(%barrier3A_223)
    "tpu.region"() ({
      %run_scoped3A = tpu.sem_alloc : memref<!tpu.dma_semaphore, #tpu.memory_space<semaphore_mem>>
      %dma_start3A_272 = arith.constant 0 : i32
      %dma_start3A_273 = tpu.memref_slice %arg14[%dma_start3A_272] : memref<19712xf32, #tpu.memory_space<vmem>> -> memref<6272xf32, #tpu.memory_space<vmem>>
      %dma_start3A_274 = arith.constant 0 : i32
      %dma_start3A_275 = tpu.memref_slice %arg15[%dma_start3A_274] : memref<1261696xf32, #tpu.memory_space<vmem_shared>> -> memref<1261696xf32, #tpu.memory_space<vmem_shared>>
      tpu.enqueue_indirect_dma source(%dma_start3A_273 : memref<6272xf32, #tpu.memory_space<vmem>>) target(%dma_start3A_275 : memref<1261696xf32, #tpu.memory_space<vmem_shared>>) offsets(%arg11 : memref<6272xi32, #tpu.memory_space<vmem>>) semaphore(%run_scoped3A : memref<!tpu.dma_semaphore, #tpu.memory_space<semaphore_mem>>)
      %dma_wait3A_276 = arith.constant 0 : i32
      %dma_wait3A_277 = tpu.memref_slice %arg14[%dma_wait3A_276] : memref<19712xf32, #tpu.memory_space<vmem>> -> memref<6272xf32, #tpu.memory_space<vmem>>
      %dma_wait3A_278 = arith.constant 0 : i32
      %dma_wait3A_279 = tpu.memref_slice %arg15[%dma_wait3A_278] : memref<1261696xf32, #tpu.memory_space<vmem_shared>> -> memref<1261696xf32, #tpu.memory_space<vmem_shared>>
      tpu.wait_indirect_dma semaphore(%run_scoped3A : memref<!tpu.dma_semaphore, #tpu.memory_space<semaphore_mem>>) src(%dma_wait3A_277 : memref<6272xf32, #tpu.memory_space<vmem>>) dst(%dma_wait3A_279 : memref<1261696xf32, #tpu.memory_space<vmem_shared>>)
      tpu.yield
    }) : () -> ()
    %barrier3A_224 = arith.constant 0 : index
    tpu.barrier barrier_id(%barrier3A_224)
    "tpu.region"() ({
      %run_scoped3A = tpu.sem_alloc : memref<!tpu.dma_semaphore, #tpu.memory_space<semaphore_mem>>
      %dma_start3A_272 = arith.constant 0 : i32
      %dma_start3A_273 = tpu.memref_slice %arg15[%dma_start3A_272] : memref<1261696xf32, #tpu.memory_space<vmem_shared>> -> memref<1261696xf32, #tpu.memory_space<vmem_shared>>
      tpu.enqueue_indirect_dma source(%arg13 : memref<6272xf32, #tpu.memory_space<vmem>>) target(%dma_start3A_273 : memref<1261696xf32, #tpu.memory_space<vmem_shared>>) offsets(%arg12 : memref<6272xi32, #tpu.memory_space<vmem>>) semaphore(%run_scoped3A : memref<!tpu.dma_semaphore, #tpu.memory_space<semaphore_mem>>) {add = true}
      %dma_wait3A_274 = arith.constant 0 : i32
      %dma_wait3A_275 = tpu.memref_slice %arg15[%dma_wait3A_274] : memref<1261696xf32, #tpu.memory_space<vmem_shared>> -> memref<1261696xf32, #tpu.memory_space<vmem_shared>>
      tpu.wait_indirect_dma semaphore(%run_scoped3A : memref<!tpu.dma_semaphore, #tpu.memory_space<semaphore_mem>>) src(%arg13 : memref<6272xf32, #tpu.memory_space<vmem>>) dst(%dma_wait3A_275 : memref<1261696xf32, #tpu.memory_space<vmem_shared>>)
      tpu.yield
    }) : () -> ()
    %barrier3A_225 = arith.constant 0 : index
    tpu.barrier barrier_id(%barrier3A_225)
    %mul3A_226 = arith.constant 500 : i32
    %mul3A_227 = arith.muli %arg0, %mul3A_226 : i32
    %add3A_228 = arith.constant 385 : i32
    %add3A_229 = arith.addi %mul3A_227, %add3A_228 : i32
    %mul3A_230 = arith.constant 16384 : i32
    %mul3A_231 = arith.muli %add3A_229, %mul3A_230 : i32
    %add3A_232 = arith.addi %mul3A_231, %mul3A_37 : i32
    %dma_start3A_233 = tpu.memref_slice %arg6[%add3A_232] : memref<16384000xf32, #tpu.memory_space<hbm>> -> memref<78848xf32, #tpu.memory_space<hbm>>
    %dma_start3A_234 = tpu.memref_slice %arg15[%mul3A_37] : memref<1261696xf32, #tpu.memory_space<vmem_shared>> -> memref<78848xf32, #tpu.memory_space<vmem_shared>>
    tpu.enqueue_dma source(%dma_start3A_234 : memref<78848xf32, #tpu.memory_space<vmem_shared>>) target(%dma_start3A_233 : memref<78848xf32, #tpu.memory_space<hbm>>) target_semaphore(%arg16 : memref<!tpu.dma_semaphore, #tpu.memory_space<semaphore_mem>>)
    %mul3A_235 = arith.constant 500 : i32
    %mul3A_236 = arith.muli %arg0, %mul3A_235 : i32
    %add3A_237 = arith.constant 423 : i32
    %add3A_238 = arith.addi %mul3A_236, %add3A_237 : i32
    %mul3A_239 = arith.constant 16384 : i32
    %mul3A_240 = arith.muli %add3A_238, %mul3A_239 : i32
    %scan3A_241 = arith.constant 0 : i32
    %scan3A_242 = arith.constant 0 : i32
    %scan3A_243 = arith.constant 196 : i32
    %scan3A_244 = arith.addi %scan3A_242, %scan3A_243 : i32
    %scan3A_245 = arith.constant 1 : i32
    %scan3A_246 = scf.for %scan3A_272 = %scan3A_242 to %scan3A_244 step %scan3A_245 iter_args(%scan3A_273 = %scan3A_241) -> (i32)  : i32 {
      %mul3A_274 = arith.constant 16 : i32
      %mul3A_275 = arith.muli %scan3A_272, %mul3A_274 : i32
      %get3A = arith.index_cast %mul3A_275 : i32 to index
      %get3A_276 = tpu.vector_load %arg9[%get3A] {strides = array<i32>} : memref<3136xi32, #tpu.memory_space<vmem>>, vector<16xi32>,
      %get3A_277 = vector.shape_cast %get3A_276 : vector<16xi32> to vector<16xi32>
      %sub3A = vector.broadcast %mul3A_240 : i32 to vector<16xi32>
      %sub3A_278 = arith.subi %get3A_277, %sub3A : vector<16xi32>
      %ge3A = arith.constant 0 : i32
      %ge3A_279 = vector.broadcast %ge3A : i32 to vector<16xi32>
      %ge3A_280 = arith.cmpi sge, %sub3A_278, %ge3A_279 : vector<16xi32>
      %lt3A = arith.constant 1261568 : i32
      %lt3A_281 = vector.broadcast %lt3A : i32 to vector<16xi32>
      %lt3A_282 = arith.cmpi slt, %sub3A_278, %lt3A_281 : vector<16xi32>
      %and3A = arith.andi %ge3A_280, %lt3A_282 : vector<16xi1>
      %and3A_283 = arith.constant 7 : i32
      %and3A_284 = arith.andi %scan3A_272, %and3A_283 : i32
      %mul3A_285 = arith.constant 16 : i32
      %mul3A_286 = arith.muli %and3A_284, %mul3A_285 : i32
      %add3A_287 = arith.constant 1261568 : i32
      %add3A_288 = arith.addi %add3A_287, %mul3A_286 : i32
      %add3A_289 = vector.broadcast %add3A_288 : i32 to vector<16xi32>
      %add3A_290 = arith.addi %add3A_289, %iota3A : vector<16xi32>
      %select_n3A = arith.select %and3A, %sub3A_278, %add3A_290 : vector<16xi1>, vector<16xi32>
      %mul3A_291 = arith.constant 16 : i32
      %mul3A_292 = arith.muli %scan3A_272, %mul3A_291 : i32
      %add3A_293 = arith.constant 0 : i32
      %add3A_294 = arith.addi %add3A_293, %mul3A_292 : i32
      %swap3A = arith.index_cast %add3A_294 : i32 to index
      %swap3A_295 = tpu.vector_load %arg11[%swap3A] {strides = array<i32>} : memref<6272xi32, #tpu.memory_space<vmem>>, vector<16xi32>,
      %swap3A_296 = vector.shape_cast %swap3A_295 : vector<16xi32> to vector<16xi32>
      %swap3A_297 = vector.shape_cast %select_n3A : vector<16xi32> to vector<16xi32>
      tpu.vector_store %arg11[%swap3A], %swap3A_297 {strides = array<i32>} : memref<6272xi32, #tpu.memory_space<vmem>>, vector<16xi32>,
      %scan3A_298 = arith.constant 0 : i32
      scf.yield %scan3A_298 : i32
    }
    %scan3A_247 = arith.constant 196 : i32
    %scan3A_248 = arith.constant 0 : i32
    %scan3A_249 = arith.constant 0 : i32
    %scan3A_250 = arith.constant 196 : i32
    %scan3A_251 = arith.addi %scan3A_249, %scan3A_250 : i32
    %scan3A_252 = arith.constant 1 : i32
    %scan3A_253 = scf.for %scan3A_272 = %scan3A_249 to %scan3A_251 step %scan3A_252 iter_args(%scan3A_273 = %scan3A_248) -> (i32)  : i32 {
      %mul3A_274 = arith.constant 16 : i32
      %mul3A_275 = arith.muli %scan3A_272, %mul3A_274 : i32
      %get3A = arith.index_cast %mul3A_275 : i32 to index
      %get3A_276 = tpu.vector_load %arg10[%get3A] {strides = array<i32>} : memref<3136xi32, #tpu.memory_space<vmem>>, vector<16xi32>,
      %get3A_277 = vector.shape_cast %get3A_276 : vector<16xi32> to vector<16xi32>
      %sub3A = vector.broadcast %mul3A_240 : i32 to vector<16xi32>
      %sub3A_278 = arith.subi %get3A_277, %sub3A : vector<16xi32>
      %ge3A = arith.constant 0 : i32
      %ge3A_279 = vector.broadcast %ge3A : i32 to vector<16xi32>
      %ge3A_280 = arith.cmpi sge, %sub3A_278, %ge3A_279 : vector<16xi32>
      %lt3A = arith.constant 1261568 : i32
      %lt3A_281 = vector.broadcast %lt3A : i32 to vector<16xi32>
      %lt3A_282 = arith.cmpi slt, %sub3A_278, %lt3A_281 : vector<16xi32>
      %and3A = arith.andi %ge3A_280, %lt3A_282 : vector<16xi1>
      %and3A_283 = arith.constant 7 : i32
      %and3A_284 = arith.andi %scan3A_272, %and3A_283 : i32
      %mul3A_285 = arith.constant 16 : i32
      %mul3A_286 = arith.muli %and3A_284, %mul3A_285 : i32
      %add3A_287 = arith.constant 1261568 : i32
      %add3A_288 = arith.addi %add3A_287, %mul3A_286 : i32
      %add3A_289 = vector.broadcast %add3A_288 : i32 to vector<16xi32>
      %add3A_290 = arith.addi %add3A_289, %iota3A : vector<16xi32>
      %select_n3A = arith.select %and3A, %sub3A_278, %add3A_290 : vector<16xi1>, vector<16xi32>
      %mul3A_291 = arith.constant 16 : i32
      %mul3A_292 = arith.muli %scan3A_272, %mul3A_291 : i32
      %add3A_293 = arith.constant 3136 : i32
      %add3A_294 = arith.addi %add3A_293, %mul3A_292 : i32
      %swap3A = arith.index_cast %add3A_294 : i32 to index
      %swap3A_295 = tpu.vector_load %arg11[%swap3A] {strides = array<i32>} : memref<6272xi32, #tpu.memory_space<vmem>>, vector<16xi32>,
      %swap3A_296 = vector.shape_cast %swap3A_295 : vector<16xi32> to vector<16xi32>
      %swap3A_297 = vector.shape_cast %select_n3A : vector<16xi32> to vector<16xi32>
      tpu.vector_store %arg11[%swap3A], %swap3A_297 {strides = array<i32>} : memref<6272xi32, #tpu.memory_space<vmem>>, vector<16xi32>,
      %scan3A_298 = arith.constant 0 : i32
      scf.yield %scan3A_298 : i32
    }
    %scan3A_254 = arith.constant 196 : i32
    %dma_wait3A_255 = tpu.memref_slice %arg6[%add3A_232] : memref<16384000xf32, #tpu.memory_space<hbm>> -> memref<78848xf32, #tpu.memory_space<hbm>>
    %dma_wait3A_256 = tpu.memref_slice %arg15[%mul3A_37] : memref<1261696xf32, #tpu.memory_space<vmem_shared>> -> memref<78848xf32, #tpu.memory_space<vmem_shared>>
    tpu.wait_dma2 semaphore(%arg16 : memref<!tpu.dma_semaphore, #tpu.memory_space<semaphore_mem>>) src(%dma_wait3A_256 : memref<78848xf32, #tpu.memory_space<vmem_shared>>) dst(%dma_wait3A_255 : memref<78848xf32, #tpu.memory_space<hbm>>)
    %barrier3A_257 = arith.constant 0 : index
    tpu.barrier barrier_id(%barrier3A_257)
    "tpu.region"() ({
      %run_scoped3A = tpu.sem_alloc : memref<!tpu.dma_semaphore, #tpu.memory_space<semaphore_mem>>
      %dma_start3A_272 = arith.constant 0 : i32
      %dma_start3A_273 = tpu.memref_slice %arg14[%dma_start3A_272] : memref<19712xf32, #tpu.memory_space<vmem>> -> memref<6272xf32, #tpu.memory_space<vmem>>
      %dma_start3A_274 = arith.constant 0 : i32
      %dma_start3A_275 = tpu.memref_slice %arg15[%dma_start3A_274] : memref<1261696xf32, #tpu.memory_space<vmem_shared>> -> memref<1261696xf32, #tpu.memory_space<vmem_shared>>
      tpu.enqueue_indirect_dma source(%dma_start3A_273 : memref<6272xf32, #tpu.memory_space<vmem>>) target(%dma_start3A_275 : memref<1261696xf32, #tpu.memory_space<vmem_shared>>) offsets(%arg12 : memref<6272xi32, #tpu.memory_space<vmem>>) semaphore(%run_scoped3A : memref<!tpu.dma_semaphore, #tpu.memory_space<semaphore_mem>>)
      %dma_wait3A_276 = arith.constant 0 : i32
      %dma_wait3A_277 = tpu.memref_slice %arg14[%dma_wait3A_276] : memref<19712xf32, #tpu.memory_space<vmem>> -> memref<6272xf32, #tpu.memory_space<vmem>>
      %dma_wait3A_278 = arith.constant 0 : i32
      %dma_wait3A_279 = tpu.memref_slice %arg15[%dma_wait3A_278] : memref<1261696xf32, #tpu.memory_space<vmem_shared>> -> memref<1261696xf32, #tpu.memory_space<vmem_shared>>
      tpu.wait_indirect_dma semaphore(%run_scoped3A : memref<!tpu.dma_semaphore, #tpu.memory_space<semaphore_mem>>) src(%dma_wait3A_277 : memref<6272xf32, #tpu.memory_space<vmem>>) dst(%dma_wait3A_279 : memref<1261696xf32, #tpu.memory_space<vmem_shared>>)
      tpu.yield
    }) : () -> ()
    %barrier3A_258 = arith.constant 0 : index
    tpu.barrier barrier_id(%barrier3A_258)
    "tpu.region"() ({
      %run_scoped3A = tpu.sem_alloc : memref<!tpu.dma_semaphore, #tpu.memory_space<semaphore_mem>>
      %dma_start3A_272 = arith.constant 0 : i32
      %dma_start3A_273 = tpu.memref_slice %arg15[%dma_start3A_272] : memref<1261696xf32, #tpu.memory_space<vmem_shared>> -> memref<1261696xf32, #tpu.memory_space<vmem_shared>>
      tpu.enqueue_indirect_dma source(%arg13 : memref<6272xf32, #tpu.memory_space<vmem>>) target(%dma_start3A_273 : memref<1261696xf32, #tpu.memory_space<vmem_shared>>) offsets(%arg11 : memref<6272xi32, #tpu.memory_space<vmem>>) semaphore(%run_scoped3A : memref<!tpu.dma_semaphore, #tpu.memory_space<semaphore_mem>>) {add = true}
      %dma_wait3A_274 = arith.constant 0 : i32
      %dma_wait3A_275 = tpu.memref_slice %arg15[%dma_wait3A_274] : memref<1261696xf32, #tpu.memory_space<vmem_shared>> -> memref<1261696xf32, #tpu.memory_space<vmem_shared>>
      tpu.wait_indirect_dma semaphore(%run_scoped3A : memref<!tpu.dma_semaphore, #tpu.memory_space<semaphore_mem>>) src(%arg13 : memref<6272xf32, #tpu.memory_space<vmem>>) dst(%dma_wait3A_275 : memref<1261696xf32, #tpu.memory_space<vmem_shared>>)
      tpu.yield
    }) : () -> ()
    %barrier3A_259 = arith.constant 0 : index
    tpu.barrier barrier_id(%barrier3A_259)
    %mul3A_260 = arith.constant 500 : i32
    %mul3A_261 = arith.muli %arg0, %mul3A_260 : i32
    %add3A_262 = arith.constant 423 : i32
    %add3A_263 = arith.addi %mul3A_261, %add3A_262 : i32
    %mul3A_264 = arith.constant 16384 : i32
    %mul3A_265 = arith.muli %add3A_263, %mul3A_264 : i32
    %add3A_266 = arith.addi %mul3A_265, %mul3A_37 : i32
    %dma_start3A_267 = tpu.memref_slice %arg6[%add3A_266] : memref<16384000xf32, #tpu.memory_space<hbm>> -> memref<78848xf32, #tpu.memory_space<hbm>>
    %dma_start3A_268 = tpu.memref_slice %arg15[%mul3A_37] : memref<1261696xf32, #tpu.memory_space<vmem_shared>> -> memref<78848xf32, #tpu.memory_space<vmem_shared>>
    tpu.enqueue_dma source(%dma_start3A_268 : memref<78848xf32, #tpu.memory_space<vmem_shared>>) target(%dma_start3A_267 : memref<78848xf32, #tpu.memory_space<hbm>>) target_semaphore(%arg16 : memref<!tpu.dma_semaphore, #tpu.memory_space<semaphore_mem>>)
    %dma_wait3A_269 = tpu.memref_slice %arg6[%add3A_266] : memref<16384000xf32, #tpu.memory_space<hbm>> -> memref<78848xf32, #tpu.memory_space<hbm>>
    %dma_wait3A_270 = tpu.memref_slice %arg15[%mul3A_37] : memref<1261696xf32, #tpu.memory_space<vmem_shared>> -> memref<78848xf32, #tpu.memory_space<vmem_shared>>
    tpu.wait_dma2 semaphore(%arg16 : memref<!tpu.dma_semaphore, #tpu.memory_space<semaphore_mem>>) src(%dma_wait3A_270 : memref<78848xf32, #tpu.memory_space<vmem_shared>>) dst(%dma_wait3A_269 : memref<78848xf32, #tpu.memory_space<hbm>>)
    %barrier3A_271 = arith.constant 0 : index
    tpu.barrier barrier_id(%barrier3A_271)
    return
  }
}

module attributes {stable_mosaic.version = 14 : i64} {
  func.func @_tc_body(%arg0: i32, %arg1: i32, %arg2: memref<200x768xbf16, #tpu.memory_space<vmem>>, %arg3: memref<2048x768xbf16, #tpu.memory_space<vmem>>, %arg4: memref<200x2048xf32, #tpu.memory_space<vmem>>, %arg5: memref<200x2048xf32, #tpu.memory_space<vmem>>) attributes {dimension_semantics = [#tpu.dimension_semantics<arbitrary>, #tpu.dimension_semantics<arbitrary>], iteration_bounds = array<i64: 5, 8>, scalar_prefetch = 0 : i64, scratch_operands = 0 : i64, tpu.core_type = #tpu.core_type<tc>, window_params = [{transform_indices = @transform_0, window_bounds = array<i64: 200, 768>}, {transform_indices = @transform_1, window_bounds = array<i64: 2048, 768>}, {transform_indices = @transform_2, window_bounds = array<i64: 200, 2048>}, {transform_indices = @transform_3, window_bounds = array<i64: 200, 2048>}]} {
    %get3A = arith.constant 0 : index
    %get3A_0 = arith.constant 0 : index
    %get3A_1 = vector.load %arg2[%get3A, %get3A_0] : memref<200x768xbf16, #tpu.memory_space<vmem>>, vector<200x768xbf16>
    %get3A_2 = arith.constant 0 : index
    %get3A_3 = arith.constant 0 : index
    %get3A_4 = vector.load %arg3[%get3A_2, %get3A_3] : memref<2048x768xbf16, #tpu.memory_space<vmem>>, vector<2048x768xbf16>
    %dot_general3A = arith.constant dense<0.000000e+00> : vector<200x2048xf32>
    %dot_general3A_5 = tpu.matmul %get3A_1, %get3A_4, %dot_general3A {dimension_numbers = #tpu.dot_dimension_numbers<[1], [1], [0], [0], [0, 0, 1, 0], [], []>, transpose_lhs_hint = false} : vector<200x768xbf16>, vector<2048x768xbf16>, vector<200x2048xf32> -> vector<200x2048xf32>
    %get3A_6 = arith.constant 0 : index
    %get3A_7 = arith.constant 0 : index
    %get3A_8 = vector.load %arg4[%get3A_6, %get3A_7] : memref<200x2048xf32, #tpu.memory_space<vmem>>, vector<200x2048xf32>
    %mul3A = arith.mulf %dot_general3A_5, %get3A_8 : vector<200x2048xf32>
    %swap3A = arith.constant 0 : index
    %swap3A_9 = arith.constant 0 : index
    %swap3A_10 = vector.load %arg5[%swap3A, %swap3A_9] : memref<200x2048xf32, #tpu.memory_space<vmem>>, vector<200x2048xf32>
    tpu.vector_store %arg5[%swap3A, %swap3A_9], %mul3A {strides = array<i32>} : memref<200x2048xf32, #tpu.memory_space<vmem>>, vector<200x2048xf32>,
    return
  }
  func.func @transform_0(%arg0: i32, %arg1: i32) -> (i32, i32) {
    %c0_i32 = arith.constant 0 : i32
    %c0_i32_0 = arith.constant 0 : i32
    return %arg0, %c0_i32 : i32, i32
  }
  func.func @transform_1(%arg0: i32, %arg1: i32) -> (i32, i32) {
    %c0_i32 = arith.constant 0 : i32
    %c0_i32_0 = arith.constant 0 : i32
    return %arg1, %c0_i32 : i32, i32
  }
  func.func @transform_2(%arg0: i32, %arg1: i32) -> (i32, i32) {
    %c0_i32 = arith.constant 0 : i32
    return %arg0, %arg1 : i32, i32
  }
  func.func @transform_3(%arg0: i32, %arg1: i32) -> (i32, i32) {
    %c0_i32 = arith.constant 0 : i32
    return %arg0, %arg1 : i32, i32
  }
}

</mosaic_0001>

<sc_bundles>
// kernel: kernel.5.cloned.1.call-start
scs
__scs_entry_jumppad:
0x0: {  	(pc) =	sbr.rel $0x88, $3  }
0x1: {  	(tag) =	ssettag $0x0;
	lr =	simm.s32 $0x1  }
0x2: {  	[smem:$0x3F9B] =	sst lr;
	_ =	strace $0xD0000000  }
0x3: {  	_ = 	snop  }
0x4: {  	_ = 	snop  }
0x5: {  	_ = 	snop  }
0x6: {  	_ = 	snop  }
0x7: {  	_ = 	snop  }
__scs_overlays_trampoline_lowered:
0x8: {  	[smem:$0x3FAA] =	sst s0  }
0x9: {  	[smem:$0x3FAB] =	sst s1  }
0xa: {  	[smem:$0x3FAC] =	sst s2  }
0xb: {  	[smem:$0x3FAD] =	sst s3  }
0xc: {  	[smem:$0x3FAE] =	sst s4  }
0xd: {  	[smem:$0x3FAF] =	sst s5  }
0xe: {  	[smem:$0x3FB0] =	sst s6  }
0xf: {  	[smem:$0x3FB1] =	sst s7  }
0x10: {  	[smem:$0x3FB2] =	sst s8  }
0x11: {  	[smem:$0x3FB3] =	sst s9;
	s0 =	simm.s32 @!p0 $0x0  }
0x12: {  	s1 =	sld [smem:$0x3F99];
	s0 =	simm.s32 @p0 $0x1  }
0x13: {  	[smem:$0x3FB4] =	sst s0;
	s0 =	simm.s32 @!p1 $0x0  }
0x14: {  	s2 =	sld [smem:$0x3F98];
	s0 =	simm.s32 @p1 $0x1  }
0x15: {  	[smem:$0x3FB5] =	sst s0;
	s0 =	simm.s32 @!p2 $0x0  }
0x16: {  	s3 =	sld [smem:$0x3FDB];
	s0 =	simm.s32 @p2 $0x1  }
0x17: {  	s4 =	simm.s32 $0x1BF5;
	[smem:$0x3FB7] =	sst s0  }
0x18: {  	s0 =	sld [smem:$0x3F9A];
	_ =	swait.ge [sflag:s4], $0x0  }
0x19: {  	s7 =	sld [smem:$0x3F9B]  }
0x1a: {  	s8 =	sadd.s32 $0xFFFFE003, lr  }
0x1b: {  	s9 =	sadd.s32 $0xFFFFFEF7, lr;
	s5 =	simm.s32 $0xFFFFFFFF;
	p2 =	slt.u32 s8, $0xFFFFF086  }
0x1c: {  	p1 =	slt.u32 s9, $0xF7A;
	s5 =	simm.s32 @!p2 $0x0  }
0x1d: {  	s5 =	simm.s32 @p1 $0x1;
	p0 =	seq.s32 s7, s2  }
0x1e: {  	s7 =	smul.u32 @!p0 $0xF7A, s2;
	p2 =	seq.s32 @!p0 s5, $0x0  }
0x1f: {  	s9 =	smul.u32 $0xF7A, s1;
	s8 =	simm.s32 @!p0 $0x1BF5;
	p2 =	por !p2, p0  }
0x20: {  	[sflag:s8] =	ssyncset.s32 @!p0 $0xFFFFF086;
	s6 =	sadd.s32 @!p0 s3, s7;
	s7 =	simm.s32 @!p0 $0x108  }
0x21: {  	s3 =	sadd.s32 s3, s9;
	s6 =	sadd.s32 @!p0 $0x88, s6;
	s7 =	simm.s32 @p2 $0x1082  }
0x22: {  	[simem:s7], [sflag:s8] =	dma.local @!p0 [hbm:s6], $0xF7A  }
0x23: {  	s9 =	sor.u32 $0xD0000000, s2;
	s6 =	simm.s32 $0x108;
	_ =	swait.ge @!p0 [sflag:s8], $0x0  }
0x24: {  	s3 =	sadd.s32 $0x88, s3;
	s6 =	simm.s32 @!p1 $0x1082;
	[sflag:s4] =	ssyncset.s32 $0xFFFFF086  }
0x25: {  	[simem:s6], [sflag:s4] =	dma.local [hbm:s3], $0xF7A  }
0x26: {  	[smem:$0x3F9B] =	sst s1;
	(tag) =	ssettag s2;
	_ =	strace s9  }
0x27: {  	s1 =	sld [smem:$0x3FAB]  }
0x28: {  	s2 =	sld [smem:$0x3FAC]  }
0x29: {  	s4 =	sld [smem:$0x3FAE]  }
0x2a: {  	p0 =	seq.s32 s5, $0x0;
	s5 =	sld [smem:$0x3FAF]  }
0x2b: {  	s6 =	sld [smem:$0x3FB0]  }
0x2c: {  	s7 =	sld [smem:$0x3FB1]  }
0x2d: {  	s3 =	simm.s32 $0x108;
	s8 =	sld [smem:$0x3FB2]  }
0x2e: {  	s3 =	simm.s32 @!p0 $0x1082;
	s9 =	sld [smem:$0x3FB3]  }
0x2f: {  	lr =	sadd.s32 s0, s3;
	s0 =	sld [smem:$0x3FAA]  }
0x30: {  	s3 =	sld [smem:$0x3FAD]  }
0x31: {  	[smem:$0x3FB6] =	sst s10  }
0x32: {  	s10 =	sld [smem:$0x3FB4];
	_ =	sdelay $0x3  }
0x33: {  	p0 =	seq.s32 s10, $0x1;
	s10 =	sld [smem:$0x3FB6];
	_ =	sdelay $0x3  }
0x34: {  	[smem:$0x3FB6] =	sst s10  }
0x35: {  	s10 =	sld [smem:$0x3FB5];
	_ =	sdelay $0x3  }
0x36: {  	p1 =	seq.s32 s10, $0x1;
	s10 =	sld [smem:$0x3FB6];
	_ =	sdelay $0x3  }
0x37: {  	[smem:$0x3FB6] =	sst s10  }
0x38: {  	s10 =	sld [smem:$0x3FB7]  }
0x39: {  	_ = 	snop;
	(pc) =	sbr.ind lr, $3  }
0x3a: {  	_ = 	snop  }
0x3b: {  	_ = 	snop  }
0x3c: {  	p2 =	seq.s32 s10, $0x1;
	s10 =	sld [smem:$0x3FB6]  }
0x3d: {  	_ =	shalt  }
0x3e: {  	_ =	shalt  }
0x3f: {  	_ =	shalt  }
0x40: {  	_ =	shalt  }
0x41: {  	_ =	shalt  }
0x42: {  	_ =	shalt  }
0x43: {  	_ =	shalt  }
0x44: {  	_ =	shalt  }
0x45: {  	_ =	shalt  }
0x46: {  	_ =	shalt  }
0x47: {  	_ =	shalt  }
0x48: {  	_ =	shalt  }
0x49: {  	_ =	shalt  }
0x4a: {  	_ =	shalt  }
0x4b: {  	_ =	shalt  }
0x4c: {  	_ =	shalt  }
0x4d: {  	_ =	shalt  }
0x4e: {  	_ =	shalt  }
0x4f: {  	_ =	shalt  }
0x50: {  	_ =	shalt  }
0x51: {  	_ =	shalt  }
0x52: {  	_ =	shalt  }
0x53: {  	_ =	shalt  }
0x54: {  	_ =	shalt  }
0x55: {  	_ =	shalt  }
0x56: {  	_ =	shalt  }
0x57: {  	_ =	shalt  }
0x58: {  	_ =	shalt  }
0x59: {  	_ =	shalt  }
0x5a: {  	_ =	shalt  }
0x5b: {  	_ =	shalt  }
0x5c: {  	_ =	shalt  }
0x5d: {  	_ =	shalt  }
0x5e: {  	_ =	shalt  }
0x5f: {  	_ =	shalt  }
0x60: {  	_ =	shalt  }
0x61: {  	_ =	shalt  }
0x62: {  	_ =	shalt  }
0x63: {  	_ =	shalt  }
0x64: {  	_ =	shalt  }
0x65: {  	_ =	shalt  }
0x66: {  	_ =	shalt  }
0x67: {  	_ =	shalt  }
0x68: {  	_ =	shalt  }
0x69: {  	_ =	shalt  }
0x6a: {  	_ =	shalt  }
0x6b: {  	_ =	shalt  }
0x6c: {  	_ =	shalt  }
0x6d: {  	_ =	shalt  }
0x6e: {  	_ =	shalt  }
0x6f: {  	_ =	shalt  }
0x70: {  	_ =	shalt  }
0x71: {  	_ =	shalt  }
0x72: {  	_ =	shalt  }
0x73: {  	_ =	shalt  }
0x74: {  	_ =	shalt  }
0x75: {  	_ =	shalt  }
0x76: {  	_ =	shalt  }
0x77: {  	_ =	shalt  }
0x78: {  	_ =	shalt  }
0x79: {  	_ =	shalt  }
0x7a: {  	_ =	shalt  }
0x7b: {  	_ =	shalt  }
0x7c: {  	_ =	shalt  }
0x7d: {  	_ =	shalt  }
0x7e: {  	_ =	shalt  }
0x7f: {  	_ =	shalt  }
0x80: {  	_ =	shalt  }
0x81: {  	_ =	shalt  }
0x82: {  	_ =	shalt  }
0x83: {  	_ =	shalt  }
0x84: {  	_ =	shalt  }
0x85: {  	_ =	shalt  }
0x86: {  	_ =	shalt  }
0x87: {  	_ =	shalt  }
.Lfunc_end0:
.L_simem_size_0:
called_computation_lowered:
.L_overlay_start_0:
0x88: {  	s2 =	sld [smem:$0x3FD9]  }
0x89: {  	s3 =	sld [smem:$0x3FFE];
	_ =	sdelay $0x1  }
0x8a: {  	s1 =	srdreg.scid  }
0x8b: {  	s0 =	sand.u32 $0x1, s1  }
0x8c: {  	s15 =	sshll.u32 s0, $0xA;
	s2 =	sadd.s32 s3, s2  }
0x8d: {  	s2 =	sadd.s32 s2, s15  }
0x8e: {  	[smem:$0x3FC2] =	sst s2  }
0x8f: {  	_ = 	snop  }
0x90: {  	s2 =	sld [smem:$0x3FC7]  }
0x91: {  	s16 =	sld [smem:$0x3FD0]  }
0x92: {  	s4 =	sld [smem:$0x3FC6]  }
0x93: {  	s5 =	sld [smem:$0x3FC5]  }
0x94: {  	s7 =	simm.s32 $0xB;
	s8 =	simm.s32 $0x10;
	s6 =	sld [smem:$0x3FC4]  }
0x95: {  	[smem:s8], [sflag:s7] =	dma.local [hbm:s16], $0x1  }
0x96: {  	_ =	swait.eq [sflag:s7], $0x1  }
0x97: {  	[sflag:s7] =	ssyncset.done $0x0  }
0x98: {  	[sflag:s7] =	ssyncadd.s32 $0xFFFFFFFF  }
0x99: {  	s17 =	sld [smem:$0x10];
	(tm) =	ssettm $0x1  }
0x9a: {  	s18 =	sld [smem:$0x3FFB];
	_ =	sdelay $0x3  }
0x9b: {  	_ =	strace s18  }
0x9c: {  	s7 =	sld [smem:$0x3FFC];
	_ =	sdelay $0x3  }
0x9d: {  	_ =	strace s7  }
0x9e: {  	s7 =	sld [smem:$0x3FFD];
	_ =	sdelay $0x3  }
0x9f: {  	_ =	strace s7  }
0xa0: {  	_ =	strace $0x8FFFFFFF  }
0xa1: {  	s19 =	sld [smem:$0x3FDB];
	_ =	sdelay $0x1  }
0xa2: {  	s20 =	simm.s32 $_scs_section_size  }
0xa3: {  	s9 =	simm.s32 $_size__tile_overlayer_lowered;
	s10 =	simm.s32 $_tile_overlayer_lowered  }
0xa4: {  	s23 =	simm.s32 $0x1BFF;
	s22 =	sshll.u32 s10, $0x1;
	s7 =	sadd.s32 s20, s19  }
0xa5: {  	s11 =	simm.s32 $0x0;
	s21 =	sshll.u32 s9, $0x1;
	s9 =	sadd.s32 s22, s7  }
0xa6: {  	[timem:s11], [sflag:s23] =	dma.local [hbm:s9], s21  }
0xa7: {  	_ =	swait.ge [sflag:s23], s21  }
0xa8: {  	s8 =	ssub.s32 $0x0, s21;
	[sflag:s23] =	ssyncset.done $0x0  }
0xa9: {  	[sflag:s23] =	ssyncadd.s32 s8;
	_ =	sdelay $0x1  }
0xaa: {  	s24 =	simm.s32 $0x1B8B  }
0xab: {  	_ =	swait.ge [sflag:s24], $0x1  }
0xac: {  	[sflag:s24] =	ssyncset.done $0x0  }
0xad: {  	s25 =	simm.s32 $0x1B8E;
	[sflag:s24] =	ssyncadd.s32 $0xFFFFFFFF  }
0xae: {  	s26 =	simm.s32 $execute0_lowered;
	[smem:$0x3FD2] =	sst s25  }
0xaf: {  	s8 =	sshll.u32 s26, $0x1;
	_ =	strace $0x80000046;
	[dreg:$0x1] =	wrdreg $0xFFFFFFFF  }
0xb0: {  	s28 =	simm.s32 $_size_execute0_lowered;
	s7 =	sadd.s32 s7, s8;
	[dreg:$0x0] =	wrdreg $0x0  }
0xb1: {  	s8 =	sshll.u32 s28, $0x1;
	[dreg:$0x2] =	wrdreg s7  }
0xb2: {  	[dreg:$0x3] =	wrdreg s8  }
0xb3: {  	[dreg:$0x4] =	wrdreg $0xC0  }
0xb4: {  	_ =	task [dreg:s11], $0x5FFFF  }
0xb5: {  	[dreg:$0x1] =	wrdreg $0xFFFFFFFF  }
0xb6: {  	[dreg:$0x0] =	wrdreg $0x60  }
0xb7: {  	[dreg:$0x2] =	wrdreg s2  }
0xb8: {  	[dreg:$0x3] =	wrdreg s4  }
0xb9: {  	[dreg:$0x4] =	wrdreg s5  }
0xba: {  	[dreg:$0x5] =	wrdreg s6  }
0xbb: {  	[dreg:$0x6] =	wrdreg s17  }
0xbc: {  	[dreg:$0x7] =	wrdreg $0xC8800  }
0xbd: {  	[dreg:$0x8] =	wrdreg $0x9  }
0xbe: {  	_ =	task.clear_ibuf [dreg:s11], $0x9FFFF;
	_ =	strace $0x90000046  }
0xbf: {  	s29 =	simm.s32 $0x9;
	_ =	strace $0x80000048  }
0xc0: {  	_ =	swait.ge [sflag:s29], $0x1  }
0xc1: {  	[sflag:s29] =	ssyncadd.s32 $0xFFFFFFFF  }
0xc2: {  	_ =	strace $0x90000048  }
0xc3: {  	_ =	sfence  }
0xc4: {  	s30 =	sld [smem:$0x0];
	_ =	sdelay $0x2  }
0xc5: {  	s31 =	sshll.u32 s1, $0xD;
	s1 =	sshrl.u32 s1, $0x2  }
0xc6: {  	s3 =	sand.u32 $0x4000, s31;
	s1 =	sadd.s32 s1, s30  }
0xc7: {  	s0 =	sor.u32 s3, s0;
	s1 =	sshll.u32 s1, $0x11  }
0xc8: {  	s0 =	sor.u32 s1, s0  }
0xc9: {  	s0 =	sadd.s32 $0x8F2B, s0  }
0xca: {  	[sflag:s0] =	ssyncadd.remote.s32 $0x1  }
0xcb: {  	_ =	sfence.sel $0xFFFF  }
0xcc: {  	[dreg:$0x0] =	wrdreg $0xFFFFFFFF;
	(pc) =	sbr.abs _section_cstart, $3  }
0xcd: {  	[dreg:$0x1] =	wrdreg $0xFFFFFFFF  }
0xce: {  	_ =	task.clear_ibuf [dreg:s11], $0x2FFFF;
	_ =	strace $0x9FFFFFFF  }
0xcf: {  	(tm) =	ssettm $0x7FFFFFFF  }
tec
execute0_lowered:
.L_overlay_start_1:
0x0: {  	(tag) =	ssettag $0x1  }
0x1: {  	s0 =	rddreg [dreg:$0x0]  }
0x2: {  	s2 =	rddreg [dreg:$0x1]  }
0x3: {  	s4 =	rddreg [dreg:$0x2]  }
0x4: {  	s5 =	rddreg [dreg:$0x3]  }
0x5: {  	s6 =	rddreg [dreg:$0x4]  }
0x6: {  	s1 =	rddreg [dreg:$0x5];
	s13 =	stileid.u32  }
0x7: {  	s8 =	simm.s32 $0x0;
	s3 =	srdreg.scid;
	s7 =	smul.u32 $0xC40, s13  }
0x8: {  	s29 =	simm.s32 $0x1;
	s30 =	simm.s32 $0x4A80;
	s12 =	smul.u32 $0x13400, s13  }
0x9: {  	s31 =	simm.s32 $0x0;
	s19 =	sand.u32 $0x1, s3;
	s24 =	smul.u32 $0x4D000, s13  }
0xa: {  	[smem:$0x7FF] =	sst s8;
	s9 =	ssub.s32 $0x2, s19;
	s19 =	smul.u32 $0x7D0000, s19  }
0xb: {  	s3 =	smin.u32 s7, $0xB710;
	s10 =	sshrl.u32 s9, $0x1;
	s24 =	sshrl.u32 s24, $0x2  }
0xc: {  	s11 =	sshrl.u32 s3, $0x3;
	s18 =	ssub.s32 s9, s10;
	s23 =	sadd.s32 s12, s19  }
0xd: {  	s8 =	sadd.s32 $0x268000, s19;
	s25 =	sadd.s32 $0x4D0000, s19;
	s0 =	sadd.s32 s0, s11  }
0xe: {  	s26 =	sadd.s32 $0x604000, s19;
	s20 =	sadd.s32 s2, s11;
	[dreg:$0x7] =	wrdreg s0  }
0xf: {  	s28 =	sadd.s32 $0x69C000, s19;
	s21 =	sadd.s32 s4, s11;
	[dreg:$0x8] =	wrdreg s20  }
0x10: {  	s22 =	sadd.s32 s5, s11;
	s4 =	sadd.s32 $0x134000, s19;
	[dreg:$0x9] =	wrdreg s21  }
0x11: {  	s14 =	sadd.s32 s12, s8;
	s18 =	smax.u32 s18, $0x1;
	[dreg:$0xa] =	wrdreg s22  }
0x12: {  	s0 =	sshrl.u32 s23, $0x3;
	s5 =	sadd.s32 s12, s4;
	s22 =	sadd.s32 $0x39C000, s19  }
0x13: {  	s15 =	sshrl.u32 s14, $0x3;
	s20 =	sadd.s32 s12, s25;
	s14 =	sadd.s32 s12, s26  }
0x14: {  	v5 =	vmov s25;
	v6 =	vmov s26;
	s25 =	simm.s32 $0x1880;
	s26 =	simm.s32 $0x3200;
	s0 =	sadd.s32 s6, s0  }
0x15: {  	s16 =	sadd.s32 s12, s22;
	s10 =	sadd.s32 s6, s15;
	s21 =	sshrl.u32 s14, $0x3  }
0x16: {  	v7 =	vmov s28;
	s15 =	sadd.s32 s12, s28;
	v4 =	vmov s22;
	s22 =	simm.s32 $0x2;
	s28 =	simm.s32 $0x6300  }
0x17: {  	[dreg:$0xb] =	wrdreg s0;
	s0 =	sshrl.u32 s5, $0x3;
	s17 =	sshrl.u32 s16, $0x3  }
0x18: {  	s14 =	sadd.s32 s6, s21;
	s23 =	sshrl.u32 s15, $0x3;
	s16 =	sadd.s32 s24, s1  }
0x19: {  	s24 =	simm.s32 $0x7B80;
	s9 =	sadd.s32 s6, s0;
	s11 =	sadd.s32 s6, s17  }
0x1a: {  	v8 =	vlaneseq.u32;
	s0 =	sshrl.u32 s20, $0x3;
	s15 =	sadd.s32 s6, s23;
	_ =	strace $0x80000047  }
0x1b: {  	v9 =	vimm.f32 $1.000000000e+00;
	v10 =	vimm.f32 $0.0e+00;
	v1 =	vmov s19;
	s17 =	sadd.s32 s12, s1;
	s19 =	sadd.s32 $0x4D00, s16;
	s20 =	sadd.s32 $0x9A00, s16  }
0x1c: {  	v0 =	vmov s7;
	v3 =	vmov s8;
	v2 =	vmov s4;
	s21 =	sadd.s32 $0xE700, s16;
	s23 =	simm.s32 $0xC80;
	s13 =	sadd.s32 s6, s0  }
.LBB2_1:
0x1d: {  	s0 =	simm.s32 $0x0;
	s2 =	rddreg [dreg:$0x7]  }
0x1e: {  	[tilespmem:s0], [sflag:$0x2] =	stream.linear.gather [hbm4b:s2+s0], $0xC40, $0x38;
	[tilespmem:$0x1FC88] =	vst v63  }
0x1f: {  	_ =	swait.ge [sflag:s22], $0xC40  }
0x20: {  	[sflag:s22] =	ssyncset.done $0x0  }
0x21: {  	s12 =	rddreg [dreg:$0x8];
	[sflag:s22] =	ssyncadd.s32 $0xFFFFF3C0  }
0x22: {  	[tilespmem:s23], [sflag:$0x2] =	stream.linear.gather [hbm4b:s12+s0], $0xC40, $0x38;
	[tilespmem:$0x1FC88] =	vst v63  }
0x23: {  	_ =	swait.ge [sflag:s22], $0xC40  }
0x24: {  	[sflag:s22] =	ssyncset.done $0x0  }
0x25: {  	s0 =	simm.s32 $0x0;
	[sflag:s22] =	ssyncadd.s32 $0xFFFFF3C0  }
0x26: {  	v11 =	vld [tilespmem:s0+$0x0]  }
0x27: {  	v12 =	vld [tilespmem:s0+$0xC80];
	_ =	sdelay $0x2  }
0x28: {  	s4 =	simm.s32 $0x40;
	s2 =	smov.u32 s3  }
.LBB2_2:
0x29: {  	s5 =	sshra.s32 s4, $0x2;
	p0 =	sne.s32 s4, $0x30C0;
	s4 =	sadd.s32 $0x40, s4;
	v13 =	vshll.u32 v11, $0xE;
	v14 =	vor.u32 s2, v8  }
.Ltmp0:
0x2a: {  	v11 =	vld [tilespmem:s5+$0x0];
	v13 =	vadd.s32 v12, v13;
	vm0 =	vlt.u32 v14, v0;
	(pc) =	sbr.rel @p0 .LBB2_2-.Ltmp0, $3  }
0x2b: {  	v12 =	vld [tilespmem:s5+$0xC80];
	v13 =	vsel vm0, $0x7FFFFFF0, v13  }
0x2c: {  	[tilespmem:s0+$0x1900] =	vst v13;
	s0 =	smov.u32 s5;
	_ =	sdelay $0x1  }
0x2d: {  	s2 =	sadd.s32 $0x10, s2  }
0x2e: {  	v11 =	vshll.u32 v11, $0xE;
	v13 =	vor.u32 s2, v8  }
0x2f: {  	v11 =	vadd.s32 v12, v11;
	vm0 =	vlt.u32 v13, v0  }
0x30: {  	v11 =	vsel vm0, $0x7FFFFFF0, v11  }
0x31: {  	s8 =	rddreg [dreg:$0x9];
	[tilespmem:s0+$0x1900] =	vst v11;
	s0 =	simm.s32 $0x0  }
0x32: {  	[tilespmem:s0], [sflag:$0x2] =	stream.linear.gather [hbm4b:s8+s0], $0xC40, $0x38;
	[tilespmem:$0x1FC88] =	vst v63  }
0x33: {  	_ =	swait.ge [sflag:s22], $0xC40  }
0x34: {  	[sflag:s22] =	ssyncset.done $0x0  }
0x35: {  	s12 =	rddreg [dreg:$0xa];
	[sflag:s22] =	ssyncadd.s32 $0xFFFFF3C0  }
0x36: {  	[tilespmem:s23], [sflag:$0x2] =	stream.linear.gather [hbm4b:s12+s0], $0xC40, $0x38;
	[tilespmem:$0x1FC88] =	vst v63  }
0x37: {  	_ =	swait.ge [sflag:s22], $0xC40  }
0x38: {  	[sflag:s22] =	ssyncset.done $0x0  }
0x39: {  	s2 =	simm.s32 $0x0;
	[sflag:s22] =	ssyncadd.s32 $0xFFFFF3C0  }
0x3a: {  	v11 =	vld [tilespmem:s2+$0x0]  }
0x3b: {  	v12 =	vld [tilespmem:s2+$0xC80];
	_ =	sdelay $0x2  }
0x3c: {  	s5 =	simm.s32 $0x40;
	s4 =	smov.u32 s3  }
.LBB2_4:
0x3d: {  	s6 =	sshra.s32 s5, $0x2;
	p0 =	sne.s32 s5, $0x30C0;
	s5 =	sadd.s32 $0x40, s5;
	v13 =	vshll.u32 v11, $0xE;
	v14 =	vor.u32 s4, v8  }
.Ltmp1:
0x3e: {  	v11 =	vld [tilespmem:s6+$0x0];
	v13 =	vadd.s32 v12, v13;
	vm0 =	vlt.u32 v14, v0;
	(pc) =	sbr.rel @p0 .LBB2_4-.Ltmp1, $3  }
0x3f: {  	v12 =	vld [tilespmem:s6+$0xC80];
	v13 =	vsel vm0, $0x7FFFFFF0, v13  }
0x40: {  	[tilespmem:s2+$0x2580] =	vst v13;
	s2 =	smov.u32 s6;
	_ =	sdelay $0x1  }
0x41: {  	s4 =	sadd.s32 $0x10, s4  }
0x42: {  	v11 =	vshll.u32 v11, $0xE;
	v13 =	vor.u32 s4, v8  }
0x43: {  	v11 =	vadd.s32 v12, v11;
	vm0 =	vlt.u32 v13, v0  }
0x44: {  	v11 =	vsel vm0, $0x7FFFFFF0, v11  }
0x45: {  	[tilespmem:s2+$0x2580] =	vst v11  }
.LBB2_6:
0x46: {  	p0 =	sne.s32 s0, $0x61C0  }
.Ltmp2:
0x47: {  	_ = 	snop;
	(pc) =	sbr.rel @p0 .LBB2_6-.Ltmp2, $3  }
0x48: {  	_ =	sdelay $0x1  }
0x49: {  	s2 =	sshra.s32 s0, $0x2  }
0x4a: {  	s0 =	sadd.s32 $0x40, s0;
	[tilespmem:s2+$0x6300] =	vst v9  }
0x4b: {  	s0 =	simm.s32 $0x40;
	s2 =	simm.s32 $0x0  }
.LBB2_8:
0x4c: {  	p0 =	sne.s32 s0, $0x133C0;
	[tilespmem:s2+$0x7B80] =	vst v10;
	s2 =	smov.u32 s0;
	s0 =	sadd.s32 $0x40, s0  }
.Ltmp3:
0x4d: {  	(pc) =	sbr.rel @p0 .LBB2_8-.Ltmp3, $2  }
0x4e: {  	_ =	sdelay $0x2  }
0x4f: {  	s2 =	sshra.s32 s2, $0x2  }
0x50: {  	[tilespmem:s2+$0x7B80] =	vst v10  }
0x51: {  	[spmem:s16] =	stream.linear.scatter [tilespmem:s24], [sflag:$0x2], $0x4D00, $0x38;
	[tilespmem:$0x1FC88] =	vst v63  }
0x52: {  	_ =	swait.ge [sflag:s22], $0x4D00  }
0x53: {  	[sflag:s22] =	ssyncset.done $0x0  }
0x54: {  	[sflag:s22] =	ssyncadd.s32 $0xFFFFB300  }
0x55: {  	[spmem:s19] =	stream.linear.scatter [tilespmem:s24], [sflag:$0x2], $0x4D00, $0x38;
	[tilespmem:$0x1FC88] =	vst v63  }
0x56: {  	_ =	swait.ge [sflag:s22], $0x4D00  }
0x57: {  	[sflag:s22] =	ssyncset.done $0x0  }
0x58: {  	[sflag:s22] =	ssyncadd.s32 $0xFFFFB300  }
0x59: {  	[spmem:s20] =	stream.linear.scatter [tilespmem:s24], [sflag:$0x2], $0x4D00, $0x38;
	[tilespmem:$0x1FC88] =	vst v63  }
0x5a: {  	_ =	swait.ge [sflag:s22], $0x4D00  }
0x5b: {  	[sflag:s22] =	ssyncset.done $0x0  }
0x5c: {  	[sflag:s22] =	ssyncadd.s32 $0xFFFFB300  }
0x5d: {  	[spmem:s21] =	stream.linear.scatter [tilespmem:s24], [sflag:$0x2], $0x4D00, $0x38;
	[tilespmem:$0x1FC88] =	vst v63  }
0x5e: {  	_ =	swait.ge [sflag:s22], $0x4D00  }
0x5f: {  	[sflag:s22] =	ssyncset.done $0x0  }
0x60: {  	[sflag:s22] =	ssyncadd.s32 $0xFFFFB300  }
0x61: {  	s0 =	simm.s32 $0x1900;
	[bflag:$0x0] =	sbarrier.arrive $0xFFFF  }
0x62: {  	v11 =	vld [tilespmem:s0+$0x0];
	_ =	sdelay $0x2  }
0x63: {  	s12 =	simm.s32 $0x0  }
0x64: {  	s0 =	sand.u32 $0x70, s12  }
0x65: {  	s0 =	sor.u32 $0x134000, s0;
	v12 =	vsub.s32 v11, v1  }
0x66: {  	v11 =	vor.u32 s0, v8;
	vm0 =	vlt.u32 v12, $0x134000  }
0x67: {  	s2 =	simm.s32 $0x3200;
	v12 =	vsel vm0, v12, v11  }
0x68: {  	s4 =	simm.s32 $0x1910;
	[tilespmem:s2+$0x0] =	vst v12  }
0x69: {  	s5 =	simm.s32 $0x20;
	s6 =	simm.s32 $0x10;
	s0 =	simm.s32 $0x10;
	v12 =	vld [tilespmem:s4+$0x0]  }
.LBB2_10:
0x6a: {  	p0 =	sne.s32 s5, $0xC30;
	_ =	sdelay $0x2  }
0x6b: {  	s7 =	sand.u32 $0x70, s6;
	s6 =	smov.u32 s5  }
.Ltmp4:
0x6c: {  	s7 =	sor.u32 $0x134000, s7;
	v12 =	vsub.s32 v12, v1;
	(pc) =	sbr.rel @p0 .LBB2_10-.Ltmp4, $4  }
0x6d: {  	v13 =	vor.u32 s7, v8;
	vm0 =	vlt.u32 v12, $0x134000  }
0x6e: {  	s2 =	sadd.s32 $0x10, s2;
	v12 =	vsel vm0, v12, v13  }
0x6f: {  	s4 =	sadd.s32 $0x10, s4;
	[tilespmem:s2+$0x0] =	vst v12  }
0x70: {  	s5 =	sadd.s32 $0x10, s5;
	v12 =	vld [tilespmem:s4+$0x0]  }
0x71: {  	_ =	sdelay $0x2  }
0x72: {  	s4 =	sand.u32 $0x70, s6  }
0x73: {  	s4 =	sor.u32 $0x134000, s4;
	v12 =	vsub.s32 v12, v1  }
0x74: {  	v13 =	vor.u32 s4, v8;
	vm0 =	vlt.u32 v12, $0x134000  }
0x75: {  	s2 =	sadd.s32 $0x10, s2;
	v12 =	vsel vm0, v12, v13  }
0x76: {  	s12 =	simm.s32 $0x2580;
	[tilespmem:s2+$0x0] =	vst v12  }
0x77: {  	v12 =	vld [tilespmem:s12+$0x0];
	_ =	sdelay $0x4  }
0x78: {  	v12 =	vsub.s32 v12, v1  }
0x79: {  	vm15 =	vlt.u32 v12, $0x134000  }
0x7a: {  	s2 =	simm.s32 $0x3E40;
	v11 =	vsel vm15, v12, v11  }
0x7b: {  	s4 =	simm.s32 $0x2590;
	[tilespmem:s2+$0x0] =	vst v11  }
0x7c: {  	s5 =	simm.s32 $0x20;
	v11 =	vld [tilespmem:s4+$0x0]  }
.LBB2_12:
0x7d: {  	p0 =	sne.s32 s5, $0xC30;
	_ =	sdelay $0x2  }
0x7e: {  	s6 =	sand.u32 $0x70, s0;
	s0 =	smov.u32 s5  }
.Ltmp5:
0x7f: {  	s6 =	sor.u32 $0x134000, s6;
	v11 =	vsub.s32 v11, v1;
	(pc) =	sbr.rel @p0 .LBB2_12-.Ltmp5, $4  }
0x80: {  	v12 =	vor.u32 s6, v8;
	vm0 =	vlt.u32 v11, $0x134000  }
0x81: {  	s2 =	sadd.s32 $0x10, s2;
	v11 =	vsel vm0, v11, v12  }
0x82: {  	s4 =	sadd.s32 $0x10, s4;
	[tilespmem:s2+$0x0] =	vst v11  }
0x83: {  	s5 =	sadd.s32 $0x10, s5;
	v11 =	vld [tilespmem:s4+$0x0]  }
0x84: {  	_ =	sdelay $0x2  }
0x85: {  	s0 =	sand.u32 $0x70, s0  }
0x86: {  	s0 =	sor.u32 $0x134000, s0;
	v11 =	vsub.s32 v11, v1  }
0x87: {  	v12 =	vor.u32 s0, v8;
	vm0 =	vlt.u32 v11, $0x134000  }
0x88: {  	s4 =	sadd.s32 $0x10, s2;
	v11 =	vsel vm0, v11, v12  }
0x89: {  	[tilespmem:s4+$0x0] =	vst v11  }
0x8a: {  	[spmem:s1] =	stream.indirect.scatter.add.f32 [tilespmem:s28], [sflag:$0x2], $0x1, s26, s25, $0xb8;
	[tilespmem:$0x1FC88] =	vst v63  }
0x8b: {  	_ =	swait.ge [sflag:s22], $0x1880  }
0x8c: {  	[sflag:s22] =	ssyncset.done $0x0  }
0x8d: {  	s5 =	stileid.u32;
	[sflag:s22] =	ssyncadd.s32 $0xFFFFE780  }
0x8e: {  	s7 =	simm.s32 $0x1900;
	s0 =	sshll.u32 s5, $0x6;
	[bflag:$0x0] =	sbarrier.arrive $0xFFFF  }
0x8f: {  	s12 =	sor.u32 $0x1C01, s0;
	s0 =	sshrl.u32 s17, $0x3;
	s6 =	rddreg [dreg:$0xb]  }
0x90: {  	[hbm:s6], [sflag:s12] =	dma.local [spmem:s0], $0x2680  }
0x91: {  	v11 =	vld [tilespmem:s7+$0x0];
	_ =	sdelay $0x2  }
0x92: {  	s8 =	simm.s32 $0x0  }
0x93: {  	s2 =	sand.u32 $0x70, s8  }
0x94: {  	s2 =	sor.u32 $0x134000, s2;
	v12 =	vsub.s32 v11, v2  }
0x95: {  	v11 =	vor.u32 s2, v8;
	vm15 =	vlt.u32 v12, $0x134000  }
0x96: {  	s4 =	simm.s32 $0x4A80;
	v12 =	vsel vm15, v12, v11  }
0x97: {  	s5 =	simm.s32 $0x1910;
	[tilespmem:s4+$0x0] =	vst v12  }
0x98: {  	s6 =	simm.s32 $0x20;
	s7 =	simm.s32 $0x10;
	s2 =	simm.s32 $0x10;
	v12 =	vld [tilespmem:s5+$0x0]  }
.LBB2_14:
0x99: {  	p0 =	sne.s32 s6, $0xC30;
	_ =	sdelay $0x2  }
0x9a: {  	s8 =	sand.u32 $0x70, s7;
	s7 =	smov.u32 s6  }
.Ltmp6:
0x9b: {  	s8 =	sor.u32 $0x134000, s8;
	v12 =	vsub.s32 v12, v2;
	(pc) =	sbr.rel @p0 .LBB2_14-.Ltmp6, $4  }
0x9c: {  	v13 =	vor.u32 s8, v8;
	vm0 =	vlt.u32 v12, $0x134000  }
0x9d: {  	s4 =	sadd.s32 $0x10, s4;
	v12 =	vsel vm0, v12, v13  }
0x9e: {  	s5 =	sadd.s32 $0x10, s5;
	[tilespmem:s4+$0x0] =	vst v12  }
0x9f: {  	s6 =	sadd.s32 $0x10, s6;
	v12 =	vld [tilespmem:s5+$0x0]  }
0xa0: {  	_ =	sdelay $0x2  }
0xa1: {  	s5 =	sand.u32 $0x70, s7  }
0xa2: {  	s5 =	sor.u32 $0x134000, s5;
	v12 =	vsub.s32 v12, v2  }
0xa3: {  	v13 =	vor.u32 s5, v8;
	vm0 =	vlt.u32 v12, $0x134000  }
0xa4: {  	s4 =	sadd.s32 $0x10, s4;
	v12 =	vsel vm0, v12, v13  }
0xa5: {  	s8 =	simm.s32 $0x2580;
	[tilespmem:s4+$0x0] =	vst v12  }
0xa6: {  	v12 =	vld [tilespmem:s8+$0x0];
	_ =	sdelay $0x4  }
0xa7: {  	v12 =	vsub.s32 v12, v2  }
0xa8: {  	vm15 =	vlt.u32 v12, $0x134000  }
0xa9: {  	s4 =	simm.s32 $0x56C0;
	v11 =	vsel vm15, v12, v11  }
0xaa: {  	s5 =	simm.s32 $0x2590;
	[tilespmem:s4+$0x0] =	vst v11  }
0xab: {  	s6 =	simm.s32 $0x20;
	v11 =	vld [tilespmem:s5+$0x0]  }
.LBB2_16:
0xac: {  	p0 =	sne.s32 s6, $0xC30;
	_ =	sdelay $0x2  }
0xad: {  	s7 =	sand.u32 $0x70, s2;
	s2 =	smov.u32 s6  }
.Ltmp7:
0xae: {  	s7 =	sor.u32 $0x134000, s7;
	v11 =	vsub.s32 v11, v2;
	(pc) =	sbr.rel @p0 .LBB2_16-.Ltmp7, $4  }
0xaf: {  	v12 =	vor.u32 s7, v8;
	vm0 =	vlt.u32 v11, $0x134000  }
0xb0: {  	s4 =	sadd.s32 $0x10, s4;
	v11 =	vsel vm0, v11, v12  }
0xb1: {  	s5 =	sadd.s32 $0x10, s5;
	[tilespmem:s4+$0x0] =	vst v11  }
0xb2: {  	s6 =	sadd.s32 $0x10, s6;
	v11 =	vld [tilespmem:s5+$0x0]  }
0xb3: {  	_ =	sdelay $0x2  }
0xb4: {  	s2 =	sand.u32 $0x70, s2  }
0xb5: {  	s2 =	sor.u32 $0x134000, s2;
	v11 =	vsub.s32 v11, v2  }
0xb6: {  	v12 =	vor.u32 s2, v8;
	vm0 =	vlt.u32 v11, $0x134000  }
0xb7: {  	s6 =	sadd.s32 $0x10, s4;
	v11 =	vsel vm0, v11, v12  }
0xb8: {  	[tilespmem:s6+$0x0] =	vst v11  }
0xb9: {  	_ =	swait.ge [sflag:s29], $0x2680  }
0xba: {  	[sflag:s29] =	ssyncset.done $0x0  }
0xbb: {  	[sflag:s29] =	ssyncadd.s32 $0xFFFFD980  }
0xbc: {  	s4 =	simm.s32 $0x3200;
	[bflag:$0x0] =	sbarrier.arrive $0xFFFF  }
0xbd: {  	[spmem:s1] =	stream.indirect.scatter [tilespmem:s24], [sflag:$0x2], $0x1, s4, s25, $0xb8;
	[tilespmem:$0x1FC88] =	vst v63  }
0xbe: {  	_ =	swait.ge [sflag:s22], $0x1880  }
0xbf: {  	[sflag:s22] =	ssyncset.done $0x0  }
0xc0: {  	[sflag:s22] =	ssyncadd.s32 $0xFFFFE780  }
0xc1: {  	[bflag:$0x0] =	sbarrier.arrive $0xFFFF  }
0xc2: {  	[spmem:s1] =	stream.indirect.scatter.add.f32 [tilespmem:s28], [sflag:$0x2], $0x1, s30, s25, $0xb8;
	[tilespmem:$0x1FC88] =	vst v63  }
0xc3: {  	_ =	swait.ge [sflag:s22], $0x1880  }
0xc4: {  	[sflag:s22] =	ssyncset.done $0x0  }
0xc5: {  	[sflag:s22] =	ssyncadd.s32 $0xFFFFE780  }
0xc6: {  	s7 =	simm.s32 $0x1900;
	[bflag:$0x0] =	sbarrier.arrive $0xFFFF  }
0xc7: {  	[hbm:s9], [sflag:s12] =	dma.local [spmem:s0], $0x2680  }
0xc8: {  	v11 =	vld [tilespmem:s7+$0x0];
	_ =	sdelay $0x2  }
0xc9: {  	s8 =	simm.s32 $0x0  }
0xca: {  	s2 =	sand.u32 $0x70, s8  }
0xcb: {  	s2 =	sor.u32 $0x134000, s2;
	v12 =	vsub.s32 v11, v3  }
0xcc: {  	v11 =	vor.u32 s2, v8;
	vm15 =	vlt.u32 v12, $0x134000  }
0xcd: {  	v12 =	vsel vm15, v12, v11  }
0xce: {  	s5 =	simm.s32 $0x1910;
	[tilespmem:s4+$0x0] =	vst v12  }
0xcf: {  	s6 =	simm.s32 $0x20;
	s7 =	simm.s32 $0x10;
	s2 =	simm.s32 $0x10;
	v12 =	vld [tilespmem:s5+$0x0]  }
.LBB2_18:
0xd0: {  	p0 =	sne.s32 s6, $0xC30;
	_ =	sdelay $0x2  }
0xd1: {  	s8 =	sand.u32 $0x70, s7;
	s7 =	smov.u32 s6  }
.Ltmp8:
0xd2: {  	s8 =	sor.u32 $0x134000, s8;
	v12 =	vsub.s32 v12, v3;
	(pc) =	sbr.rel @p0 .LBB2_18-.Ltmp8, $4  }
0xd3: {  	v13 =	vor.u32 s8, v8;
	vm0 =	vlt.u32 v12, $0x134000  }
0xd4: {  	s4 =	sadd.s32 $0x10, s4;
	v12 =	vsel vm0, v12, v13  }
0xd5: {  	s5 =	sadd.s32 $0x10, s5;
	[tilespmem:s4+$0x0] =	vst v12  }
0xd6: {  	s6 =	sadd.s32 $0x10, s6;
	v12 =	vld [tilespmem:s5+$0x0]  }
0xd7: {  	_ =	sdelay $0x2  }
0xd8: {  	s5 =	sand.u32 $0x70, s7  }
0xd9: {  	s5 =	sor.u32 $0x134000, s5;
	v12 =	vsub.s32 v12, v3  }
0xda: {  	v13 =	vor.u32 s5, v8;
	vm0 =	vlt.u32 v12, $0x134000  }
0xdb: {  	s4 =	sadd.s32 $0x10, s4;
	v12 =	vsel vm0, v12, v13  }
0xdc: {  	s8 =	simm.s32 $0x2580;
	[tilespmem:s4+$0x0] =	vst v12  }
0xdd: {  	v12 =	vld [tilespmem:s8+$0x0];
	_ =	sdelay $0x4  }
0xde: {  	v12 =	vsub.s32 v12, v3  }
0xdf: {  	vm15 =	vlt.u32 v12, $0x134000  }
0xe0: {  	s4 =	simm.s32 $0x3E40;
	v11 =	vsel vm15, v12, v11  }
0xe1: {  	s5 =	simm.s32 $0x2590;
	[tilespmem:s4+$0x0] =	vst v11  }
0xe2: {  	s6 =	simm.s32 $0x20;
	v11 =	vld [tilespmem:s5+$0x0]  }
.LBB2_20:
0xe3: {  	p0 =	sne.s32 s6, $0xC30;
	_ =	sdelay $0x2  }
0xe4: {  	s7 =	sand.u32 $0x70, s2;
	s2 =	smov.u32 s6  }
.Ltmp9:
0xe5: {  	s7 =	sor.u32 $0x134000, s7;
	v11 =	vsub.s32 v11, v3;
	(pc) =	sbr.rel @p0 .LBB2_20-.Ltmp9, $4  }
0xe6: {  	v12 =	vor.u32 s7, v8;
	vm0 =	vlt.u32 v11, $0x134000  }
0xe7: {  	s4 =	sadd.s32 $0x10, s4;
	v11 =	vsel vm0, v11, v12  }
0xe8: {  	s5 =	sadd.s32 $0x10, s5;
	[tilespmem:s4+$0x0] =	vst v11  }
0xe9: {  	s6 =	sadd.s32 $0x10, s6;
	v11 =	vld [tilespmem:s5+$0x0]  }
0xea: {  	_ =	sdelay $0x2  }
0xeb: {  	s2 =	sand.u32 $0x70, s2  }
0xec: {  	s2 =	sor.u32 $0x134000, s2;
	v11 =	vsub.s32 v11, v3  }
0xed: {  	v12 =	vor.u32 s2, v8;
	vm0 =	vlt.u32 v11, $0x134000  }
0xee: {  	s6 =	sadd.s32 $0x10, s4;
	v11 =	vsel vm0, v11, v12  }
0xef: {  	[tilespmem:s6+$0x0] =	vst v11  }
0xf0: {  	_ =	swait.ge [sflag:s29], $0x2680  }
0xf1: {  	[sflag:s29] =	ssyncset.done $0x0  }
0xf2: {  	[sflag:s29] =	ssyncadd.s32 $0xFFFFD980  }
0xf3: {  	s4 =	simm.s32 $0x4A80;
	[bflag:$0x0] =	sbarrier.arrive $0xFFFF  }
0xf4: {  	[spmem:s1] =	stream.indirect.scatter [tilespmem:s24], [sflag:$0x2], $0x1, s4, s25, $0xb8;
	[tilespmem:$0x1FC88] =	vst v63  }
0xf5: {  	_ =	swait.ge [sflag:s22], $0x1880  }
0xf6: {  	[sflag:s22] =	ssyncset.done $0x0  }
0xf7: {  	[sflag:s22] =	ssyncadd.s32 $0xFFFFE780  }
0xf8: {  	[bflag:$0x0] =	sbarrier.arrive $0xFFFF  }
0xf9: {  	[spmem:s1] =	stream.indirect.scatter.add.f32 [tilespmem:s28], [sflag:$0x2], $0x1, s26, s25, $0xb8;
	[tilespmem:$0x1FC88] =	vst v63  }
0xfa: {  	_ =	swait.ge [sflag:s22], $0x1880  }
0xfb: {  	[sflag:s22] =	ssyncset.done $0x0  }
0xfc: {  	[sflag:s22] =	ssyncadd.s32 $0xFFFFE780  }
0xfd: {  	s7 =	simm.s32 $0x1900;
	[bflag:$0x0] =	sbarrier.arrive $0xFFFF  }
0xfe: {  	[hbm:s10], [sflag:s12] =	dma.local [spmem:s0], $0x2680  }
0xff: {  	v11 =	vld [tilespmem:s7+$0x0];
	_ =	sdelay $0x2  }
0x100: {  	s8 =	simm.s32 $0x0  }
0x101: {  	s2 =	sand.u32 $0x70, s8  }
0x102: {  	s2 =	sor.u32 $0x134000, s2;
	v12 =	vsub.s32 v11, v4  }
0x103: {  	v11 =	vor.u32 s2, v8;
	vm15 =	vlt.u32 v12, $0x134000  }
0x104: {  	v12 =	vsel vm15, v12, v11  }
0x105: {  	s5 =	simm.s32 $0x1910;
	[tilespmem:s4+$0x0] =	vst v12  }
0x106: {  	s6 =	simm.s32 $0x20;
	s7 =	simm.s32 $0x10;
	s2 =	simm.s32 $0x10;
	v12 =	vld [tilespmem:s5+$0x0]  }
.LBB2_22:
0x107: {  	p0 =	sne.s32 s6, $0xC30;
	_ =	sdelay $0x2  }
0x108: {  	s8 =	sand.u32 $0x70, s7;
	s7 =	smov.u32 s6  }
.Ltmp10:
0x109: {  	s8 =	sor.u32 $0x134000, s8;
	v12 =	vsub.s32 v12, v4;
	(pc) =	sbr.rel @p0 .LBB2_22-.Ltmp10, $4  }
0x10a: {  	v13 =	vor.u32 s8, v8;
	vm0 =	vlt.u32 v12, $0x134000  }
0x10b: {  	s4 =	sadd.s32 $0x10, s4;
	v12 =	vsel vm0, v12, v13  }
0x10c: {  	s5 =	sadd.s32 $0x10, s5;
	[tilespmem:s4+$0x0] =	vst v12  }
0x10d: {  	s6 =	sadd.s32 $0x10, s6;
	v12 =	vld [tilespmem:s5+$0x0]  }
0x10e: {  	_ =	sdelay $0x2  }
0x10f: {  	s5 =	sand.u32 $0x70, s7  }
0x110: {  	s5 =	sor.u32 $0x134000, s5;
	v12 =	vsub.s32 v12, v4  }
0x111: {  	v13 =	vor.u32 s5, v8;
	vm0 =	vlt.u32 v12, $0x134000  }
0x112: {  	s4 =	sadd.s32 $0x10, s4;
	v12 =	vsel vm0, v12, v13  }
0x113: {  	s8 =	simm.s32 $0x2580;
	[tilespmem:s4+$0x0] =	vst v12  }
0x114: {  	v12 =	vld [tilespmem:s8+$0x0];
	_ =	sdelay $0x4  }
0x115: {  	v12 =	vsub.s32 v12, v4  }
0x116: {  	vm15 =	vlt.u32 v12, $0x134000  }
0x117: {  	s4 =	simm.s32 $0x56C0;
	v11 =	vsel vm15, v12, v11  }
0x118: {  	s5 =	simm.s32 $0x2590;
	[tilespmem:s4+$0x0] =	vst v11  }
0x119: {  	s6 =	simm.s32 $0x20;
	v11 =	vld [tilespmem:s5+$0x0]  }
.LBB2_24:
0x11a: {  	p0 =	sne.s32 s6, $0xC30;
	_ =	sdelay $0x2  }
0x11b: {  	s7 =	sand.u32 $0x70, s2;
	s2 =	smov.u32 s6  }
.Ltmp11:
0x11c: {  	s7 =	sor.u32 $0x134000, s7;
	v11 =	vsub.s32 v11, v4;
	(pc) =	sbr.rel @p0 .LBB2_24-.Ltmp11, $4  }
0x11d: {  	v12 =	vor.u32 s7, v8;
	vm0 =	vlt.u32 v11, $0x134000  }
0x11e: {  	s4 =	sadd.s32 $0x10, s4;
	v11 =	vsel vm0, v11, v12  }
0x11f: {  	s5 =	sadd.s32 $0x10, s5;
	[tilespmem:s4+$0x0] =	vst v11  }
0x120: {  	s6 =	sadd.s32 $0x10, s6;
	v11 =	vld [tilespmem:s5+$0x0]  }
0x121: {  	_ =	sdelay $0x2  }
0x122: {  	s2 =	sand.u32 $0x70, s2  }
0x123: {  	s2 =	sor.u32 $0x134000, s2;
	v11 =	vsub.s32 v11, v4  }
0x124: {  	v12 =	vor.u32 s2, v8;
	vm0 =	vlt.u32 v11, $0x134000  }
0x125: {  	s6 =	sadd.s32 $0x10, s4;
	v11 =	vsel vm0, v11, v12  }
0x126: {  	[tilespmem:s6+$0x0] =	vst v11  }
0x127: {  	_ =	swait.ge [sflag:s29], $0x2680  }
0x128: {  	[sflag:s29] =	ssyncset.done $0x0  }
0x129: {  	[sflag:s29] =	ssyncadd.s32 $0xFFFFD980  }
0x12a: {  	s4 =	simm.s32 $0x3200;
	[bflag:$0x0] =	sbarrier.arrive $0xFFFF  }
0x12b: {  	[spmem:s1] =	stream.indirect.scatter [tilespmem:s24], [sflag:$0x2], $0x1, s4, s25, $0xb8;
	[tilespmem:$0x1FC88] =	vst v63  }
0x12c: {  	_ =	swait.ge [sflag:s22], $0x1880  }
0x12d: {  	[sflag:s22] =	ssyncset.done $0x0  }
0x12e: {  	[sflag:s22] =	ssyncadd.s32 $0xFFFFE780  }
0x12f: {  	[bflag:$0x0] =	sbarrier.arrive $0xFFFF  }
0x130: {  	[spmem:s1] =	stream.indirect.scatter.add.f32 [tilespmem:s28], [sflag:$0x2], $0x1, s30, s25, $0xb8;
	[tilespmem:$0x1FC88] =	vst v63  }
0x131: {  	_ =	swait.ge [sflag:s22], $0x1880  }
0x132: {  	[sflag:s22] =	ssyncset.done $0x0  }
0x133: {  	[sflag:s22] =	ssyncadd.s32 $0xFFFFE780  }
0x134: {  	s7 =	simm.s32 $0x1900;
	[bflag:$0x0] =	sbarrier.arrive $0xFFFF  }
0x135: {  	[hbm:s11], [sflag:s12] =	dma.local [spmem:s0], $0x2680  }
0x136: {  	v11 =	vld [tilespmem:s7+$0x0];
	_ =	sdelay $0x2  }
0x137: {  	s8 =	simm.s32 $0x0  }
0x138: {  	s2 =	sand.u32 $0x70, s8  }
0x139: {  	s2 =	sor.u32 $0x134000, s2;
	v12 =	vsub.s32 v11, v5  }
0x13a: {  	v11 =	vor.u32 s2, v8;
	vm15 =	vlt.u32 v12, $0x134000  }
0x13b: {  	v12 =	vsel vm15, v12, v11  }
0x13c: {  	s5 =	simm.s32 $0x1910;
	[tilespmem:s4+$0x0] =	vst v12  }
0x13d: {  	s6 =	simm.s32 $0x20;
	s7 =	simm.s32 $0x10;
	s2 =	simm.s32 $0x10;
	v12 =	vld [tilespmem:s5+$0x0]  }
.LBB2_26:
0x13e: {  	p0 =	sne.s32 s6, $0xC30;
	_ =	sdelay $0x2  }
0x13f: {  	s8 =	sand.u32 $0x70, s7;
	s7 =	smov.u32 s6  }
.Ltmp12:
0x140: {  	s8 =	sor.u32 $0x134000, s8;
	v12 =	vsub.s32 v12, v5;
	(pc) =	sbr.rel @p0 .LBB2_26-.Ltmp12, $4  }
0x141: {  	v13 =	vor.u32 s8, v8;
	vm0 =	vlt.u32 v12, $0x134000  }
0x142: {  	s4 =	sadd.s32 $0x10, s4;
	v12 =	vsel vm0, v12, v13  }
0x143: {  	s5 =	sadd.s32 $0x10, s5;
	[tilespmem:s4+$0x0] =	vst v12  }
0x144: {  	s6 =	sadd.s32 $0x10, s6;
	v12 =	vld [tilespmem:s5+$0x0]  }
0x145: {  	_ =	sdelay $0x2  }
0x146: {  	s5 =	sand.u32 $0x70, s7  }
0x147: {  	s5 =	sor.u32 $0x134000, s5;
	v12 =	vsub.s32 v12, v5  }
0x148: {  	v13 =	vor.u32 s5, v8;
	vm0 =	vlt.u32 v12, $0x134000  }
0x149: {  	s4 =	sadd.s32 $0x10, s4;
	v12 =	vsel vm0, v12, v13  }
0x14a: {  	s8 =	simm.s32 $0x2580;
	[tilespmem:s4+$0x0] =	vst v12  }
0x14b: {  	v12 =	vld [tilespmem:s8+$0x0];
	_ =	sdelay $0x4  }
0x14c: {  	v12 =	vsub.s32 v12, v5  }
0x14d: {  	vm15 =	vlt.u32 v12, $0x134000  }
0x14e: {  	s4 =	simm.s32 $0x3E40;
	v11 =	vsel vm15, v12, v11  }
0x14f: {  	s5 =	simm.s32 $0x2590;
	[tilespmem:s4+$0x0] =	vst v11  }
0x150: {  	s6 =	simm.s32 $0x20;
	v11 =	vld [tilespmem:s5+$0x0]  }
.LBB2_28:
0x151: {  	p0 =	sne.s32 s6, $0xC30;
	_ =	sdelay $0x2  }
0x152: {  	s7 =	sand.u32 $0x70, s2;
	s2 =	smov.u32 s6  }
.Ltmp13:
0x153: {  	s7 =	sor.u32 $0x134000, s7;
	v11 =	vsub.s32 v11, v5;
	(pc) =	sbr.rel @p0 .LBB2_28-.Ltmp13, $4  }
0x154: {  	v12 =	vor.u32 s7, v8;
	vm0 =	vlt.u32 v11, $0x134000  }
0x155: {  	s4 =	sadd.s32 $0x10, s4;
	v11 =	vsel vm0, v11, v12  }
0x156: {  	s5 =	sadd.s32 $0x10, s5;
	[tilespmem:s4+$0x0] =	vst v11  }
0x157: {  	s6 =	sadd.s32 $0x10, s6;
	v11 =	vld [tilespmem:s5+$0x0]  }
0x158: {  	_ =	sdelay $0x2  }
0x159: {  	s2 =	sand.u32 $0x70, s2  }
0x15a: {  	s2 =	sor.u32 $0x134000, s2;
	v11 =	vsub.s32 v11, v5  }
0x15b: {  	v12 =	vor.u32 s2, v8;
	vm0 =	vlt.u32 v11, $0x134000  }
0x15c: {  	s6 =	sadd.s32 $0x10, s4;
	v11 =	vsel vm0, v11, v12  }
0x15d: {  	[tilespmem:s6+$0x0] =	vst v11  }
0x15e: {  	_ =	swait.ge [sflag:s29], $0x2680  }
0x15f: {  	[sflag:s29] =	ssyncset.done $0x0  }
0x160: {  	[sflag:s29] =	ssyncadd.s32 $0xFFFFD980  }
0x161: {  	s4 =	simm.s32 $0x4A80;
	[bflag:$0x0] =	sbarrier.arrive $0xFFFF  }
0x162: {  	[spmem:s1] =	stream.indirect.scatter [tilespmem:s24], [sflag:$0x2], $0x1, s4, s25, $0xb8;
	[tilespmem:$0x1FC88] =	vst v63  }
0x163: {  	_ =	swait.ge [sflag:s22], $0x1880  }
0x164: {  	[sflag:s22] =	ssyncset.done $0x0  }
0x165: {  	[sflag:s22] =	ssyncadd.s32 $0xFFFFE780  }
0x166: {  	[bflag:$0x0] =	sbarrier.arrive $0xFFFF  }
0x167: {  	[spmem:s1] =	stream.indirect.scatter.add.f32 [tilespmem:s28], [sflag:$0x2], $0x1, s26, s25, $0xb8;
	[tilespmem:$0x1FC88] =	vst v63  }
0x168: {  	_ =	swait.ge [sflag:s22], $0x1880  }
0x169: {  	[sflag:s22] =	ssyncset.done $0x0  }
0x16a: {  	[sflag:s22] =	ssyncadd.s32 $0xFFFFE780  }
0x16b: {  	s7 =	simm.s32 $0x1900;
	[bflag:$0x0] =	sbarrier.arrive $0xFFFF  }
0x16c: {  	[hbm:s13], [sflag:s12] =	dma.local [spmem:s0], $0x2680  }
0x16d: {  	v11 =	vld [tilespmem:s7+$0x0];
	_ =	sdelay $0x2  }
0x16e: {  	s8 =	simm.s32 $0x0  }
0x16f: {  	s2 =	sand.u32 $0x70, s8  }
0x170: {  	s2 =	sor.u32 $0x134000, s2;
	v12 =	vsub.s32 v11, v6  }
0x171: {  	v11 =	vor.u32 s2, v8;
	vm15 =	vlt.u32 v12, $0x134000  }
0x172: {  	v12 =	vsel vm15, v12, v11  }
0x173: {  	s5 =	simm.s32 $0x1910;
	[tilespmem:s4+$0x0] =	vst v12  }
0x174: {  	s6 =	simm.s32 $0x20;
	s7 =	simm.s32 $0x10;
	s2 =	simm.s32 $0x10;
	v12 =	vld [tilespmem:s5+$0x0]  }
.LBB2_30:
0x175: {  	p0 =	sne.s32 s6, $0xC30;
	_ =	sdelay $0x2  }
0x176: {  	s8 =	sand.u32 $0x70, s7;
	s7 =	smov.u32 s6  }
.Ltmp14:
0x177: {  	s8 =	sor.u32 $0x134000, s8;
	v12 =	vsub.s32 v12, v6;
	(pc) =	sbr.rel @p0 .LBB2_30-.Ltmp14, $4  }
0x178: {  	v13 =	vor.u32 s8, v8;
	vm0 =	vlt.u32 v12, $0x134000  }
0x179: {  	s4 =	sadd.s32 $0x10, s4;
	v12 =	vsel vm0, v12, v13  }
0x17a: {  	s5 =	sadd.s32 $0x10, s5;
	[tilespmem:s4+$0x0] =	vst v12  }
0x17b: {  	s6 =	sadd.s32 $0x10, s6;
	v12 =	vld [tilespmem:s5+$0x0]  }
0x17c: {  	_ =	sdelay $0x2  }
0x17d: {  	s5 =	sand.u32 $0x70, s7  }
0x17e: {  	s5 =	sor.u32 $0x134000, s5;
	v12 =	vsub.s32 v12, v6  }
0x17f: {  	v13 =	vor.u32 s5, v8;
	vm0 =	vlt.u32 v12, $0x134000  }
0x180: {  	s4 =	sadd.s32 $0x10, s4;
	v12 =	vsel vm0, v12, v13  }
0x181: {  	s8 =	simm.s32 $0x2580;
	[tilespmem:s4+$0x0] =	vst v12  }
0x182: {  	v12 =	vld [tilespmem:s8+$0x0];
	_ =	sdelay $0x4  }
0x183: {  	v12 =	vsub.s32 v12, v6  }
0x184: {  	vm15 =	vlt.u32 v12, $0x134000  }
0x185: {  	s4 =	simm.s32 $0x56C0;
	v11 =	vsel vm15, v12, v11  }
0x186: {  	s5 =	simm.s32 $0x2590;
	[tilespmem:s4+$0x0] =	vst v11  }
0x187: {  	s6 =	simm.s32 $0x20;
	v11 =	vld [tilespmem:s5+$0x0]  }
.LBB2_32:
0x188: {  	p0 =	sne.s32 s6, $0xC30;
	_ =	sdelay $0x2  }
0x189: {  	s7 =	sand.u32 $0x70, s2;
	s2 =	smov.u32 s6  }
.Ltmp15:
0x18a: {  	s7 =	sor.u32 $0x134000, s7;
	v11 =	vsub.s32 v11, v6;
	(pc) =	sbr.rel @p0 .LBB2_32-.Ltmp15, $4  }
0x18b: {  	v12 =	vor.u32 s7, v8;
	vm0 =	vlt.u32 v11, $0x134000  }
0x18c: {  	s4 =	sadd.s32 $0x10, s4;
	v11 =	vsel vm0, v11, v12  }
0x18d: {  	s5 =	sadd.s32 $0x10, s5;
	[tilespmem:s4+$0x0] =	vst v11  }
0x18e: {  	s6 =	sadd.s32 $0x10, s6;
	v11 =	vld [tilespmem:s5+$0x0]  }
0x18f: {  	_ =	sdelay $0x2  }
0x190: {  	s2 =	sand.u32 $0x70, s2  }
0x191: {  	s2 =	sor.u32 $0x134000, s2;
	v11 =	vsub.s32 v11, v6  }
0x192: {  	v12 =	vor.u32 s2, v8;
	vm0 =	vlt.u32 v11, $0x134000  }
0x193: {  	s6 =	sadd.s32 $0x10, s4;
	v11 =	vsel vm0, v11, v12  }
0x194: {  	[tilespmem:s6+$0x0] =	vst v11  }
0x195: {  	_ =	swait.ge [sflag:s29], $0x2680  }
0x196: {  	[sflag:s29] =	ssyncset.done $0x0  }
0x197: {  	[sflag:s29] =	ssyncadd.s32 $0xFFFFD980  }
0x198: {  	s4 =	simm.s32 $0x3200;
	[bflag:$0x0] =	sbarrier.arrive $0xFFFF  }
0x199: {  	[spmem:s1] =	stream.indirect.scatter [tilespmem:s24], [sflag:$0x2], $0x1, s4, s25, $0xb8;
	[tilespmem:$0x1FC88] =	vst v63  }
0x19a: {  	_ =	swait.ge [sflag:s22], $0x1880  }
0x19b: {  	[sflag:s22] =	ssyncset.done $0x0  }
0x19c: {  	[sflag:s22] =	ssyncadd.s32 $0xFFFFE780  }
0x19d: {  	[bflag:$0x0] =	sbarrier.arrive $0xFFFF  }
0x19e: {  	[spmem:s1] =	stream.indirect.scatter.add.f32 [tilespmem:s28], [sflag:$0x2], $0x1, s30, s25, $0xb8;
	[tilespmem:$0x1FC88] =	vst v63  }
0x19f: {  	_ =	swait.ge [sflag:s22], $0x1880  }
0x1a0: {  	[sflag:s22] =	ssyncset.done $0x0  }
0x1a1: {  	[sflag:s22] =	ssyncadd.s32 $0xFFFFE780  }
0x1a2: {  	s7 =	simm.s32 $0x1900;
	[bflag:$0x0] =	sbarrier.arrive $0xFFFF  }
0x1a3: {  	[hbm:s14], [sflag:s12] =	dma.local [spmem:s0], $0x2680  }
0x1a4: {  	v11 =	vld [tilespmem:s7+$0x0];
	_ =	sdelay $0x2  }
0x1a5: {  	s8 =	simm.s32 $0x0  }
0x1a6: {  	s2 =	sand.u32 $0x70, s8  }
0x1a7: {  	s2 =	sor.u32 $0x134000, s2;
	v12 =	vsub.s32 v11, v7  }
0x1a8: {  	v11 =	vor.u32 s2, v8;
	vm15 =	vlt.u32 v12, $0x134000  }
0x1a9: {  	v12 =	vsel vm15, v12, v11  }
0x1aa: {  	s5 =	simm.s32 $0x1910;
	[tilespmem:s4+$0x0] =	vst v12  }
0x1ab: {  	s6 =	simm.s32 $0x20;
	s7 =	simm.s32 $0x10;
	s2 =	simm.s32 $0x10;
	v12 =	vld [tilespmem:s5+$0x0]  }
.LBB2_34:
0x1ac: {  	p0 =	sne.s32 s6, $0xC30;
	_ =	sdelay $0x2  }
0x1ad: {  	s8 =	sand.u32 $0x70, s7;
	s7 =	smov.u32 s6  }
.Ltmp16:
0x1ae: {  	s8 =	sor.u32 $0x134000, s8;
	v12 =	vsub.s32 v12, v7;
	(pc) =	sbr.rel @p0 .LBB2_34-.Ltmp16, $4  }
0x1af: {  	v13 =	vor.u32 s8, v8;
	vm0 =	vlt.u32 v12, $0x134000  }
0x1b0: {  	s4 =	sadd.s32 $0x10, s4;
	v12 =	vsel vm0, v12, v13  }
0x1b1: {  	s5 =	sadd.s32 $0x10, s5;
	[tilespmem:s4+$0x0] =	vst v12  }
0x1b2: {  	s6 =	sadd.s32 $0x10, s6;
	v12 =	vld [tilespmem:s5+$0x0]  }
0x1b3: {  	_ =	sdelay $0x2  }
0x1b4: {  	s5 =	sand.u32 $0x70, s7  }
0x1b5: {  	s5 =	sor.u32 $0x134000, s5;
	v12 =	vsub.s32 v12, v7  }
0x1b6: {  	v13 =	vor.u32 s5, v8;
	vm0 =	vlt.u32 v12, $0x134000  }
0x1b7: {  	s4 =	sadd.s32 $0x10, s4;
	v12 =	vsel vm0, v12, v13  }
0x1b8: {  	s8 =	simm.s32 $0x2580;
	[tilespmem:s4+$0x0] =	vst v12  }
0x1b9: {  	v12 =	vld [tilespmem:s8+$0x0];
	_ =	sdelay $0x4  }
0x1ba: {  	v12 =	vsub.s32 v12, v7  }
0x1bb: {  	vm15 =	vlt.u32 v12, $0x134000  }
0x1bc: {  	s4 =	simm.s32 $0x3E40;
	v11 =	vsel vm15, v12, v11  }
0x1bd: {  	s5 =	simm.s32 $0x2590;
	[tilespmem:s4+$0x0] =	vst v11  }
0x1be: {  	s6 =	simm.s32 $0x20;
	v11 =	vld [tilespmem:s5+$0x0]  }
.LBB2_36:
0x1bf: {  	p0 =	sne.s32 s6, $0xC30;
	_ =	sdelay $0x2  }
0x1c0: {  	s7 =	sand.u32 $0x70, s2;
	s2 =	smov.u32 s6  }
.Ltmp17:
0x1c1: {  	s7 =	sor.u32 $0x134000, s7;
	v11 =	vsub.s32 v11, v7;
	(pc) =	sbr.rel @p0 .LBB2_36-.Ltmp17, $4  }
0x1c2: {  	v12 =	vor.u32 s7, v8;
	vm0 =	vlt.u32 v11, $0x134000  }
0x1c3: {  	s4 =	sadd.s32 $0x10, s4;
	v11 =	vsel vm0, v11, v12  }
0x1c4: {  	s5 =	sadd.s32 $0x10, s5;
	[tilespmem:s4+$0x0] =	vst v11  }
0x1c5: {  	s6 =	sadd.s32 $0x10, s6;
	v11 =	vld [tilespmem:s5+$0x0]  }
0x1c6: {  	_ =	sdelay $0x2  }
0x1c7: {  	s2 =	sand.u32 $0x70, s2  }
0x1c8: {  	s2 =	sor.u32 $0x134000, s2;
	v11 =	vsub.s32 v11, v7  }
0x1c9: {  	v12 =	vor.u32 s2, v8;
	vm0 =	vlt.u32 v11, $0x134000  }
0x1ca: {  	s8 =	sadd.s32 $0x10, s4;
	v11 =	vsel vm0, v11, v12  }
0x1cb: {  	[tilespmem:s8+$0x0] =	vst v11  }
0x1cc: {  	_ =	swait.ge [sflag:s29], $0x2680  }
0x1cd: {  	[sflag:s29] =	ssyncset.done $0x0  }
0x1ce: {  	[sflag:s29] =	ssyncadd.s32 $0xFFFFD980  }
0x1cf: {  	[bflag:$0x0] =	sbarrier.arrive $0xFFFF  }
0x1d0: {  	[spmem:s1] =	stream.indirect.scatter [tilespmem:s24], [sflag:$0x2], $0x1, s30, s25, $0xb8;
	[tilespmem:$0x1FC88] =	vst v63  }
0x1d1: {  	_ =	swait.ge [sflag:s22], $0x1880  }
0x1d2: {  	[sflag:s22] =	ssyncset.done $0x0  }
0x1d3: {  	[sflag:s22] =	ssyncadd.s32 $0xFFFFE780  }
0x1d4: {  	[bflag:$0x0] =	sbarrier.arrive $0xFFFF  }
0x1d5: {  	[spmem:s1] =	stream.indirect.scatter.add.f32 [tilespmem:s28], [sflag:$0x2], $0x1, s26, s25, $0xb8;
	[tilespmem:$0x1FC88] =	vst v63  }
0x1d6: {  	_ =	swait.ge [sflag:s22], $0x1880  }
0x1d7: {  	[sflag:s22] =	ssyncset.done $0x0  }
0x1d8: {  	s31 =	sadd.s32 $0x1, s31;
	[sflag:s22] =	ssyncadd.s32 $0xFFFFE780  }
0x1d9: {  	p0 =	sne.s32 s31, s18;
	[bflag:$0x0] =	sbarrier.arrive $0xFFFF  }
0x1da: {  	[hbm:s15], [sflag:s12] =	dma.local [spmem:s0], $0x2680  }
.Ltmp18:
0x1db: {  	_ =	swait.ge [sflag:s29], $0x2680;
	(pc) =	sbr.rel @p0 .LBB2_1-.Ltmp18, $3  }
0x1dc: {  	[sflag:s29] =	ssyncset.done $0x0  }
0x1dd: {  	[sflag:s29] =	ssyncadd.s32 $0xFFFFD980  }
0x1de: {  	[bflag:$0x0] =	sbarrier.arrive $0xFFFF;
	_ =	sdelay $0x1  }
0x1df: {  	_ =	sfence.sel $0x180000  }
0x1e0: {  	[bflag:$0x0] =	sbarrier.arrive $0xFFFF  }
0x1e1: {  	_ =	strace $0x90000047  }
0x1e2: {  	s0 =	stileid.u32;
	[bflag:$0x2] =	sbarrier.arrive $0xFFFF  }
0x1e3: {  	p0 =	sne.s32 s0, $0x0;
	s0 =	rddreg [dreg:$0x6]  }
0x1e4: {  	s0 =	sadd.s32 @!p0 $0x100000, s0  }
0x1e5: {  	[sflag:s0] =	ssyncadd.tile.s32 @!p0 $0x1;
	_ =	shalt  }
.Lfunc_end2:
_tile_overlayer_lowered:
.L_overlay_start_2:
0x1e6: {  	(tag) =	ssettag $0x2  }
0x1e7: {  	s0 =	rddreg [dreg:$0x0];
	s2 =	stileid.u32  }
0x1e8: {  	s1 =	rddreg [dreg:$0x1];
	p0 =	sne.s32 s2, $0x0  }
0x1e9: {  	s3 =	rddreg [dreg:$0x2];
	[bflag:$0x3] =	sbarrier.arrive $0xFFFF;
	s2 =	simm.s32 @!p0 $0x1C02  }
0x1ea: {  	[timem:s3], [sflag:s2] =	dma.local @!p0 [hbm:s0], s1  }
0x1eb: {  	s0 =	simm.s32 @!p0 $0x2  }
0x1ec: {  	_ =	swait.ge @!p0 [sflag:s0], s1  }
0x1ed: {  	s1 =	ssub.s32 @!p0 $0x0, s1;
	[sflag:s0] =	ssyncset.done @!p0 $0x0  }
0x1ee: {  	[sflag:s0] =	ssyncadd.s32 @!p0 s1  }
0x1ef: {  	[bflag:$0x3] =	sbarrier.arrive $0xFFFF  }
0x1f0: {  	_ =	shalt  }

// kernel: kernel.8.cloned.1.call-start
scs
__scs_entry_jumppad:
0x0: {  	(pc) =	sbr.rel $0x88, $3  }
0x1: {  	(tag) =	ssettag $0x0;
	lr =	simm.s32 $0x1  }
0x2: {  	[smem:$0x3F9B] =	sst lr;
	_ =	strace $0xD0000000  }
0x3: {  	_ = 	snop  }
0x4: {  	_ = 	snop  }
0x5: {  	_ = 	snop  }
0x6: {  	_ = 	snop  }
0x7: {  	_ = 	snop  }
__scs_overlays_trampoline_lowered:
0x8: {  	[smem:$0x3FAA] =	sst s0  }
0x9: {  	[smem:$0x3FAB] =	sst s1  }
0xa: {  	[smem:$0x3FAC] =	sst s2  }
0xb: {  	[smem:$0x3FAD] =	sst s3  }
0xc: {  	[smem:$0x3FAE] =	sst s4  }
0xd: {  	[smem:$0x3FAF] =	sst s5  }
0xe: {  	[smem:$0x3FB0] =	sst s6  }
0xf: {  	[smem:$0x3FB1] =	sst s7  }
0x10: {  	[smem:$0x3FB2] =	sst s8  }
0x11: {  	[smem:$0x3FB3] =	sst s9;
	s0 =	simm.s32 @!p0 $0x0  }
0x12: {  	s1 =	sld [smem:$0x3F99];
	s0 =	simm.s32 @p0 $0x1  }
0x13: {  	[smem:$0x3FB4] =	sst s0;
	s0 =	simm.s32 @!p1 $0x0  }
0x14: {  	s2 =	sld [smem:$0x3F98];
	s0 =	simm.s32 @p1 $0x1  }
0x15: {  	[smem:$0x3FB5] =	sst s0;
	s0 =	simm.s32 @!p2 $0x0  }
0x16: {  	s3 =	sld [smem:$0x3FDB];
	s0 =	simm.s32 @p2 $0x1  }
0x17: {  	s4 =	simm.s32 $0x1BF5;
	[smem:$0x3FB7] =	sst s0  }
0x18: {  	s0 =	sld [smem:$0x3F9A];
	_ =	swait.ge [sflag:s4], $0x0  }
0x19: {  	s7 =	sld [smem:$0x3F9B]  }
0x1a: {  	s8 =	sadd.s32 $0xFFFFE003, lr  }
0x1b: {  	s9 =	sadd.s32 $0xFFFFFEF7, lr;
	s5 =	simm.s32 $0xFFFFFFFF;
	p2 =	slt.u32 s8, $0xFFFFF086  }
0x1c: {  	p1 =	slt.u32 s9, $0xF7A;
	s5 =	simm.s32 @!p2 $0x0  }
0x1d: {  	s5 =	simm.s32 @p1 $0x1;
	p0 =	seq.s32 s7, s2  }
0x1e: {  	s7 =	smul.u32 @!p0 $0xF7A, s2;
	p2 =	seq.s32 @!p0 s5, $0x0  }
0x1f: {  	s9 =	smul.u32 $0xF7A, s1;
	s8 =	simm.s32 @!p0 $0x1BF5;
	p2 =	por !p2, p0  }
0x20: {  	[sflag:s8] =	ssyncset.s32 @!p0 $0xFFFFF086;
	s6 =	sadd.s32 @!p0 s3, s7;
	s7 =	simm.s32 @!p0 $0x108  }
0x21: {  	s3 =	sadd.s32 s3, s9;
	s6 =	sadd.s32 @!p0 $0x88, s6;
	s7 =	simm.s32 @p2 $0x1082  }
0x22: {  	[simem:s7], [sflag:s8] =	dma.local @!p0 [hbm:s6], $0xF7A  }
0x23: {  	s9 =	sor.u32 $0xD0000000, s2;
	s6 =	simm.s32 $0x108;
	_ =	swait.ge @!p0 [sflag:s8], $0x0  }
0x24: {  	s3 =	sadd.s32 $0x88, s3;
	s6 =	simm.s32 @!p1 $0x1082;
	[sflag:s4] =	ssyncset.s32 $0xFFFFF086  }
0x25: {  	[simem:s6], [sflag:s4] =	dma.local [hbm:s3], $0xF7A  }
0x26: {  	[smem:$0x3F9B] =	sst s1;
	(tag) =	ssettag s2;
	_ =	strace s9  }
0x27: {  	s1 =	sld [smem:$0x3FAB]  }
0x28: {  	s2 =	sld [smem:$0x3FAC]  }
0x29: {  	s4 =	sld [smem:$0x3FAE]  }
0x2a: {  	p0 =	seq.s32 s5, $0x0;
	s5 =	sld [smem:$0x3FAF]  }
0x2b: {  	s6 =	sld [smem:$0x3FB0]  }
0x2c: {  	s7 =	sld [smem:$0x3FB1]  }
0x2d: {  	s3 =	simm.s32 $0x108;
	s8 =	sld [smem:$0x3FB2]  }
0x2e: {  	s3 =	simm.s32 @!p0 $0x1082;
	s9 =	sld [smem:$0x3FB3]  }
0x2f: {  	lr =	sadd.s32 s0, s3;
	s0 =	sld [smem:$0x3FAA]  }
0x30: {  	s3 =	sld [smem:$0x3FAD]  }
0x31: {  	[smem:$0x3FB6] =	sst s10  }
0x32: {  	s10 =	sld [smem:$0x3FB4];
	_ =	sdelay $0x3  }
0x33: {  	p0 =	seq.s32 s10, $0x1;
	s10 =	sld [smem:$0x3FB6];
	_ =	sdelay $0x3  }
0x34: {  	[smem:$0x3FB6] =	sst s10  }
0x35: {  	s10 =	sld [smem:$0x3FB5];
	_ =	sdelay $0x3  }
0x36: {  	p1 =	seq.s32 s10, $0x1;
	s10 =	sld [smem:$0x3FB6];
	_ =	sdelay $0x3  }
0x37: {  	[smem:$0x3FB6] =	sst s10  }
0x38: {  	s10 =	sld [smem:$0x3FB7]  }
0x39: {  	_ = 	snop;
	(pc) =	sbr.ind lr, $3  }
0x3a: {  	_ = 	snop  }
0x3b: {  	_ = 	snop  }
0x3c: {  	p2 =	seq.s32 s10, $0x1;
	s10 =	sld [smem:$0x3FB6]  }
0x3d: {  	_ =	shalt  }
0x3e: {  	_ =	shalt  }
0x3f: {  	_ =	shalt  }
0x40: {  	_ =	shalt  }
0x41: {  	_ =	shalt  }
0x42: {  	_ =	shalt  }
0x43: {  	_ =	shalt  }
0x44: {  	_ =	shalt  }
0x45: {  	_ =	shalt  }
0x46: {  	_ =	shalt  }
0x47: {  	_ =	shalt  }
0x48: {  	_ =	shalt  }
0x49: {  	_ =	shalt  }
0x4a: {  	_ =	shalt  }
0x4b: {  	_ =	shalt  }
0x4c: {  	_ =	shalt  }
0x4d: {  	_ =	shalt  }
0x4e: {  	_ =	shalt  }
0x4f: {  	_ =	shalt  }
0x50: {  	_ =	shalt  }
0x51: {  	_ =	shalt  }
0x52: {  	_ =	shalt  }
0x53: {  	_ =	shalt  }
0x54: {  	_ =	shalt  }
0x55: {  	_ =	shalt  }
0x56: {  	_ =	shalt  }
0x57: {  	_ =	shalt  }
0x58: {  	_ =	shalt  }
0x59: {  	_ =	shalt  }
0x5a: {  	_ =	shalt  }
0x5b: {  	_ =	shalt  }
0x5c: {  	_ =	shalt  }
0x5d: {  	_ =	shalt  }
0x5e: {  	_ =	shalt  }
0x5f: {  	_ =	shalt  }
0x60: {  	_ =	shalt  }
0x61: {  	_ =	shalt  }
0x62: {  	_ =	shalt  }
0x63: {  	_ =	shalt  }
0x64: {  	_ =	shalt  }
0x65: {  	_ =	shalt  }
0x66: {  	_ =	shalt  }
0x67: {  	_ =	shalt  }
0x68: {  	_ =	shalt  }
0x69: {  	_ =	shalt  }
0x6a: {  	_ =	shalt  }
0x6b: {  	_ =	shalt  }
0x6c: {  	_ =	shalt  }
0x6d: {  	_ =	shalt  }
0x6e: {  	_ =	shalt  }
0x6f: {  	_ =	shalt  }
0x70: {  	_ =	shalt  }
0x71: {  	_ =	shalt  }
0x72: {  	_ =	shalt  }
0x73: {  	_ =	shalt  }
0x74: {  	_ =	shalt  }
0x75: {  	_ =	shalt  }
0x76: {  	_ =	shalt  }
0x77: {  	_ =	shalt  }
0x78: {  	_ =	shalt  }
0x79: {  	_ =	shalt  }
0x7a: {  	_ =	shalt  }
0x7b: {  	_ =	shalt  }
0x7c: {  	_ =	shalt  }
0x7d: {  	_ =	shalt  }
0x7e: {  	_ =	shalt  }
0x7f: {  	_ =	shalt  }
0x80: {  	_ =	shalt  }
0x81: {  	_ =	shalt  }
0x82: {  	_ =	shalt  }
0x83: {  	_ =	shalt  }
0x84: {  	_ =	shalt  }
0x85: {  	_ =	shalt  }
0x86: {  	_ =	shalt  }
0x87: {  	_ =	shalt  }
.Lfunc_end0:
.L_simem_size_0:
called_computation.1_lowered:
.L_overlay_start_0:
0x88: {  	s2 =	sld [smem:$0x3FD9]  }
0x89: {  	s3 =	sld [smem:$0x3FFE];
	_ =	sdelay $0x1  }
0x8a: {  	s1 =	srdreg.scid  }
0x8b: {  	s0 =	sand.u32 $0x1, s1  }
0x8c: {  	s17 =	sshll.u32 s0, $0xA;
	s2 =	sadd.s32 s3, s2  }
0x8d: {  	s2 =	sadd.s32 s2, s17  }
0x8e: {  	[smem:$0x3FC2] =	sst s2  }
0x8f: {  	_ = 	snop  }
0x90: {  	s18 =	sld [smem:$0x3FC7]  }
0x91: {  	s4 =	sld [smem:$0x3FC6];
	(tm) =	ssettm $0x1  }
0x92: {  	s19 =	sld [smem:$0x3FFB];
	_ =	sdelay $0x3  }
0x93: {  	_ =	strace s19  }
0x94: {  	s2 =	sld [smem:$0x3FFC];
	_ =	sdelay $0x3  }
0x95: {  	_ =	strace s2  }
0x96: {  	s2 =	sld [smem:$0x3FFD];
	_ =	sdelay $0x3  }
0x97: {  	_ =	strace s2  }
0x98: {  	_ =	strace $0x8FFFFFFF  }
0x99: {  	s20 =	sld [smem:$0x3FDB];
	_ =	sdelay $0x1  }
0x9a: {  	s5 =	simm.s32 $_scs_section_size  }
0x9b: {  	s6 =	simm.s32 $_size__tile_overlayer_lowered;
	s7 =	simm.s32 $_tile_overlayer_lowered  }
0x9c: {  	s8 =	simm.s32 $0x1BFF;
	s21 =	sshll.u32 s7, $0x1;
	s5 =	sadd.s32 s5, s20  }
0x9d: {  	s22 =	simm.s32 $0x0;
	s6 =	sshll.u32 s6, $0x1;
	s7 =	sadd.s32 s21, s5  }
0x9e: {  	[timem:s22], [sflag:s8] =	dma.local [hbm:s7], s6  }
0x9f: {  	_ =	swait.ge [sflag:s8], s6  }
0xa0: {  	s6 =	ssub.s32 $0x0, s6;
	[sflag:s8] =	ssyncset.done $0x0  }
0xa1: {  	[sflag:s8] =	ssyncadd.s32 s6;
	_ =	sdelay $0x1  }
0xa2: {  	s23 =	simm.s32 $0x1B8B  }
0xa3: {  	_ =	swait.ge [sflag:s23], $0x1  }
0xa4: {  	[sflag:s23] =	ssyncset.done $0x0  }
0xa5: {  	[sflag:s23] =	ssyncadd.s32 $0xFFFFFFFF  }
0xa6: {  	s6 =	sld [smem:$0x0]  }
0xa7: {  	s7 =	sand.u32 $0xFFFFFFFE, s1  }
0xa8: {  	p0 =	sne.s32 s1, s7  }
0xa9: {  	s7 =	sshll.u32 @p0 s7, $0xE  }
0xaa: {  	s7 =	sadd.s32 @p0 $0x11B8D, s7;
	s8 =	sshll.u32 @p0 s6, $0x11  }
0xab: {  	s7 =	sor.u32 @p0 s8, s7  }
0xac: {  	[sflag:s7] =	ssyncadd.remote.s32 @p0 $0x1;
	_ =	sdelay $0x1  }
0xad: {  	s7 =	simm.s32 @p0 $0x1B8D  }
0xae: {  	_ =	swait.eq @p0 [sflag:s7], $0x1  }
0xaf: {  	[sflag:s7] =	ssyncadd.s32 @p0 $0xFFFFFFFF  }
0xb0: {  	s8 =	sshll.u32 @!p0 s1, $0xE  }
0xb1: {  	s8 =	sor.u32 @!p0 $0x4000, s8;
	s7 =	simm.s32 @!p0 $0x1B8D  }
0xb2: {  	s6 =	sshll.u32 @!p0 s6, $0x11;
	s8 =	sadd.s32 @!p0 $0x11B8D, s8;
	_ =	swait.eq @!p0 [sflag:s7], $0x1  }
0xb3: {  	s6 =	sor.u32 @!p0 s6, s8;
	[sflag:s7] =	ssyncadd.s32 @!p0 $0xFFFFFFFF  }
0xb4: {  	s25 =	simm.s32 $0x1B8E;
	s24 =	sld [smem:$0x3FFE];
	[sflag:s6] =	ssyncadd.remote.s32 @!p0 $0x1  }
0xb5: {  	s26 =	simm.s32 $execute0_lowered;
	[smem:$0x3FD2] =	sst s25  }
0xb6: {  	s7 =	sshll.u32 s26, $0x1;
	_ =	strace $0x80000049;
	[dreg:$0x1] =	wrdreg $0xFFFFFFFF  }
0xb7: {  	s28 =	simm.s32 $_size_execute0_lowered;
	s5 =	sadd.s32 s5, s7;
	[dreg:$0x0] =	wrdreg $0x0  }
0xb8: {  	s7 =	sshll.u32 s28, $0x1;
	[dreg:$0x2] =	wrdreg s5  }
0xb9: {  	[dreg:$0x3] =	wrdreg s7  }
0xba: {  	[dreg:$0x4] =	wrdreg $0xC0  }
0xbb: {  	_ =	task [dreg:s22], $0x5FFFF  }
0xbc: {  	[dreg:$0x1] =	wrdreg $0xFFFFFFFF  }
0xbd: {  	[dreg:$0x0] =	wrdreg $0x60  }
0xbe: {  	[dreg:$0x2] =	wrdreg s18  }
0xbf: {  	[dreg:$0x3] =	wrdreg s4  }
0xc0: {  	[dreg:$0x4] =	wrdreg s24  }
0xc1: {  	[dreg:$0x5] =	wrdreg $0x98000  }
0xc2: {  	[dreg:$0x6] =	wrdreg $0xA  }
0xc3: {  	_ =	task.clear_ibuf [dreg:s22], $0x7FFFF;
	_ =	strace $0x90000049  }
0xc4: {  	s29 =	simm.s32 $0xA;
	_ =	strace $0x8000004B  }
0xc5: {  	_ =	swait.ge [sflag:s29], $0x1  }
0xc6: {  	[sflag:s29] =	ssyncadd.s32 $0xFFFFFFFF  }
0xc7: {  	_ =	strace $0x9000004B  }
0xc8: {  	_ =	sfence  }
0xc9: {  	s30 =	sld [smem:$0x0];
	_ =	sdelay $0x2  }
0xca: {  	s31 =	sshll.u32 s1, $0xD;
	s1 =	sshrl.u32 s1, $0x2  }
0xcb: {  	s4 =	sand.u32 $0x4000, s31;
	s1 =	sadd.s32 s1, s30  }
0xcc: {  	s0 =	sor.u32 s4, s0;
	s1 =	sshll.u32 s1, $0x11  }
0xcd: {  	s0 =	sor.u32 s1, s0  }
0xce: {  	s0 =	sadd.s32 $0x8F2B, s0  }
0xcf: {  	[sflag:s0] =	ssyncadd.remote.s32 $0x1  }
0xd0: {  	_ =	sfence.sel $0xFFFF  }
0xd1: {  	[dreg:$0x0] =	wrdreg $0xFFFFFFFF;
	(pc) =	sbr.abs _section_cstart, $3  }
0xd2: {  	[dreg:$0x1] =	wrdreg $0xFFFFFFFF  }
0xd3: {  	_ =	task.clear_ibuf [dreg:s22], $0x2FFFF;
	_ =	strace $0x9FFFFFFF  }
0xd4: {  	(tm) =	ssettm $0x7FFFFFFF  }
0xd5: {  	_ =	shalt  }
tec
execute0_lowered:
.L_overlay_start_1:
0x0: {  	(tag) =	ssettag $0x1  }
0x1: {  	s0 =	rddreg [dreg:$0x0]  }
0x2: {  	s1 =	rddreg [dreg:$0x1]  }
0x3: {  	s3 =	rddreg [dreg:$0x2]  }
0x4: {  	s2 =	rddreg [dreg:$0x3];
	s8 =	stileid.u32  }
0x5: {  	s5 =	simm.s32 $0x0;
	s4 =	srdreg.scid;
	s17 =	smul.u32 $0xC40, s8  }
0x6: {  	s28 =	simm.s32 $0x3200;
	s29 =	simm.s32 $0x0;
	s6 =	smul.u32 $0x4D000, s8  }
0x7: {  	[smem:$0x7FF] =	sst s5;
	s12 =	sand.u32 $0x1, s4;
	s13 =	smul.u32 $0x13400, s8  }
0x8: {  	s3 =	sadd.s32 $0xA00, s3;
	_ =	strace $0x8000004A;
	s7 =	ssub.s32 $0x2, s12  }
0x9: {  	s18 =	smul.u32 $0x7D0000, s12;
	s14 =	sshrl.u32 s7, $0x1;
	s4 =	smin.u32 s17, $0xB710  }
0xa: {  	s19 =	sshrl.u32 s6, $0x2;
	s9 =	sadd.s32 s13, s2;
	s16 =	ssub.s32 s7, s14  }
0xb: {  	s15 =	sshrl.u32 s4, $0x3;
	s20 =	sadd.s32 s13, s18;
	s7 =	sadd.s32 s19, s2  }
0xc: {  	s22 =	sadd.s32 $0x134000, s18;
	s26 =	sadd.s32 $0x4D0000, s18;
	s23 =	sadd.s32 $0x604000, s18  }
0xd: {  	s0 =	sadd.s32 s0, s15;
	s6 =	sadd.s32 s1, s15;
	s21 =	sshrl.u32 s20, $0x3  }
0xe: {  	s24 =	sadd.s32 s13, s22;
	s20 =	sadd.s32 $0x268000, s18;
	s14 =	sadd.s32 s13, s26  }
0xf: {  	v0 =	vmov s17;
	s15 =	sadd.s32 s13, s23;
	s16 =	smax.u32 s16, $0x1;
	s17 =	sadd.s32 $0x4D00, s7  }
0x10: {  	v2 =	vmov s22;
	s22 =	simm.s32 $0x4B00;
	v5 =	vmov s26;
	v6 =	vmov s23;
	s23 =	simm.s32 $0xC40;
	s26 =	simm.s32 $0x1  }
0x11: {  	[dreg:$0x5] =	wrdreg s0;
	s8 =	sadd.s32 s3, s21;
	s21 =	sadd.s32 $0x39C000, s18  }
0x12: {  	s1 =	sshrl.u32 s24, $0x3;
	s11 =	sadd.s32 s13, s20;
	s24 =	sadd.s32 $0x69C000, s18  }
0x13: {  	v1 =	vmov s18;
	s14 =	sshrl.u32 s14, $0x3;
	s30 =	sshrl.u32 s15, $0x3;
	s18 =	sadd.s32 $0x9A00, s7  }
0x14: {  	v3 =	vmov s20;
	s20 =	simm.s32 $0x2;
	s12 =	sadd.s32 s13, s21;
	s10 =	sadd.s32 s3, s1  }
0x15: {  	s25 =	sshrl.u32 s11, $0x3;
	s19 =	sadd.s32 s13, s24;
	s13 =	sadd.s32 s3, s14  }
0x16: {  	s14 =	sadd.s32 s3, s30;
	v7 =	vmov s24;
	s24 =	simm.s32 $0x2580;
	s12 =	sshrl.u32 s12, $0x3  }
0x17: {  	v8 =	vlaneseq.u32;
	s11 =	sadd.s32 s3, s25;
	s31 =	sshrl.u32 s19, $0x3;
	s19 =	sadd.s32 $0xE700, s7  }
0x18: {  	v9 =	vimm.f32 $1.000000000e+00;
	v10 =	vimm.f32 $0.0e+00;
	v4 =	vmov s21;
	s25 =	simm.s32 $0x3E80;
	s12 =	sadd.s32 s3, s12;
	s15 =	sadd.s32 s3, s31  }
.LBB2_1:
0x19: {  	s0 =	simm.s32 $0x0;
	s1 =	rddreg [dreg:$0x5]  }
0x1a: {  	[tilespmem:s0], [sflag:$0x2] =	stream.linear.gather [hbm4b:s1+s0], $0xC40, $0x38;
	[tilespmem:$0x1CC08] =	vst v63  }
0x1b: {  	_ =	swait.ge [sflag:s20], $0xC40  }
0x1c: {  	[sflag:s20] =	ssyncset.done $0x0  }
0x1d: {  	s31 =	simm.s32 $0xC80;
	[sflag:s20] =	ssyncadd.s32 $0xFFFFF3C0  }
0x1e: {  	[tilespmem:s31], [sflag:$0x2] =	stream.linear.gather [hbm4b:s6+s0], $0xC40, $0x38;
	[tilespmem:$0x1CC08] =	vst v63  }
0x1f: {  	_ =	swait.ge [sflag:s20], $0xC40  }
0x20: {  	[sflag:s20] =	ssyncset.done $0x0  }
0x21: {  	s0 =	simm.s32 $0x0;
	[sflag:s20] =	ssyncadd.s32 $0xFFFFF3C0  }
0x22: {  	v11 =	vld [tilespmem:s0+$0x0]  }
0x23: {  	v12 =	vld [tilespmem:s0+$0xC80];
	_ =	sdelay $0x2  }
0x24: {  	s3 =	simm.s32 $0x40;
	s1 =	smov.u32 s4  }
.LBB2_2:
0x25: {  	s21 =	sshra.s32 s3, $0x2;
	p0 =	sne.s32 s3, $0x30C0;
	s3 =	sadd.s32 $0x40, s3;
	v13 =	vshll.u32 v11, $0xE;
	v14 =	vor.u32 s1, v8  }
.Ltmp0:
0x26: {  	v11 =	vld [tilespmem:s21+$0x0];
	v13 =	vadd.s32 v12, v13;
	vm0 =	vlt.u32 v14, v0;
	(pc) =	sbr.rel @p0 .LBB2_2-.Ltmp0, $3  }
0x27: {  	v12 =	vld [tilespmem:s21+$0xC80];
	v13 =	vsel vm0, $0x7FFFFFF0, v13  }
0x28: {  	[tilespmem:s0+$0x1900] =	vst v13;
	s0 =	smov.u32 s21;
	_ =	sdelay $0x1  }
0x29: {  	s1 =	sadd.s32 $0x10, s1  }
0x2a: {  	v11 =	vshll.u32 v11, $0xE;
	v13 =	vor.u32 s1, v8  }
0x2b: {  	v11 =	vadd.s32 v12, v11;
	vm0 =	vlt.u32 v13, v0  }
0x2c: {  	v11 =	vsel vm0, $0x7FFFFFF0, v11  }
0x2d: {  	s1 =	simm.s32 $0x0;
	[tilespmem:s0+$0x1900] =	vst v11;
	s0 =	simm.s32 $0x40  }
.LBB2_4:
0x2e: {  	p0 =	sne.s32 s0, $0x30C0;
	[tilespmem:s1+$0x3E80] =	vst v9;
	s1 =	smov.u32 s0;
	s0 =	sadd.s32 $0x40, s0  }
.Ltmp1:
0x2f: {  	(pc) =	sbr.rel @p0 .LBB2_4-.Ltmp1, $2  }
0x30: {  	_ =	sdelay $0x2  }
0x31: {  	s1 =	sshra.s32 s1, $0x2  }
0x32: {  	[tilespmem:s1+$0x3E80] =	vst v9;
	s0 =	simm.s32 $0x40;
	s1 =	simm.s32 $0x0  }
.LBB2_6:
0x33: {  	p0 =	sne.s32 s0, $0x133C0;
	[tilespmem:s1+$0x4B00] =	vst v10;
	s1 =	smov.u32 s0;
	s0 =	sadd.s32 $0x40, s0  }
.Ltmp2:
0x34: {  	(pc) =	sbr.rel @p0 .LBB2_6-.Ltmp2, $2  }
0x35: {  	_ =	sdelay $0x2  }
0x36: {  	s1 =	sshra.s32 s1, $0x2  }
0x37: {  	[tilespmem:s1+$0x4B00] =	vst v10  }
0x38: {  	[spmem:s7] =	stream.linear.scatter [tilespmem:s22], [sflag:$0x2], $0x4D00, $0x38;
	[tilespmem:$0x1CC08] =	vst v63  }
0x39: {  	_ =	swait.ge [sflag:s20], $0x4D00  }
0x3a: {  	[sflag:s20] =	ssyncset.done $0x0  }
0x3b: {  	[sflag:s20] =	ssyncadd.s32 $0xFFFFB300  }
0x3c: {  	[spmem:s17] =	stream.linear.scatter [tilespmem:s22], [sflag:$0x2], $0x4D00, $0x38;
	[tilespmem:$0x1CC08] =	vst v63  }
0x3d: {  	_ =	swait.ge [sflag:s20], $0x4D00  }
0x3e: {  	[sflag:s20] =	ssyncset.done $0x0  }
0x3f: {  	[sflag:s20] =	ssyncadd.s32 $0xFFFFB300  }
0x40: {  	[spmem:s18] =	stream.linear.scatter [tilespmem:s22], [sflag:$0x2], $0x4D00, $0x38;
	[tilespmem:$0x1CC08] =	vst v63  }
0x41: {  	_ =	swait.ge [sflag:s20], $0x4D00  }
0x42: {  	[sflag:s20] =	ssyncset.done $0x0  }
0x43: {  	[sflag:s20] =	ssyncadd.s32 $0xFFFFB300  }
0x44: {  	[spmem:s19] =	stream.linear.scatter [tilespmem:s22], [sflag:$0x2], $0x4D00, $0x38;
	[tilespmem:$0x1CC08] =	vst v63  }
0x45: {  	_ =	swait.ge [sflag:s20], $0x4D00  }
0x46: {  	[sflag:s20] =	ssyncset.done $0x0  }
0x47: {  	[sflag:s20] =	ssyncadd.s32 $0xFFFFB300  }
0x48: {  	s0 =	simm.s32 $0x1900;
	[bflag:$0x0] =	sbarrier.arrive $0xFFFF  }
0x49: {  	v11 =	vld [tilespmem:s0+$0x0];
	_ =	sdelay $0x2  }
0x4a: {  	s31 =	simm.s32 $0x0  }
0x4b: {  	s0 =	sand.u32 $0x70, s31  }
0x4c: {  	s0 =	sor.u32 $0x134000, s0;
	v11 =	vsub.s32 v11, v1  }
0x4d: {  	v12 =	vor.u32 s0, v8;
	vm0 =	vlt.u32 v11, $0x134000  }
0x4e: {  	s0 =	simm.s32 $0x2580;
	v11 =	vsel vm0, v11, v12  }
0x4f: {  	s30 =	simm.s32 $0x1910;
	[tilespmem:s0+$0x0] =	vst v11  }
0x50: {  	s21 =	simm.s32 $0x10;
	s1 =	simm.s32 $0x20;
	v11 =	vld [tilespmem:s30+$0x0]  }
.LBB2_8:
0x51: {  	p0 =	sne.s32 s1, $0xC30;
	_ =	sdelay $0x2  }
0x52: {  	s3 =	sand.u32 $0x70, s21;
	s21 =	smov.u32 s1  }
.Ltmp3:
0x53: {  	s3 =	sor.u32 $0x134000, s3;
	v11 =	vsub.s32 v11, v1;
	(pc) =	sbr.rel @p0 .LBB2_8-.Ltmp3, $4  }
0x54: {  	v12 =	vor.u32 s3, v8;
	vm0 =	vlt.u32 v11, $0x134000  }
0x55: {  	s0 =	sadd.s32 $0x10, s0;
	v11 =	vsel vm0, v11, v12  }
0x56: {  	s30 =	sadd.s32 $0x10, s30;
	[tilespmem:s0+$0x0] =	vst v11  }
0x57: {  	s1 =	sadd.s32 $0x10, s1;
	v11 =	vld [tilespmem:s30+$0x0]  }
0x58: {  	_ =	sdelay $0x2  }
0x59: {  	s1 =	sand.u32 $0x70, s21  }
0x5a: {  	s1 =	sor.u32 $0x134000, s1;
	v11 =	vsub.s32 v11, v1  }
0x5b: {  	v12 =	vor.u32 s1, v8;
	vm0 =	vlt.u32 v11, $0x134000  }
0x5c: {  	s0 =	sadd.s32 $0x10, s0;
	v11 =	vsel vm0, v11, v12  }
0x5d: {  	[tilespmem:s0+$0x0] =	vst v11  }
0x5e: {  	[spmem:s2] =	stream.indirect.scatter.add.f32 [tilespmem:s25], [sflag:$0x2], $0x1, s24, s23, $0xb8;
	[tilespmem:$0x1CC08] =	vst v63  }
0x5f: {  	_ =	swait.ge [sflag:s20], $0xC40  }
0x60: {  	s3 =	stileid.u32;
	[sflag:s20] =	ssyncset.done $0x0  }
0x61: {  	s31 =	sshrl.u32 s9, $0x3;
	s0 =	sshll.u32 s3, $0x6;
	[sflag:s20] =	ssyncadd.s32 $0xFFFFF3C0  }
0x62: {  	s5 =	simm.s32 $0x1900;
	s30 =	sor.u32 $0x1C01, s0;
	[bflag:$0x0] =	sbarrier.arrive $0xFFFF  }
0x63: {  	[hbm:s8], [sflag:s30] =	dma.local [spmem:s31], $0x2680  }
0x64: {  	v11 =	vld [tilespmem:s5+$0x0];
	_ =	sdelay $0x2  }
0x65: {  	s21 =	simm.s32 $0x0  }
0x66: {  	s0 =	sand.u32 $0x70, s21  }
0x67: {  	s0 =	sor.u32 $0x134000, s0;
	v11 =	vsub.s32 v11, v2  }
0x68: {  	v63 =	vor.u32 s0, v8;
	vm15 =	vlt.u32 v11, $0x134000  }
0x69: {  	s0 =	simm.s32 $0x3200;
	v11 =	vsel vm15, v11, v63  }
0x6a: {  	s21 =	simm.s32 $0x1910;
	[tilespmem:s0+$0x0] =	vst v11  }
0x6b: {  	s1 =	simm.s32 $0x10;
	s3 =	simm.s32 $0x20;
	v11 =	vld [tilespmem:s21+$0x0]  }
.LBB2_10:
0x6c: {  	p0 =	sne.s32 s3, $0xC30;
	_ =	sdelay $0x2  }
0x6d: {  	s5 =	sand.u32 $0x70, s1;
	s1 =	smov.u32 s3  }
.Ltmp4:
0x6e: {  	s5 =	sor.u32 $0x134000, s5;
	v11 =	vsub.s32 v11, v2;
	(pc) =	sbr.rel @p0 .LBB2_10-.Ltmp4, $4  }
0x6f: {  	v12 =	vor.u32 s5, v8;
	vm0 =	vlt.u32 v11, $0x134000  }
0x70: {  	s0 =	sadd.s32 $0x10, s0;
	v11 =	vsel vm0, v11, v12  }
0x71: {  	s21 =	sadd.s32 $0x10, s21;
	[tilespmem:s0+$0x0] =	vst v11  }
0x72: {  	s3 =	sadd.s32 $0x10, s3;
	v11 =	vld [tilespmem:s21+$0x0]  }
0x73: {  	_ =	sdelay $0x2  }
0x74: {  	s1 =	sand.u32 $0x70, s1  }
0x75: {  	s1 =	sor.u32 $0x134000, s1;
	v11 =	vsub.s32 v11, v2  }
0x76: {  	v12 =	vor.u32 s1, v8;
	vm0 =	vlt.u32 v11, $0x134000  }
0x77: {  	s0 =	sadd.s32 $0x10, s0;
	v11 =	vsel vm0, v11, v12  }
0x78: {  	[tilespmem:s0+$0x0] =	vst v11  }
0x79: {  	_ =	swait.ge [sflag:s26], $0x2680  }
0x7a: {  	[sflag:s26] =	ssyncset.done $0x0  }
0x7b: {  	[sflag:s26] =	ssyncadd.s32 $0xFFFFD980  }
0x7c: {  	s0 =	simm.s32 $0x2580;
	[bflag:$0x0] =	sbarrier.arrive $0xFFFF  }
0x7d: {  	[spmem:s2] =	stream.indirect.scatter [tilespmem:s22], [sflag:$0x2], $0x1, s0, s23, $0xb8;
	[tilespmem:$0x1CC08] =	vst v63  }
0x7e: {  	_ =	swait.ge [sflag:s20], $0xC40  }
0x7f: {  	[sflag:s20] =	ssyncset.done $0x0  }
0x80: {  	[sflag:s20] =	ssyncadd.s32 $0xFFFFF3C0  }
0x81: {  	[bflag:$0x0] =	sbarrier.arrive $0xFFFF  }
0x82: {  	[spmem:s2] =	stream.indirect.scatter.add.f32 [tilespmem:s25], [sflag:$0x2], $0x1, s28, s23, $0xb8;
	[tilespmem:$0x1CC08] =	vst v63  }
0x83: {  	_ =	swait.ge [sflag:s20], $0xC40  }
0x84: {  	[sflag:s20] =	ssyncset.done $0x0  }
0x85: {  	[sflag:s20] =	ssyncadd.s32 $0xFFFFF3C0  }
0x86: {  	s5 =	simm.s32 $0x1900;
	[bflag:$0x0] =	sbarrier.arrive $0xFFFF  }
0x87: {  	[hbm:s10], [sflag:s30] =	dma.local [spmem:s31], $0x2680  }
0x88: {  	v11 =	vld [tilespmem:s5+$0x0];
	_ =	sdelay $0x2  }
0x89: {  	s21 =	simm.s32 $0x0  }
0x8a: {  	s1 =	sand.u32 $0x70, s21  }
0x8b: {  	s1 =	sor.u32 $0x134000, s1;
	v11 =	vsub.s32 v11, v3  }
0x8c: {  	v63 =	vor.u32 s1, v8;
	vm15 =	vlt.u32 v11, $0x134000  }
0x8d: {  	v11 =	vsel vm15, v11, v63  }
0x8e: {  	s21 =	simm.s32 $0x1910;
	[tilespmem:s0+$0x0] =	vst v11  }
0x8f: {  	s3 =	simm.s32 $0x20;
	s1 =	simm.s32 $0x10;
	v11 =	vld [tilespmem:s21+$0x0]  }
.LBB2_12:
0x90: {  	p0 =	sne.s32 s3, $0xC30;
	_ =	sdelay $0x2  }
0x91: {  	s5 =	sand.u32 $0x70, s1;
	s1 =	smov.u32 s3  }
.Ltmp5:
0x92: {  	s5 =	sor.u32 $0x134000, s5;
	v11 =	vsub.s32 v11, v3;
	(pc) =	sbr.rel @p0 .LBB2_12-.Ltmp5, $4  }
0x93: {  	v12 =	vor.u32 s5, v8;
	vm0 =	vlt.u32 v11, $0x134000  }
0x94: {  	s0 =	sadd.s32 $0x10, s0;
	v11 =	vsel vm0, v11, v12  }
0x95: {  	s21 =	sadd.s32 $0x10, s21;
	[tilespmem:s0+$0x0] =	vst v11  }
0x96: {  	s3 =	sadd.s32 $0x10, s3;
	v11 =	vld [tilespmem:s21+$0x0]  }
0x97: {  	_ =	sdelay $0x2  }
0x98: {  	s1 =	sand.u32 $0x70, s1  }
0x99: {  	s1 =	sor.u32 $0x134000, s1;
	v11 =	vsub.s32 v11, v3  }
0x9a: {  	v12 =	vor.u32 s1, v8;
	vm0 =	vlt.u32 v11, $0x134000  }
0x9b: {  	s0 =	sadd.s32 $0x10, s0;
	v11 =	vsel vm0, v11, v12  }
0x9c: {  	[tilespmem:s0+$0x0] =	vst v11  }
0x9d: {  	_ =	swait.ge [sflag:s26], $0x2680  }
0x9e: {  	[sflag:s26] =	ssyncset.done $0x0  }
0x9f: {  	[sflag:s26] =	ssyncadd.s32 $0xFFFFD980  }
0xa0: {  	s0 =	simm.s32 $0x3200;
	[bflag:$0x0] =	sbarrier.arrive $0xFFFF  }
0xa1: {  	[spmem:s2] =	stream.indirect.scatter [tilespmem:s22], [sflag:$0x2], $0x1, s0, s23, $0xb8;
	[tilespmem:$0x1CC08] =	vst v63  }
0xa2: {  	_ =	swait.ge [sflag:s20], $0xC40  }
0xa3: {  	[sflag:s20] =	ssyncset.done $0x0  }
0xa4: {  	[sflag:s20] =	ssyncadd.s32 $0xFFFFF3C0  }
0xa5: {  	[bflag:$0x0] =	sbarrier.arrive $0xFFFF  }
0xa6: {  	[spmem:s2] =	stream.indirect.scatter.add.f32 [tilespmem:s25], [sflag:$0x2], $0x1, s24, s23, $0xb8;
	[tilespmem:$0x1CC08] =	vst v63  }
0xa7: {  	_ =	swait.ge [sflag:s20], $0xC40  }
0xa8: {  	[sflag:s20] =	ssyncset.done $0x0  }
0xa9: {  	[sflag:s20] =	ssyncadd.s32 $0xFFFFF3C0  }
0xaa: {  	s5 =	simm.s32 $0x1900;
	[bflag:$0x0] =	sbarrier.arrive $0xFFFF  }
0xab: {  	[hbm:s11], [sflag:s30] =	dma.local [spmem:s31], $0x2680  }
0xac: {  	v11 =	vld [tilespmem:s5+$0x0];
	_ =	sdelay $0x2  }
0xad: {  	s21 =	simm.s32 $0x0  }
0xae: {  	s1 =	sand.u32 $0x70, s21  }
0xaf: {  	s1 =	sor.u32 $0x134000, s1;
	v11 =	vsub.s32 v11, v4  }
0xb0: {  	v63 =	vor.u32 s1, v8;
	vm15 =	vlt.u32 v11, $0x134000  }
0xb1: {  	v11 =	vsel vm15, v11, v63  }
0xb2: {  	s21 =	simm.s32 $0x1910;
	[tilespmem:s0+$0x0] =	vst v11  }
0xb3: {  	s3 =	simm.s32 $0x20;
	s1 =	simm.s32 $0x10;
	v11 =	vld [tilespmem:s21+$0x0]  }
.LBB2_14:
0xb4: {  	p0 =	sne.s32 s3, $0xC30;
	_ =	sdelay $0x2  }
0xb5: {  	s5 =	sand.u32 $0x70, s1;
	s1 =	smov.u32 s3  }
.Ltmp6:
0xb6: {  	s5 =	sor.u32 $0x134000, s5;
	v11 =	vsub.s32 v11, v4;
	(pc) =	sbr.rel @p0 .LBB2_14-.Ltmp6, $4  }
0xb7: {  	v12 =	vor.u32 s5, v8;
	vm0 =	vlt.u32 v11, $0x134000  }
0xb8: {  	s0 =	sadd.s32 $0x10, s0;
	v11 =	vsel vm0, v11, v12  }
0xb9: {  	s21 =	sadd.s32 $0x10, s21;
	[tilespmem:s0+$0x0] =	vst v11  }
0xba: {  	s3 =	sadd.s32 $0x10, s3;
	v11 =	vld [tilespmem:s21+$0x0]  }
0xbb: {  	_ =	sdelay $0x2  }
0xbc: {  	s1 =	sand.u32 $0x70, s1  }
0xbd: {  	s1 =	sor.u32 $0x134000, s1;
	v11 =	vsub.s32 v11, v4  }
0xbe: {  	v12 =	vor.u32 s1, v8;
	vm0 =	vlt.u32 v11, $0x134000  }
0xbf: {  	s0 =	sadd.s32 $0x10, s0;
	v11 =	vsel vm0, v11, v12  }
0xc0: {  	[tilespmem:s0+$0x0] =	vst v11  }
0xc1: {  	_ =	swait.ge [sflag:s26], $0x2680  }
0xc2: {  	[sflag:s26] =	ssyncset.done $0x0  }
0xc3: {  	[sflag:s26] =	ssyncadd.s32 $0xFFFFD980  }
0xc4: {  	s0 =	simm.s32 $0x2580;
	[bflag:$0x0] =	sbarrier.arrive $0xFFFF  }
0xc5: {  	[spmem:s2] =	stream.indirect.scatter [tilespmem:s22], [sflag:$0x2], $0x1, s0, s23, $0xb8;
	[tilespmem:$0x1CC08] =	vst v63  }
0xc6: {  	_ =	swait.ge [sflag:s20], $0xC40  }
0xc7: {  	[sflag:s20] =	ssyncset.done $0x0  }
0xc8: {  	[sflag:s20] =	ssyncadd.s32 $0xFFFFF3C0  }
0xc9: {  	[bflag:$0x0] =	sbarrier.arrive $0xFFFF  }
0xca: {  	[spmem:s2] =	stream.indirect.scatter.add.f32 [tilespmem:s25], [sflag:$0x2], $0x1, s28, s23, $0xb8;
	[tilespmem:$0x1CC08] =	vst v63  }
0xcb: {  	_ =	swait.ge [sflag:s20], $0xC40  }
0xcc: {  	[sflag:s20] =	ssyncset.done $0x0  }
0xcd: {  	[sflag:s20] =	ssyncadd.s32 $0xFFFFF3C0  }
0xce: {  	s5 =	simm.s32 $0x1900;
	[bflag:$0x0] =	sbarrier.arrive $0xFFFF  }
0xcf: {  	[hbm:s12], [sflag:s30] =	dma.local [spmem:s31], $0x2680  }
0xd0: {  	v11 =	vld [tilespmem:s5+$0x0];
	_ =	sdelay $0x2  }
0xd1: {  	s21 =	simm.s32 $0x0  }
0xd2: {  	s1 =	sand.u32 $0x70, s21  }
0xd3: {  	s1 =	sor.u32 $0x134000, s1;
	v11 =	vsub.s32 v11, v5  }
0xd4: {  	v63 =	vor.u32 s1, v8;
	vm15 =	vlt.u32 v11, $0x134000  }
0xd5: {  	v11 =	vsel vm15, v11, v63  }
0xd6: {  	s21 =	simm.s32 $0x1910;
	[tilespmem:s0+$0x0] =	vst v11  }
0xd7: {  	s3 =	simm.s32 $0x20;
	s1 =	simm.s32 $0x10;
	v11 =	vld [tilespmem:s21+$0x0]  }
.LBB2_16:
0xd8: {  	p0 =	sne.s32 s3, $0xC30;
	_ =	sdelay $0x2  }
0xd9: {  	s5 =	sand.u32 $0x70, s1;
	s1 =	smov.u32 s3  }
.Ltmp7:
0xda: {  	s5 =	sor.u32 $0x134000, s5;
	v11 =	vsub.s32 v11, v5;
	(pc) =	sbr.rel @p0 .LBB2_16-.Ltmp7, $4  }
0xdb: {  	v12 =	vor.u32 s5, v8;
	vm0 =	vlt.u32 v11, $0x134000  }
0xdc: {  	s0 =	sadd.s32 $0x10, s0;
	v11 =	vsel vm0, v11, v12  }
0xdd: {  	s21 =	sadd.s32 $0x10, s21;
	[tilespmem:s0+$0x0] =	vst v11  }
0xde: {  	s3 =	sadd.s32 $0x10, s3;
	v11 =	vld [tilespmem:s21+$0x0]  }
0xdf: {  	_ =	sdelay $0x2  }
0xe0: {  	s1 =	sand.u32 $0x70, s1  }
0xe1: {  	s1 =	sor.u32 $0x134000, s1;
	v11 =	vsub.s32 v11, v5  }
0xe2: {  	v12 =	vor.u32 s1, v8;
	vm0 =	vlt.u32 v11, $0x134000  }
0xe3: {  	s0 =	sadd.s32 $0x10, s0;
	v11 =	vsel vm0, v11, v12  }
0xe4: {  	[tilespmem:s0+$0x0] =	vst v11  }
0xe5: {  	_ =	swait.ge [sflag:s26], $0x2680  }
0xe6: {  	[sflag:s26] =	ssyncset.done $0x0  }
0xe7: {  	[sflag:s26] =	ssyncadd.s32 $0xFFFFD980  }
0xe8: {  	s0 =	simm.s32 $0x3200;
	[bflag:$0x0] =	sbarrier.arrive $0xFFFF  }
0xe9: {  	[spmem:s2] =	stream.indirect.scatter [tilespmem:s22], [sflag:$0x2], $0x1, s0, s23, $0xb8;
	[tilespmem:$0x1CC08] =	vst v63  }
0xea: {  	_ =	swait.ge [sflag:s20], $0xC40  }
0xeb: {  	[sflag:s20] =	ssyncset.done $0x0  }
0xec: {  	[sflag:s20] =	ssyncadd.s32 $0xFFFFF3C0  }
0xed: {  	[bflag:$0x0] =	sbarrier.arrive $0xFFFF  }
0xee: {  	[spmem:s2] =	stream.indirect.scatter.add.f32 [tilespmem:s25], [sflag:$0x2], $0x1, s24, s23, $0xb8;
	[tilespmem:$0x1CC08] =	vst v63  }
0xef: {  	_ =	swait.ge [sflag:s20], $0xC40  }
0xf0: {  	[sflag:s20] =	ssyncset.done $0x0  }
0xf1: {  	[sflag:s20] =	ssyncadd.s32 $0xFFFFF3C0  }
0xf2: {  	s5 =	simm.s32 $0x1900;
	[bflag:$0x0] =	sbarrier.arrive $0xFFFF  }
0xf3: {  	[hbm:s13], [sflag:s30] =	dma.local [spmem:s31], $0x2680  }
0xf4: {  	v11 =	vld [tilespmem:s5+$0x0];
	_ =	sdelay $0x2  }
0xf5: {  	s21 =	simm.s32 $0x0  }
0xf6: {  	s1 =	sand.u32 $0x70, s21  }
0xf7: {  	s1 =	sor.u32 $0x134000, s1;
	v11 =	vsub.s32 v11, v6  }
0xf8: {  	v63 =	vor.u32 s1, v8;
	vm15 =	vlt.u32 v11, $0x134000  }
0xf9: {  	v11 =	vsel vm15, v11, v63  }
0xfa: {  	s21 =	simm.s32 $0x1910;
	[tilespmem:s0+$0x0] =	vst v11  }
0xfb: {  	s3 =	simm.s32 $0x20;
	s1 =	simm.s32 $0x10;
	v11 =	vld [tilespmem:s21+$0x0]  }
.LBB2_18:
0xfc: {  	p0 =	sne.s32 s3, $0xC30;
	_ =	sdelay $0x2  }
0xfd: {  	s5 =	sand.u32 $0x70, s1;
	s1 =	smov.u32 s3  }
.Ltmp8:
0xfe: {  	s5 =	sor.u32 $0x134000, s5;
	v11 =	vsub.s32 v11, v6;
	(pc) =	sbr.rel @p0 .LBB2_18-.Ltmp8, $4  }
0xff: {  	v12 =	vor.u32 s5, v8;
	vm0 =	vlt.u32 v11, $0x134000  }
0x100: {  	s0 =	sadd.s32 $0x10, s0;
	v11 =	vsel vm0, v11, v12  }
0x101: {  	s21 =	sadd.s32 $0x10, s21;
	[tilespmem:s0+$0x0] =	vst v11  }
0x102: {  	s3 =	sadd.s32 $0x10, s3;
	v11 =	vld [tilespmem:s21+$0x0]  }
0x103: {  	_ =	sdelay $0x2  }
0x104: {  	s1 =	sand.u32 $0x70, s1  }
0x105: {  	s1 =	sor.u32 $0x134000, s1;
	v11 =	vsub.s32 v11, v6  }
0x106: {  	v12 =	vor.u32 s1, v8;
	vm0 =	vlt.u32 v11, $0x134000  }
0x107: {  	s0 =	sadd.s32 $0x10, s0;
	v11 =	vsel vm0, v11, v12  }
0x108: {  	[tilespmem:s0+$0x0] =	vst v11  }
0x109: {  	_ =	swait.ge [sflag:s26], $0x2680  }
0x10a: {  	[sflag:s26] =	ssyncset.done $0x0  }
0x10b: {  	[sflag:s26] =	ssyncadd.s32 $0xFFFFD980  }
0x10c: {  	s0 =	simm.s32 $0x2580;
	[bflag:$0x0] =	sbarrier.arrive $0xFFFF  }
0x10d: {  	[spmem:s2] =	stream.indirect.scatter [tilespmem:s22], [sflag:$0x2], $0x1, s0, s23, $0xb8;
	[tilespmem:$0x1CC08] =	vst v63  }
0x10e: {  	_ =	swait.ge [sflag:s20], $0xC40  }
0x10f: {  	[sflag:s20] =	ssyncset.done $0x0  }
0x110: {  	[sflag:s20] =	ssyncadd.s32 $0xFFFFF3C0  }
0x111: {  	[bflag:$0x0] =	sbarrier.arrive $0xFFFF  }
0x112: {  	[spmem:s2] =	stream.indirect.scatter.add.f32 [tilespmem:s25], [sflag:$0x2], $0x1, s28, s23, $0xb8;
	[tilespmem:$0x1CC08] =	vst v63  }
0x113: {  	_ =	swait.ge [sflag:s20], $0xC40  }
0x114: {  	[sflag:s20] =	ssyncset.done $0x0  }
0x115: {  	[sflag:s20] =	ssyncadd.s32 $0xFFFFF3C0  }
0x116: {  	s5 =	simm.s32 $0x1900;
	[bflag:$0x0] =	sbarrier.arrive $0xFFFF  }
0x117: {  	[hbm:s14], [sflag:s30] =	dma.local [spmem:s31], $0x2680  }
0x118: {  	v11 =	vld [tilespmem:s5+$0x0];
	_ =	sdelay $0x2  }
0x119: {  	s21 =	simm.s32 $0x0  }
0x11a: {  	s1 =	sand.u32 $0x70, s21  }
0x11b: {  	s1 =	sor.u32 $0x134000, s1;
	v11 =	vsub.s32 v11, v7  }
0x11c: {  	v63 =	vor.u32 s1, v8;
	vm15 =	vlt.u32 v11, $0x134000  }
0x11d: {  	v11 =	vsel vm15, v11, v63  }
0x11e: {  	s21 =	simm.s32 $0x1910;
	[tilespmem:s0+$0x0] =	vst v11  }
0x11f: {  	s3 =	simm.s32 $0x20;
	s1 =	simm.s32 $0x10;
	v11 =	vld [tilespmem:s21+$0x0]  }
.LBB2_20:
0x120: {  	p0 =	sne.s32 s3, $0xC30;
	_ =	sdelay $0x2  }
0x121: {  	s5 =	sand.u32 $0x70, s1;
	s1 =	smov.u32 s3  }
.Ltmp9:
0x122: {  	s5 =	sor.u32 $0x134000, s5;
	v11 =	vsub.s32 v11, v7;
	(pc) =	sbr.rel @p0 .LBB2_20-.Ltmp9, $4  }
0x123: {  	v12 =	vor.u32 s5, v8;
	vm0 =	vlt.u32 v11, $0x134000  }
0x124: {  	s0 =	sadd.s32 $0x10, s0;
	v11 =	vsel vm0, v11, v12  }
0x125: {  	s21 =	sadd.s32 $0x10, s21;
	[tilespmem:s0+$0x0] =	vst v11  }
0x126: {  	s3 =	sadd.s32 $0x10, s3;
	v11 =	vld [tilespmem:s21+$0x0]  }
0x127: {  	_ =	sdelay $0x2  }
0x128: {  	s1 =	sand.u32 $0x70, s1  }
0x129: {  	s1 =	sor.u32 $0x134000, s1;
	v11 =	vsub.s32 v11, v7  }
0x12a: {  	v12 =	vor.u32 s1, v8;
	vm0 =	vlt.u32 v11, $0x134000  }
0x12b: {  	s0 =	sadd.s32 $0x10, s0;
	v11 =	vsel vm0, v11, v12  }
0x12c: {  	[tilespmem:s0+$0x0] =	vst v11  }
0x12d: {  	_ =	swait.ge [sflag:s26], $0x2680  }
0x12e: {  	[sflag:s26] =	ssyncset.done $0x0  }
0x12f: {  	[sflag:s26] =	ssyncadd.s32 $0xFFFFD980  }
0x130: {  	[bflag:$0x0] =	sbarrier.arrive $0xFFFF  }
0x131: {  	[spmem:s2] =	stream.indirect.scatter [tilespmem:s22], [sflag:$0x2], $0x1, s28, s23, $0xb8;
	[tilespmem:$0x1CC08] =	vst v63  }
0x132: {  	_ =	swait.ge [sflag:s20], $0xC40  }
0x133: {  	[sflag:s20] =	ssyncset.done $0x0  }
0x134: {  	[sflag:s20] =	ssyncadd.s32 $0xFFFFF3C0  }
0x135: {  	[bflag:$0x0] =	sbarrier.arrive $0xFFFF  }
0x136: {  	[spmem:s2] =	stream.indirect.scatter.add.f32 [tilespmem:s25], [sflag:$0x2], $0x1, s24, s23, $0xb8;
	[tilespmem:$0x1CC08] =	vst v63  }
0x137: {  	_ =	swait.ge [sflag:s20], $0xC40  }
0x138: {  	[sflag:s20] =	ssyncset.done $0x0  }
0x139: {  	s29 =	sadd.s32 $0x1, s29;
	[sflag:s20] =	ssyncadd.s32 $0xFFFFF3C0  }
0x13a: {  	p0 =	sne.s32 s29, s16;
	[bflag:$0x0] =	sbarrier.arrive $0xFFFF  }
0x13b: {  	[hbm:s15], [sflag:s30] =	dma.local [spmem:s31], $0x2680  }
.Ltmp10:
0x13c: {  	_ =	swait.ge [sflag:s26], $0x2680;
	(pc) =	sbr.rel @p0 .LBB2_1-.Ltmp10, $3  }
0x13d: {  	[sflag:s26] =	ssyncset.done $0x0  }
0x13e: {  	[sflag:s26] =	ssyncadd.s32 $0xFFFFD980  }
0x13f: {  	[bflag:$0x0] =	sbarrier.arrive $0xFFFF;
	_ =	sdelay $0x1  }
0x140: {  	_ =	sfence.sel $0x180000  }
0x141: {  	[bflag:$0x0] =	sbarrier.arrive $0xFFFF  }
0x142: {  	_ =	strace $0x9000004A  }
0x143: {  	s0 =	stileid.u32;
	[bflag:$0x2] =	sbarrier.arrive $0xFFFF  }
0x144: {  	p0 =	sne.s32 s0, $0x0;
	s0 =	rddreg [dreg:$0x4]  }
0x145: {  	s0 =	sadd.s32 @!p0 $0x100000, s0  }
0x146: {  	[sflag:s0] =	ssyncadd.tile.s32 @!p0 $0x1;
	_ =	shalt  }
.Lfunc_end2:
_tile_overlayer_lowered:
.L_overlay_start_2:
0x147: {  	(tag) =	ssettag $0x2  }
0x148: {  	s0 =	rddreg [dreg:$0x0];
	s2 =	stileid.u32  }
0x149: {  	s1 =	rddreg [dreg:$0x1];
	p0 =	sne.s32 s2, $0x0  }
0x14a: {  	s3 =	rddreg [dreg:$0x2];
	[bflag:$0x3] =	sbarrier.arrive $0xFFFF;
	s2 =	simm.s32 @!p0 $0x1C02  }
0x14b: {  	[timem:s3], [sflag:s2] =	dma.local @!p0 [hbm:s0], s1  }
0x14c: {  	s0 =	simm.s32 @!p0 $0x2  }
0x14d: {  	_ =	swait.ge @!p0 [sflag:s0], s1  }
0x14e: {  	s1 =	ssub.s32 @!p0 $0x0, s1;
	[sflag:s0] =	ssyncset.done @!p0 $0x0  }
0x14f: {  	[sflag:s0] =	ssyncadd.s32 @!p0 s1  }
0x150: {  	[bflag:$0x3] =	sbarrier.arrive $0xFFFF  }
0x151: {  	_ =	shalt  }

</sc_bundles>
